<compile_context>
chip_gen: v7x
topology: tpu7x:2x2x1
jax: 0.10.2.dev20260603
libtpu: 0.0.44.dev20260713+nightly
codegen_flags: <defaults>
</compile_context>

<pallas_src>
import functools

import jax
import jax.numpy as jnp
from jax import lax
from jax.experimental import pallas as pl
from jax.experimental.pallas import tpu as pltpu
from jax.experimental.pallas import tpu_sc as plsc

NC = 2
NS = 16
L = 16

RG = 8
M_SC = 1280

TN = 128
MC = 256


def _nnd_tc_body(x_ref, y_ref, d1_ref, d2_ref, *, tn, mc):
    n = pl.program_id(1)
    x = x_ref[0]
    y = y_ref[0]
    m_total = y.shape[1]
    x0 = x[:, 0:1]
    x1 = x[:, 1:2]
    x2 = x[:, 2:3]
    rm = None
    for j in range(m_total // mc):
        ys = y[:, j * mc:(j + 1) * mc]
        d0 = x0 - ys[0:1, :]
        acc = d0 * d0
        d1 = x1 - ys[1:2, :]
        acc = acc + d1 * d1
        d2 = x2 - ys[2:3, :]
        acc = acc + d2 * d2
        rmj = jnp.min(acc, axis=1)
        rm = rmj if rm is None else jnp.minimum(rm, rmj)
        cmj = jnp.min(acc, axis=0)
        sl = pl.ds(j * mc, mc)
        prev = jnp.where(n == 0, jnp.full((mc,), jnp.inf, acc.dtype),
                         d2_ref[0, 0, sl])
        d2_ref[0, 0, sl] = jnp.minimum(prev, cmj)
    d1_ref[0, 0, pl.ds(n * tn, tn)] = rm


_DNUMS = lax.GatherDimensionNumbers(
    offset_dims=(), collapsed_slice_dims=(0,), start_index_map=(0,))


def _splat(v, lane):
    return lax.gather(v, jnp.full((L,), lane, jnp.int32)[:, None], _DNUMS,
                      slice_sizes=(1,),
                      mode=lax.GatherScatterMode.PROMISE_IN_BOUNDS)


def _nnd_sc_body(x_hbm, y_hbm, out1, out2,
                 x_ref, y_ref, cm_ref, rm_ref, tmp_ref, ob_ref, shared,
                 *, b_per_c, rows_w, m_tot, m_off):
    c = lax.axis_index("c")
    s = lax.axis_index("s")
    inf16 = jnp.full((L,), jnp.inf, jnp.float32)
    iota = lax.iota(jnp.int32, L)
    mchunks = m_tot // L
    cols_w = 128
    rw = m_tot // cols_w
    assert rw <= NS

    for bl in range(b_per_c):
        b = c * b_per_c + bl
        pltpu.sync_copy(y_hbm.at[b, :, pl.ds(m_off, m_tot)], y_ref)
        pltpu.sync_copy(x_hbm.at[b, s], x_ref)

        @plsc.parallel_loop(0, mchunks)
        def _init(i):
            cm_ref[pl.ds(i * L, L)] = inf16

        def group_body(g, carry):
            r0 = g * RG
            cb = (r0 // L) * L
            xv = [x_ref[pl.ds(d * rows_w + cb, L)] for d in range(3)]
            bc = [[_splat(xv[d], r0 % L + r) for d in range(3)]
                  for r in range(RG)]

            @plsc.parallel_loop(0, mchunks, carry=(inf16,) * RG, unroll=2)
            def rms(i, rms_c):
                off = i * L
                y0 = y_ref[0, pl.ds(off, L)]
                y1 = y_ref[1, pl.ds(off, L)]
                y2 = y_ref[2, pl.ds(off, L)]
                out = []
                ts = []
                for r in range(RG):
                    d0 = y0 - bc[r][0]
                    t = d0 * d0
                    d1 = y1 - bc[r][1]
                    t = t + d1 * d1
                    d2 = y2 - bc[r][2]
                    t = t + d2 * d2
                    out.append(jnp.minimum(rms_c[r], t))
                    ts.append(t)
                while len(ts) > 1:
                    ts = [jnp.minimum(ts[2 * k], ts[2 * k + 1])
                          for k in range(len(ts) // 2)]
                cm_ref[pl.ds(off, L)] = jnp.minimum(cm_ref[pl.ds(off, L)],
                                                    ts[0])
                return tuple(out)

            rv = rm_ref[pl.ds(cb, L)]
            base_lane = r0 % L
            for r in range(RG):
                mn = rms[r]
                for sh in (8, 4, 2, 1):
                    idx = (iota + sh) & (L - 1)
                    rot = lax.gather(
                        mn, idx[:, None], _DNUMS, slice_sizes=(1,),
                        mode=lax.GatherScatterMode.PROMISE_IN_BOUNDS)
                    mn = jnp.minimum(mn, rot)
                rv = jnp.where(iota == base_lane + r, mn, rv)
            rm_ref[pl.ds(cb, L)] = rv
            return carry

        lax.fori_loop(0, rows_w // RG, group_body, 0)

        pltpu.sync_copy(rm_ref, out1.at[b, pl.ds(s * rows_w, rows_w)])

        pltpu.sync_copy(cm_ref, shared.at[s])
        plsc.subcore_barrier()

        @pl.when(s < rw)
        def _reduce():
            pltpu.sync_copy(shared.at[:, pl.ds(s * cols_w, cols_w)],
                            tmp_ref)

            def red_body(j, carry):
                acc = tmp_ref[0, pl.ds(j * L, L)]
                for i in range(1, NS):
                    acc = jnp.minimum(acc, tmp_ref[i, pl.ds(j * L, L)])
                ob_ref[pl.ds(j * L, L)] = acc
                return carry
            lax.fori_loop(0, cols_w // L, red_body, 0)

            pltpu.sync_copy(ob_ref, out2.at[b, pl.ds(s * cols_w, cols_w)])

        plsc.subcore_barrier()


@jax.jit
def kernel(input1, input2):
    b, n, _ = input1.shape
    m = input2.shape[1]
    m_tc = m - M_SC
    rows_w = n // NS
    b_per_c = b // NC

    yt = input2.transpose(0, 2, 1)

    d1t, d2t = pl.pallas_call(
        functools.partial(_nnd_tc_body, tn=TN, mc=MC),
        grid=(b, n // TN),
        in_specs=[
            pl.BlockSpec((1, TN, 3), lambda b_, n_: (b_, n_, 0)),
            pl.BlockSpec((1, 3, m_tc), lambda b_, n_: (b_, 0, 0)),
        ],
        out_specs=[
            pl.BlockSpec((1, 1, n), lambda b_, n_: (b_, 0, 0)),
            pl.BlockSpec((1, 1, m_tc), lambda b_, n_: (b_, 0, 0)),
        ],
        out_shape=[
            jax.ShapeDtypeStruct((b, 1, n), jnp.float32),
            jax.ShapeDtypeStruct((b, 1, m_tc), jnp.float32),
        ],
    )(input1, yt)

    xt = input1.transpose(0, 2, 1)
    xw = xt.reshape(b, 3, NS, rows_w).transpose(0, 2, 1, 3)
    xw = xw.reshape(b, NS, 3 * rows_w)
    mesh = plsc.VectorSubcoreMesh(core_axis_name="c", subcore_axis_name="s",
                                  num_cores=NC, num_subcores=NS)
    body = functools.partial(_nnd_sc_body, b_per_c=b_per_c,
                             rows_w=rows_w, m_tot=M_SC, m_off=m_tc)
    d1s, d2s = pl.kernel(
        body,
        out_type=[jax.ShapeDtypeStruct((b, n), jnp.float32),
                  jax.ShapeDtypeStruct((b, M_SC), jnp.float32)],
        mesh=mesh,
        scratch_types=[
            pltpu.VMEM((3 * rows_w,), jnp.float32),
            pltpu.VMEM((3, M_SC), jnp.float32),
            pltpu.VMEM((M_SC,), jnp.float32),
            pltpu.VMEM((rows_w,), jnp.float32),
            pltpu.VMEM((NS, 128), jnp.float32),
            pltpu.VMEM((128,), jnp.float32),
            pltpu.VMEM_SHARED((NS, M_SC), jnp.float32),
        ],
    )(xw, yt)

    d1 = jnp.minimum(d1t.reshape(b, n), d1s)
    d2 = jnp.concatenate([d2t.reshape(b, m_tc), d2s], axis=1)
    return d1, d2

# --- scband reference (transcript-rebuilt; emitter-appended) ---
"""Pipeline reference for scband-nndmodule-42210938585527 (READ-ONLY COPY).

The authoritative reference and input builder live on the scoring server;
editing this copy changes nothing except your own understanding.
"""

import jax, jax.numpy as jnp
import numpy as np


def setup_inputs(seed: int = 0) -> dict:
    key = jax.random.key(seed)
    k1, k2 = jax.random.split(key, 2)
    input1 = jax.random.normal(k1, (4, 4096, 3), dtype=jnp.float32)
    input2 = jax.random.normal(k2, (4, 4096, 3), dtype=jnp.float32)
    return {"input1": input1, "input2": input2}


def reference(input1, input2):
    # NNDFunction: for each point in input1, squared distance to its nearest
    # neighbor in input2, and vice versa (Chamfer-distance kernel).
    # input1: [B, N, 3], input2: [B, M, 3]
    diff = input1[:, :, None, :] - input2[:, None, :, :]   # [B, N, M, 3]
    sqd = jnp.sum(diff * diff, axis=-1)                     # [B, N, M]
    dist1 = jnp.min(sqd, axis=2)                            # [B, N]
    dist2 = jnp.min(sqd, axis=1)                            # [B, M]
    return dist1, dist2

if __name__ == "__main__":
    import jax
    _d = setup_inputs()
    print(jax.jit(kernel)(*tuple(_d.values())))

</pallas_src>

<mosaic_0001>
#map = affine_map<(d0, d1) -> (0, 0, 0)>
#map1 = affine_map<(d0, d1) -> (0, 0)>
module attributes {stable_mosaic.version = 14 : i64} {
  func.func @_nnd_sc_body(%arg0: i32, %arg1: i32, %arg2: memref<4x16x768xf32, #tpu.memory_space<hbm>>, %arg3: memref<4x3x4096xf32, #tpu.memory_space<hbm>>, %arg4: memref<4x4096xf32, #tpu.memory_space<hbm>>, %arg5: memref<4x1280xf32, #tpu.memory_space<hbm>>, %arg6: memref<768xf32, #tpu.memory_space<vmem>>, %arg7: memref<3x1280xf32, #tpu.memory_space<vmem>>, %arg8: memref<1280xf32, #tpu.memory_space<vmem>>, %arg9: memref<256xf32, #tpu.memory_space<vmem>>, %arg10: memref<16x128xf32, #tpu.memory_space<vmem>>, %arg11: memref<128xf32, #tpu.memory_space<vmem>>, %arg12: memref<16x1280xf32, #tpu.memory_space<vmem_shared>>) attributes {dimension_semantics = [#tpu.dimension_semantics<core_parallel>, #tpu.dimension_semantics<subcore_parallel>], iteration_bounds = array<i64: 2, 16>, scalar_prefetch = 0 : i64, scratch_operands = 7 : i64, tpu.core_type = #tpu.core_type<sc_vector_subcore>, window_params = [{transform_indices = #map}, {transform_indices = #map}, {transform_indices = #map1}, {transform_indices = #map1}]} {
    %broadcast_in_dim3A = arith.constant 0x7F800000 : f32
    %broadcast_in_dim3A_0 = vector.broadcast %broadcast_in_dim3A : f32 to vector<16xf32>
    %iota3A = tpu.iota {dimensions = array<i32: 0>} : vector<16xi32>
    %mul3A = arith.constant 2 : i32
    %mul3A_1 = arith.muli %arg0, %mul3A : i32
    %add3A = arith.constant 0 : i32
    %add3A_2 = arith.addi %mul3A_1, %add3A : i32
    "tpu.region"() ({
      %run_scoped3A = tpu.sem_alloc : memref<!tpu.dma_semaphore, #tpu.memory_space<semaphore_mem>>
      %dma_start3A = arith.constant 0 : i32
      %dma_start3A_37 = arith.constant 2816 : i32
      %dma_start3A_38 = tpu.memref_slice %arg3[%add3A_2, %dma_start3A, %dma_start3A_37] : memref<4x3x4096xf32, #tpu.memory_space<hbm>> -> memref<1x3x1280xf32, #tpu.memory_space<hbm>>
      %dma_start3A_39 = tpu.memref_squeeze %dma_start3A_38 : memref<1x3x1280xf32, #tpu.memory_space<hbm>> -> memref<3x1280xf32, #tpu.memory_space<hbm>>
      %dma_start3A_40 = arith.constant 0 : i32
      %dma_start3A_41 = arith.constant 2816 : i32
      %dma_start3A_42 = tpu.memref_slice %arg3[%add3A_2, %dma_start3A_40, %dma_start3A_41] : memref<4x3x4096xf32, #tpu.memory_space<hbm>> -> memref<1x3x1280xf32, #tpu.memory_space<hbm>>
      %dma_start3A_43 = tpu.memref_squeeze %dma_start3A_42 : memref<1x3x1280xf32, #tpu.memory_space<hbm>> -> memref<3x1280xf32, #tpu.memory_space<hbm>>
      tpu.enqueue_dma source(%dma_start3A_43 : memref<3x1280xf32, #tpu.memory_space<hbm>>) target(%arg7 : memref<3x1280xf32, #tpu.memory_space<vmem>>) target_semaphore(%run_scoped3A : memref<!tpu.dma_semaphore, #tpu.memory_space<semaphore_mem>>)
      %dma_wait3A = arith.constant 0 : i32
      %dma_wait3A_44 = arith.constant 2816 : i32
      %dma_wait3A_45 = tpu.memref_slice %arg3[%add3A_2, %dma_wait3A, %dma_wait3A_44] : memref<4x3x4096xf32, #tpu.memory_space<hbm>> -> memref<1x3x1280xf32, #tpu.memory_space<hbm>>
      %dma_wait3A_46 = tpu.memref_squeeze %dma_wait3A_45 : memref<1x3x1280xf32, #tpu.memory_space<hbm>> -> memref<3x1280xf32, #tpu.memory_space<hbm>>
      %dma_wait3A_47 = arith.constant 0 : i32
      %dma_wait3A_48 = arith.constant 2816 : i32
      %dma_wait3A_49 = tpu.memref_slice %arg3[%add3A_2, %dma_wait3A_47, %dma_wait3A_48] : memref<4x3x4096xf32, #tpu.memory_space<hbm>> -> memref<1x3x1280xf32, #tpu.memory_space<hbm>>
      %dma_wait3A_50 = tpu.memref_squeeze %dma_wait3A_49 : memref<1x3x1280xf32, #tpu.memory_space<hbm>> -> memref<3x1280xf32, #tpu.memory_space<hbm>>
      tpu.wait_dma2 semaphore(%run_scoped3A : memref<!tpu.dma_semaphore, #tpu.memory_space<semaphore_mem>>) src(%dma_wait3A_50 : memref<3x1280xf32, #tpu.memory_space<hbm>>) dst(%arg7 : memref<3x1280xf32, #tpu.memory_space<vmem>>)
      tpu.yield
    }) : () -> ()
    "tpu.region"() ({
      %run_scoped3A = tpu.sem_alloc : memref<!tpu.dma_semaphore, #tpu.memory_space<semaphore_mem>>
      %dma_start3A = arith.constant 0 : i32
      %dma_start3A_37 = tpu.memref_slice %arg2[%add3A_2, %arg1, %dma_start3A] : memref<4x16x768xf32, #tpu.memory_space<hbm>> -> memref<1x1x768xf32, #tpu.memory_space<hbm>>
      %dma_start3A_38 = tpu.memref_squeeze %dma_start3A_37 : memref<1x1x768xf32, #tpu.memory_space<hbm>> -> memref<768xf32, #tpu.memory_space<hbm>>
      %dma_start3A_39 = arith.constant 0 : i32
      %dma_start3A_40 = tpu.memref_slice %arg2[%add3A_2, %arg1, %dma_start3A_39] : memref<4x16x768xf32, #tpu.memory_space<hbm>> -> memref<1x1x768xf32, #tpu.memory_space<hbm>>
      %dma_start3A_41 = tpu.memref_squeeze %dma_start3A_40 : memref<1x1x768xf32, #tpu.memory_space<hbm>> -> memref<768xf32, #tpu.memory_space<hbm>>
      tpu.enqueue_dma source(%dma_start3A_41 : memref<768xf32, #tpu.memory_space<hbm>>) target(%arg6 : memref<768xf32, #tpu.memory_space<vmem>>) target_semaphore(%run_scoped3A : memref<!tpu.dma_semaphore, #tpu.memory_space<semaphore_mem>>)
      %dma_wait3A = arith.constant 0 : i32
      %dma_wait3A_42 = tpu.memref_slice %arg2[%add3A_2, %arg1, %dma_wait3A] : memref<4x16x768xf32, #tpu.memory_space<hbm>> -> memref<1x1x768xf32, #tpu.memory_space<hbm>>
      %dma_wait3A_43 = tpu.memref_squeeze %dma_wait3A_42 : memref<1x1x768xf32, #tpu.memory_space<hbm>> -> memref<768xf32, #tpu.memory_space<hbm>>
      %dma_wait3A_44 = arith.constant 0 : i32
      %dma_wait3A_45 = tpu.memref_slice %arg2[%add3A_2, %arg1, %dma_wait3A_44] : memref<4x16x768xf32, #tpu.memory_space<hbm>> -> memref<1x1x768xf32, #tpu.memory_space<hbm>>
      %dma_wait3A_46 = tpu.memref_squeeze %dma_wait3A_45 : memref<1x1x768xf32, #tpu.memory_space<hbm>> -> memref<768xf32, #tpu.memory_space<hbm>>
      tpu.wait_dma2 semaphore(%run_scoped3A : memref<!tpu.dma_semaphore, #tpu.memory_space<semaphore_mem>>) src(%dma_wait3A_46 : memref<768xf32, #tpu.memory_space<hbm>>) dst(%arg6 : memref<768xf32, #tpu.memory_space<vmem>>)
      tpu.yield
    }) : () -> ()
    %parallel_loop3A = arith.constant 0 : i32
    %parallel_loop3A_3 = arith.constant 80 : i32
    %parallel_loop3A_4 = arith.constant 1 : i32
    scf.for %parallel_loop3A_37 = %parallel_loop3A to %parallel_loop3A_3 step %parallel_loop3A_4  : i32 {
      %parallel_loop3A_38 = arith.constant 16 : i32
      %parallel_loop3A_39 = arith.muli %parallel_loop3A_37, %parallel_loop3A_38 : i32
      %parallel_loop3A_40 = arith.index_cast %parallel_loop3A_39 : i32 to index
      %parallel_loop3A_41 = tpu.vector_load %arg8[%parallel_loop3A_40] {strides = array<i32>} : memref<1280xf32, #tpu.memory_space<vmem>>, vector<16xf32>,
      %parallel_loop3A_42 = vector.shape_cast %parallel_loop3A_41 : vector<16xf32> to vector<16xf32>
      %parallel_loop3A_43 = vector.shape_cast %broadcast_in_dim3A_0 : vector<16xf32> to vector<16xf32>
      tpu.vector_store %arg8[%parallel_loop3A_40], %parallel_loop3A_43 {strides = array<i32>} : memref<1280xf32, #tpu.memory_space<vmem>>, vector<16xf32>,
    } {sc.loop_unroll_factor = 1 : i64, sc.parallel_access}
    %scan3A = arith.constant 0 : i32
    %scan3A_5 = arith.constant 0 : i32
    %scan3A_6 = arith.constant 32 : i32
    %scan3A_7 = arith.addi %scan3A_5, %scan3A_6 : i32
    %scan3A_8 = arith.constant 1 : i32
    scf.for %scan3A_37 = %scan3A_5 to %scan3A_7 step %scan3A_8  : i32 {
      %mul3A_38 = arith.constant 8 : i32
      %mul3A_39 = arith.muli %scan3A_37, %mul3A_38 : i32
      %jit3A = arith.constant 16 : i32
      %div3A = arith.divsi %mul3A_39, %jit3A : i32
      %sign3A = arith.constant 0 : i32
      %sign3A_40 = arith.cmpi sgt, %mul3A_39, %sign3A : i32
      %sign3A_41 = arith.extui %sign3A_40 : i1 to i32
      %sign3A_42 = arith.constant 0 : i32
      %sign3A_43 = arith.cmpi slt, %mul3A_39, %sign3A_42 : i32
      %sign3A_44 = arith.extui %sign3A_43 : i1 to i32
      %sign3A_45 = arith.subi %sign3A_41, %sign3A_44 : i32
      %sign3A_46 = arith.constant 0 : i32
      %sign3A_47 = arith.cmpi sgt, %jit3A, %sign3A_46 : i32
      %sign3A_48 = arith.extui %sign3A_47 : i1 to i32
      %sign3A_49 = arith.constant 0 : i32
      %sign3A_50 = arith.cmpi slt, %jit3A, %sign3A_49 : i32
      %sign3A_51 = arith.extui %sign3A_50 : i1 to i32
      %sign3A_52 = arith.subi %sign3A_48, %sign3A_51 : i32
      %ne3A = arith.cmpi ne, %sign3A_45, %sign3A_52 : i32
      %rem3A = arith.remsi %mul3A_39, %jit3A : i32
      %ne3A_53 = arith.constant 0 : i32
      %ne3A_54 = arith.cmpi ne, %rem3A, %ne3A_53 : i32
      %and3A = arith.andi %ne3A, %ne3A_54 : i1
      %sub3A = arith.constant 1 : i32
      %sub3A_55 = arith.subi %div3A, %sub3A : i32
      %select_n3A = arith.select %and3A, %sub3A_55, %div3A : i32
      %mul3A_56 = arith.constant 16 : i32
      %mul3A_57 = arith.muli %select_n3A, %mul3A_56 : i32
      %add3A_58 = arith.constant 0 : i32
      %add3A_59 = arith.addi %add3A_58, %mul3A_57 : i32
      %get3A = arith.index_cast %add3A_59 : i32 to index
      %get3A_60 = tpu.vector_load %arg6[%get3A] {strides = array<i32>} : memref<768xf32, #tpu.memory_space<vmem>>, vector<16xf32>,
      %get3A_61 = vector.shape_cast %get3A_60 : vector<16xf32> to vector<16xf32>
      %add3A_62 = arith.constant 256 : i32
      %add3A_63 = arith.addi %add3A_62, %mul3A_57 : i32
      %get3A_64 = arith.index_cast %add3A_63 : i32 to index
      %get3A_65 = tpu.vector_load %arg6[%get3A_64] {strides = array<i32>} : memref<768xf32, #tpu.memory_space<vmem>>, vector<16xf32>,
      %get3A_66 = vector.shape_cast %get3A_65 : vector<16xf32> to vector<16xf32>
      %add3A_67 = arith.constant 512 : i32
      %add3A_68 = arith.addi %add3A_67, %mul3A_57 : i32
      %get3A_69 = arith.index_cast %add3A_68 : i32 to index
      %get3A_70 = tpu.vector_load %arg6[%get3A_69] {strides = array<i32>} : memref<768xf32, #tpu.memory_space<vmem>>, vector<16xf32>,
      %get3A_71 = vector.shape_cast %get3A_70 : vector<16xf32> to vector<16xf32>
      %jit3A_72 = arith.constant 16 : i32
      %eq3A = arith.constant 0 : i32
      %eq3A_73 = arith.cmpi eq, %jit3A_72, %eq3A : i32
      %jit3A_74 = arith.constant 1 : i32
      %select_n3A_75 = arith.select %eq3A_73, %jit3A_74, %jit3A_72 : i32
      %rem3A_76 = arith.remsi %mul3A_39, %select_n3A_75 : i32
      %ne3A_77 = arith.constant 0 : i32
      %ne3A_78 = arith.cmpi ne, %rem3A_76, %ne3A_77 : i32
      %lt3A_79 = arith.constant 0 : i32
      %lt3A_80 = arith.cmpi slt, %rem3A_76, %lt3A_79 : i32
      %lt3A_81 = arith.constant 0 : i32
      %lt3A_82 = arith.cmpi slt, %select_n3A_75, %lt3A_81 : i32
      %ne3A_83 = arith.xori %lt3A_80, %lt3A_82 : i1
      %and3A_84 = arith.andi %ne3A_83, %ne3A_78 : i1
      %add3A_85 = arith.addi %rem3A_76, %select_n3A_75 : i32
      %select_n3A_86 = arith.select %and3A_84, %add3A_85, %rem3A_76 : i32
      %add3A_87 = arith.constant 0 : i32
      %add3A_88 = arith.addi %select_n3A_86, %add3A_87 : i32
      %broadcast_in_dim3A_89 = vector.broadcast %add3A_88 : i32 to vector<16xi32>
      %broadcast_in_dim3A_90 = vector.shape_cast %broadcast_in_dim3A_89 : vector<16xi32> to vector<16x1xi32>
      %gather3A = vector.shape_cast %broadcast_in_dim3A_90 : vector<16x1xi32> to vector<16xi32>
      %gather3A_91 = tpu.dynamic_gather %get3A_61[%gather3A] in [0] : vector<16xf32>, vector<16xi32> -> vector<16xf32>
      %jit3A_92 = arith.constant 16 : i32
      %eq3A_93 = arith.constant 0 : i32
      %eq3A_94 = arith.cmpi eq, %jit3A_92, %eq3A_93 : i32
      %jit3A_95 = arith.constant 1 : i32
      %select_n3A_96 = arith.select %eq3A_94, %jit3A_95, %jit3A_92 : i32
      %rem3A_97 = arith.remsi %mul3A_39, %select_n3A_96 : i32
      %ne3A_98 = arith.constant 0 : i32
      %ne3A_99 = arith.cmpi ne, %rem3A_97, %ne3A_98 : i32
      %lt3A_100 = arith.constant 0 : i32
      %lt3A_101 = arith.cmpi slt, %rem3A_97, %lt3A_100 : i32
      %lt3A_102 = arith.constant 0 : i32
      %lt3A_103 = arith.cmpi slt, %select_n3A_96, %lt3A_102 : i32
      %ne3A_104 = arith.xori %lt3A_101, %lt3A_103 : i1
      %and3A_105 = arith.andi %ne3A_104, %ne3A_99 : i1
      %add3A_106 = arith.addi %rem3A_97, %select_n3A_96 : i32
      %select_n3A_107 = arith.select %and3A_105, %add3A_106, %rem3A_97 : i32
      %add3A_108 = arith.constant 0 : i32
      %add3A_109 = arith.addi %select_n3A_107, %add3A_108 : i32
      %broadcast_in_dim3A_110 = vector.broadcast %add3A_109 : i32 to vector<16xi32>
      %broadcast_in_dim3A_111 = vector.shape_cast %broadcast_in_dim3A_110 : vector<16xi32> to vector<16x1xi32>
      %gather3A_112 = vector.shape_cast %broadcast_in_dim3A_111 : vector<16x1xi32> to vector<16xi32>
      %gather3A_113 = tpu.dynamic_gather %get3A_66[%gather3A_112] in [0] : vector<16xf32>, vector<16xi32> -> vector<16xf32>
      %jit3A_114 = arith.constant 16 : i32
      %eq3A_115 = arith.constant 0 : i32
      %eq3A_116 = arith.cmpi eq, %jit3A_114, %eq3A_115 : i32
      %jit3A_117 = arith.constant 1 : i32
      %select_n3A_118 = arith.select %eq3A_116, %jit3A_117, %jit3A_114 : i32
      %rem3A_119 = arith.remsi %mul3A_39, %select_n3A_118 : i32
      %ne3A_120 = arith.constant 0 : i32
      %ne3A_121 = arith.cmpi ne, %rem3A_119, %ne3A_120 : i32
      %lt3A_122 = arith.constant 0 : i32
      %lt3A_123 = arith.cmpi slt, %rem3A_119, %lt3A_122 : i32
      %lt3A_124 = arith.constant 0 : i32
      %lt3A_125 = arith.cmpi slt, %select_n3A_118, %lt3A_124 : i32
      %ne3A_126 = arith.xori %lt3A_123, %lt3A_125 : i1
      %and3A_127 = arith.andi %ne3A_126, %ne3A_121 : i1
      %add3A_128 = arith.addi %rem3A_119, %select_n3A_118 : i32
      %select_n3A_129 = arith.select %and3A_127, %add3A_128, %rem3A_119 : i32
      %add3A_130 = arith.constant 0 : i32
      %add3A_131 = arith.addi %select_n3A_129, %add3A_130 : i32
      %broadcast_in_dim3A_132 = vector.broadcast %add3A_131 : i32 to vector<16xi32>
      %broadcast_in_dim3A_133 = vector.shape_cast %broadcast_in_dim3A_132 : vector<16xi32> to vector<16x1xi32>
      %gather3A_134 = vector.shape_cast %broadcast_in_dim3A_133 : vector<16x1xi32> to vector<16xi32>
      %gather3A_135 = tpu.dynamic_gather %get3A_71[%gather3A_134] in [0] : vector<16xf32>, vector<16xi32> -> vector<16xf32>
      %jit3A_136 = arith.constant 16 : i32
      %eq3A_137 = arith.constant 0 : i32
      %eq3A_138 = arith.cmpi eq, %jit3A_136, %eq3A_137 : i32
      %jit3A_139 = arith.constant 1 : i32
      %select_n3A_140 = arith.select %eq3A_138, %jit3A_139, %jit3A_136 : i32
      %rem3A_141 = arith.remsi %mul3A_39, %select_n3A_140 : i32
      %ne3A_142 = arith.constant 0 : i32
      %ne3A_143 = arith.cmpi ne, %rem3A_141, %ne3A_142 : i32
      %lt3A_144 = arith.constant 0 : i32
      %lt3A_145 = arith.cmpi slt, %rem3A_141, %lt3A_144 : i32
      %lt3A_146 = arith.constant 0 : i32
      %lt3A_147 = arith.cmpi slt, %select_n3A_140, %lt3A_146 : i32
      %ne3A_148 = arith.xori %lt3A_145, %lt3A_147 : i1
      %and3A_149 = arith.andi %ne3A_148, %ne3A_143 : i1
      %add3A_150 = arith.addi %rem3A_141, %select_n3A_140 : i32
      %select_n3A_151 = arith.select %and3A_149, %add3A_150, %rem3A_141 : i32
      %add3A_152 = arith.constant 1 : i32
      %add3A_153 = arith.addi %select_n3A_151, %add3A_152 : i32
      %broadcast_in_dim3A_154 = vector.broadcast %add3A_153 : i32 to vector<16xi32>
      %broadcast_in_dim3A_155 = vector.shape_cast %broadcast_in_dim3A_154 : vector<16xi32> to vector<16x1xi32>
      %gather3A_156 = vector.shape_cast %broadcast_in_dim3A_155 : vector<16x1xi32> to vector<16xi32>
      %gather3A_157 = tpu.dynamic_gather %get3A_61[%gather3A_156] in [0] : vector<16xf32>, vector<16xi32> -> vector<16xf32>
      %jit3A_158 = arith.constant 16 : i32
      %eq3A_159 = arith.constant 0 : i32
      %eq3A_160 = arith.cmpi eq, %jit3A_158, %eq3A_159 : i32
      %jit3A_161 = arith.constant 1 : i32
      %select_n3A_162 = arith.select %eq3A_160, %jit3A_161, %jit3A_158 : i32
      %rem3A_163 = arith.remsi %mul3A_39, %select_n3A_162 : i32
      %ne3A_164 = arith.constant 0 : i32
      %ne3A_165 = arith.cmpi ne, %rem3A_163, %ne3A_164 : i32
      %lt3A_166 = arith.constant 0 : i32
      %lt3A_167 = arith.cmpi slt, %rem3A_163, %lt3A_166 : i32
      %lt3A_168 = arith.constant 0 : i32
      %lt3A_169 = arith.cmpi slt, %select_n3A_162, %lt3A_168 : i32
      %ne3A_170 = arith.xori %lt3A_167, %lt3A_169 : i1
      %and3A_171 = arith.andi %ne3A_170, %ne3A_165 : i1
      %add3A_172 = arith.addi %rem3A_163, %select_n3A_162 : i32
      %select_n3A_173 = arith.select %and3A_171, %add3A_172, %rem3A_163 : i32
      %add3A_174 = arith.constant 1 : i32
      %add3A_175 = arith.addi %select_n3A_173, %add3A_174 : i32
      %broadcast_in_dim3A_176 = vector.broadcast %add3A_175 : i32 to vector<16xi32>
      %broadcast_in_dim3A_177 = vector.shape_cast %broadcast_in_dim3A_176 : vector<16xi32> to vector<16x1xi32>
      %gather3A_178 = vector.shape_cast %broadcast_in_dim3A_177 : vector<16x1xi32> to vector<16xi32>
      %gather3A_179 = tpu.dynamic_gather %get3A_66[%gather3A_178] in [0] : vector<16xf32>, vector<16xi32> -> vector<16xf32>
      %jit3A_180 = arith.constant 16 : i32
      %eq3A_181 = arith.constant 0 : i32
      %eq3A_182 = arith.cmpi eq, %jit3A_180, %eq3A_181 : i32
      %jit3A_183 = arith.constant 1 : i32
      %select_n3A_184 = arith.select %eq3A_182, %jit3A_183, %jit3A_180 : i32
      %rem3A_185 = arith.remsi %mul3A_39, %select_n3A_184 : i32
      %ne3A_186 = arith.constant 0 : i32
      %ne3A_187 = arith.cmpi ne, %rem3A_185, %ne3A_186 : i32
      %lt3A_188 = arith.constant 0 : i32
      %lt3A_189 = arith.cmpi slt, %rem3A_185, %lt3A_188 : i32
      %lt3A_190 = arith.constant 0 : i32
      %lt3A_191 = arith.cmpi slt, %select_n3A_184, %lt3A_190 : i32
      %ne3A_192 = arith.xori %lt3A_189, %lt3A_191 : i1
      %and3A_193 = arith.andi %ne3A_192, %ne3A_187 : i1
      %add3A_194 = arith.addi %rem3A_185, %select_n3A_184 : i32
      %select_n3A_195 = arith.select %and3A_193, %add3A_194, %rem3A_185 : i32
      %add3A_196 = arith.constant 1 : i32
      %add3A_197 = arith.addi %select_n3A_195, %add3A_196 : i32
      %broadcast_in_dim3A_198 = vector.broadcast %add3A_197 : i32 to vector<16xi32>
      %broadcast_in_dim3A_199 = vector.shape_cast %broadcast_in_dim3A_198 : vector<16xi32> to vector<16x1xi32>
      %gather3A_200 = vector.shape_cast %broadcast_in_dim3A_199 : vector<16x1xi32> to vector<16xi32>
      %gather3A_201 = tpu.dynamic_gather %get3A_71[%gather3A_200] in [0] : vector<16xf32>, vector<16xi32> -> vector<16xf32>
      %jit3A_202 = arith.constant 16 : i32
      %eq3A_203 = arith.constant 0 : i32
      %eq3A_204 = arith.cmpi eq, %jit3A_202, %eq3A_203 : i32
      %jit3A_205 = arith.constant 1 : i32
      %select_n3A_206 = arith.select %eq3A_204, %jit3A_205, %jit3A_202 : i32
      %rem3A_207 = arith.remsi %mul3A_39, %select_n3A_206 : i32
      %ne3A_208 = arith.constant 0 : i32
      %ne3A_209 = arith.cmpi ne, %rem3A_207, %ne3A_208 : i32
      %lt3A_210 = arith.constant 0 : i32
      %lt3A_211 = arith.cmpi slt, %rem3A_207, %lt3A_210 : i32
      %lt3A_212 = arith.constant 0 : i32
      %lt3A_213 = arith.cmpi slt, %select_n3A_206, %lt3A_212 : i32
      %ne3A_214 = arith.xori %lt3A_211, %lt3A_213 : i1
      %and3A_215 = arith.andi %ne3A_214, %ne3A_209 : i1
      %add3A_216 = arith.addi %rem3A_207, %select_n3A_206 : i32
      %select_n3A_217 = arith.select %and3A_215, %add3A_216, %rem3A_207 : i32
      %add3A_218 = arith.constant 2 : i32
      %add3A_219 = arith.addi %select_n3A_217, %add3A_218 : i32
      %broadcast_in_dim3A_220 = vector.broadcast %add3A_219 : i32 to vector<16xi32>
      %broadcast_in_dim3A_221 = vector.shape_cast %broadcast_in_dim3A_220 : vector<16xi32> to vector<16x1xi32>
      %gather3A_222 = vector.shape_cast %broadcast_in_dim3A_221 : vector<16x1xi32> to vector<16xi32>
      %gather3A_223 = tpu.dynamic_gather %get3A_61[%gather3A_222] in [0] : vector<16xf32>, vector<16xi32> -> vector<16xf32>
      %jit3A_224 = arith.constant 16 : i32
      %eq3A_225 = arith.constant 0 : i32
      %eq3A_226 = arith.cmpi eq, %jit3A_224, %eq3A_225 : i32
      %jit3A_227 = arith.constant 1 : i32
      %select_n3A_228 = arith.select %eq3A_226, %jit3A_227, %jit3A_224 : i32
      %rem3A_229 = arith.remsi %mul3A_39, %select_n3A_228 : i32
      %ne3A_230 = arith.constant 0 : i32
      %ne3A_231 = arith.cmpi ne, %rem3A_229, %ne3A_230 : i32
      %lt3A_232 = arith.constant 0 : i32
      %lt3A_233 = arith.cmpi slt, %rem3A_229, %lt3A_232 : i32
      %lt3A_234 = arith.constant 0 : i32
      %lt3A_235 = arith.cmpi slt, %select_n3A_228, %lt3A_234 : i32
      %ne3A_236 = arith.xori %lt3A_233, %lt3A_235 : i1
      %and3A_237 = arith.andi %ne3A_236, %ne3A_231 : i1
      %add3A_238 = arith.addi %rem3A_229, %select_n3A_228 : i32
      %select_n3A_239 = arith.select %and3A_237, %add3A_238, %rem3A_229 : i32
      %add3A_240 = arith.constant 2 : i32
      %add3A_241 = arith.addi %select_n3A_239, %add3A_240 : i32
      %broadcast_in_dim3A_242 = vector.broadcast %add3A_241 : i32 to vector<16xi32>
      %broadcast_in_dim3A_243 = vector.shape_cast %broadcast_in_dim3A_242 : vector<16xi32> to vector<16x1xi32>
      %gather3A_244 = vector.shape_cast %broadcast_in_dim3A_243 : vector<16x1xi32> to vector<16xi32>
      %gather3A_245 = tpu.dynamic_gather %get3A_66[%gather3A_244] in [0] : vector<16xf32>, vector<16xi32> -> vector<16xf32>
      %jit3A_246 = arith.constant 16 : i32
      %eq3A_247 = arith.constant 0 : i32
      %eq3A_248 = arith.cmpi eq, %jit3A_246, %eq3A_247 : i32
      %jit3A_249 = arith.constant 1 : i32
      %select_n3A_250 = arith.select %eq3A_248, %jit3A_249, %jit3A_246 : i32
      %rem3A_251 = arith.remsi %mul3A_39, %select_n3A_250 : i32
      %ne3A_252 = arith.constant 0 : i32
      %ne3A_253 = arith.cmpi ne, %rem3A_251, %ne3A_252 : i32
      %lt3A_254 = arith.constant 0 : i32
      %lt3A_255 = arith.cmpi slt, %rem3A_251, %lt3A_254 : i32
      %lt3A_256 = arith.constant 0 : i32
      %lt3A_257 = arith.cmpi slt, %select_n3A_250, %lt3A_256 : i32
      %ne3A_258 = arith.xori %lt3A_255, %lt3A_257 : i1
      %and3A_259 = arith.andi %ne3A_258, %ne3A_253 : i1
      %add3A_260 = arith.addi %rem3A_251, %select_n3A_250 : i32
      %select_n3A_261 = arith.select %and3A_259, %add3A_260, %rem3A_251 : i32
      %add3A_262 = arith.constant 2 : i32
      %add3A_263 = arith.addi %select_n3A_261, %add3A_262 : i32
      %broadcast_in_dim3A_264 = vector.broadcast %add3A_263 : i32 to vector<16xi32>
      %broadcast_in_dim3A_265 = vector.shape_cast %broadcast_in_dim3A_264 : vector<16xi32> to vector<16x1xi32>
      %gather3A_266 = vector.shape_cast %broadcast_in_dim3A_265 : vector<16x1xi32> to vector<16xi32>
      %gather3A_267 = tpu.dynamic_gather %get3A_71[%gather3A_266] in [0] : vector<16xf32>, vector<16xi32> -> vector<16xf32>
      %jit3A_268 = arith.constant 16 : i32
      %eq3A_269 = arith.constant 0 : i32
      %eq3A_270 = arith.cmpi eq, %jit3A_268, %eq3A_269 : i32
      %jit3A_271 = arith.constant 1 : i32
      %select_n3A_272 = arith.select %eq3A_270, %jit3A_271, %jit3A_268 : i32
      %rem3A_273 = arith.remsi %mul3A_39, %select_n3A_272 : i32
      %ne3A_274 = arith.constant 0 : i32
      %ne3A_275 = arith.cmpi ne, %rem3A_273, %ne3A_274 : i32
      %lt3A_276 = arith.constant 0 : i32
      %lt3A_277 = arith.cmpi slt, %rem3A_273, %lt3A_276 : i32
      %lt3A_278 = arith.constant 0 : i32
      %lt3A_279 = arith.cmpi slt, %select_n3A_272, %lt3A_278 : i32
      %ne3A_280 = arith.xori %lt3A_277, %lt3A_279 : i1
      %and3A_281 = arith.andi %ne3A_280, %ne3A_275 : i1
      %add3A_282 = arith.addi %rem3A_273, %select_n3A_272 : i32
      %select_n3A_283 = arith.select %and3A_281, %add3A_282, %rem3A_273 : i32
      %add3A_284 = arith.constant 3 : i32
      %add3A_285 = arith.addi %select_n3A_283, %add3A_284 : i32
      %broadcast_in_dim3A_286 = vector.broadcast %add3A_285 : i32 to vector<16xi32>
      %broadcast_in_dim3A_287 = vector.shape_cast %broadcast_in_dim3A_286 : vector<16xi32> to vector<16x1xi32>
      %gather3A_288 = vector.shape_cast %broadcast_in_dim3A_287 : vector<16x1xi32> to vector<16xi32>
      %gather3A_289 = tpu.dynamic_gather %get3A_61[%gather3A_288] in [0] : vector<16xf32>, vector<16xi32> -> vector<16xf32>
      %jit3A_290 = arith.constant 16 : i32
      %eq3A_291 = arith.constant 0 : i32
      %eq3A_292 = arith.cmpi eq, %jit3A_290, %eq3A_291 : i32
      %jit3A_293 = arith.constant 1 : i32
      %select_n3A_294 = arith.select %eq3A_292, %jit3A_293, %jit3A_290 : i32
      %rem3A_295 = arith.remsi %mul3A_39, %select_n3A_294 : i32
      %ne3A_296 = arith.constant 0 : i32
      %ne3A_297 = arith.cmpi ne, %rem3A_295, %ne3A_296 : i32
      %lt3A_298 = arith.constant 0 : i32
      %lt3A_299 = arith.cmpi slt, %rem3A_295, %lt3A_298 : i32
      %lt3A_300 = arith.constant 0 : i32
      %lt3A_301 = arith.cmpi slt, %select_n3A_294, %lt3A_300 : i32
      %ne3A_302 = arith.xori %lt3A_299, %lt3A_301 : i1
      %and3A_303 = arith.andi %ne3A_302, %ne3A_297 : i1
      %add3A_304 = arith.addi %rem3A_295, %select_n3A_294 : i32
      %select_n3A_305 = arith.select %and3A_303, %add3A_304, %rem3A_295 : i32
      %add3A_306 = arith.constant 3 : i32
      %add3A_307 = arith.addi %select_n3A_305, %add3A_306 : i32
      %broadcast_in_dim3A_308 = vector.broadcast %add3A_307 : i32 to vector<16xi32>
      %broadcast_in_dim3A_309 = vector.shape_cast %broadcast_in_dim3A_308 : vector<16xi32> to vector<16x1xi32>
      %gather3A_310 = vector.shape_cast %broadcast_in_dim3A_309 : vector<16x1xi32> to vector<16xi32>
      %gather3A_311 = tpu.dynamic_gather %get3A_66[%gather3A_310] in [0] : vector<16xf32>, vector<16xi32> -> vector<16xf32>
      %jit3A_312 = arith.constant 16 : i32
      %eq3A_313 = arith.constant 0 : i32
      %eq3A_314 = arith.cmpi eq, %jit3A_312, %eq3A_313 : i32
      %jit3A_315 = arith.constant 1 : i32
      %select_n3A_316 = arith.select %eq3A_314, %jit3A_315, %jit3A_312 : i32
      %rem3A_317 = arith.remsi %mul3A_39, %select_n3A_316 : i32
      %ne3A_318 = arith.constant 0 : i32
      %ne3A_319 = arith.cmpi ne, %rem3A_317, %ne3A_318 : i32
      %lt3A_320 = arith.constant 0 : i32
      %lt3A_321 = arith.cmpi slt, %rem3A_317, %lt3A_320 : i32
      %lt3A_322 = arith.constant 0 : i32
      %lt3A_323 = arith.cmpi slt, %select_n3A_316, %lt3A_322 : i32
      %ne3A_324 = arith.xori %lt3A_321, %lt3A_323 : i1
      %and3A_325 = arith.andi %ne3A_324, %ne3A_319 : i1
      %add3A_326 = arith.addi %rem3A_317, %select_n3A_316 : i32
      %select_n3A_327 = arith.select %and3A_325, %add3A_326, %rem3A_317 : i32
      %add3A_328 = arith.constant 3 : i32
      %add3A_329 = arith.addi %select_n3A_327, %add3A_328 : i32
      %broadcast_in_dim3A_330 = vector.broadcast %add3A_329 : i32 to vector<16xi32>
      %broadcast_in_dim3A_331 = vector.shape_cast %broadcast_in_dim3A_330 : vector<16xi32> to vector<16x1xi32>
      %gather3A_332 = vector.shape_cast %broadcast_in_dim3A_331 : vector<16x1xi32> to vector<16xi32>
      %gather3A_333 = tpu.dynamic_gather %get3A_71[%gather3A_332] in [0] : vector<16xf32>, vector<16xi32> -> vector<16xf32>
      %jit3A_334 = arith.constant 16 : i32
      %eq3A_335 = arith.constant 0 : i32
      %eq3A_336 = arith.cmpi eq, %jit3A_334, %eq3A_335 : i32
      %jit3A_337 = arith.constant 1 : i32
      %select_n3A_338 = arith.select %eq3A_336, %jit3A_337, %jit3A_334 : i32
      %rem3A_339 = arith.remsi %mul3A_39, %select_n3A_338 : i32
      %ne3A_340 = arith.constant 0 : i32
      %ne3A_341 = arith.cmpi ne, %rem3A_339, %ne3A_340 : i32
      %lt3A_342 = arith.constant 0 : i32
      %lt3A_343 = arith.cmpi slt, %rem3A_339, %lt3A_342 : i32
      %lt3A_344 = arith.constant 0 : i32
      %lt3A_345 = arith.cmpi slt, %select_n3A_338, %lt3A_344 : i32
      %ne3A_346 = arith.xori %lt3A_343, %lt3A_345 : i1
      %and3A_347 = arith.andi %ne3A_346, %ne3A_341 : i1
      %add3A_348 = arith.addi %rem3A_339, %select_n3A_338 : i32
      %select_n3A_349 = arith.select %and3A_347, %add3A_348, %rem3A_339 : i32
      %add3A_350 = arith.constant 4 : i32
      %add3A_351 = arith.addi %select_n3A_349, %add3A_350 : i32
      %broadcast_in_dim3A_352 = vector.broadcast %add3A_351 : i32 to vector<16xi32>
      %broadcast_in_dim3A_353 = vector.shape_cast %broadcast_in_dim3A_352 : vector<16xi32> to vector<16x1xi32>
      %gather3A_354 = vector.shape_cast %broadcast_in_dim3A_353 : vector<16x1xi32> to vector<16xi32>
      %gather3A_355 = tpu.dynamic_gather %get3A_61[%gather3A_354] in [0] : vector<16xf32>, vector<16xi32> -> vector<16xf32>
      %jit3A_356 = arith.constant 16 : i32
      %eq3A_357 = arith.constant 0 : i32
      %eq3A_358 = arith.cmpi eq, %jit3A_356, %eq3A_357 : i32
      %jit3A_359 = arith.constant 1 : i32
      %select_n3A_360 = arith.select %eq3A_358, %jit3A_359, %jit3A_356 : i32
      %rem3A_361 = arith.remsi %mul3A_39, %select_n3A_360 : i32
      %ne3A_362 = arith.constant 0 : i32
      %ne3A_363 = arith.cmpi ne, %rem3A_361, %ne3A_362 : i32
      %lt3A_364 = arith.constant 0 : i32
      %lt3A_365 = arith.cmpi slt, %rem3A_361, %lt3A_364 : i32
      %lt3A_366 = arith.constant 0 : i32
      %lt3A_367 = arith.cmpi slt, %select_n3A_360, %lt3A_366 : i32
      %ne3A_368 = arith.xori %lt3A_365, %lt3A_367 : i1
      %and3A_369 = arith.andi %ne3A_368, %ne3A_363 : i1
      %add3A_370 = arith.addi %rem3A_361, %select_n3A_360 : i32
      %select_n3A_371 = arith.select %and3A_369, %add3A_370, %rem3A_361 : i32
      %add3A_372 = arith.constant 4 : i32
      %add3A_373 = arith.addi %select_n3A_371, %add3A_372 : i32
      %broadcast_in_dim3A_374 = vector.broadcast %add3A_373 : i32 to vector<16xi32>
      %broadcast_in_dim3A_375 = vector.shape_cast %broadcast_in_dim3A_374 : vector<16xi32> to vector<16x1xi32>
      %gather3A_376 = vector.shape_cast %broadcast_in_dim3A_375 : vector<16x1xi32> to vector<16xi32>
      %gather3A_377 = tpu.dynamic_gather %get3A_66[%gather3A_376] in [0] : vector<16xf32>, vector<16xi32> -> vector<16xf32>
      %jit3A_378 = arith.constant 16 : i32
      %eq3A_379 = arith.constant 0 : i32
      %eq3A_380 = arith.cmpi eq, %jit3A_378, %eq3A_379 : i32
      %jit3A_381 = arith.constant 1 : i32
      %select_n3A_382 = arith.select %eq3A_380, %jit3A_381, %jit3A_378 : i32
      %rem3A_383 = arith.remsi %mul3A_39, %select_n3A_382 : i32
      %ne3A_384 = arith.constant 0 : i32
      %ne3A_385 = arith.cmpi ne, %rem3A_383, %ne3A_384 : i32
      %lt3A_386 = arith.constant 0 : i32
      %lt3A_387 = arith.cmpi slt, %rem3A_383, %lt3A_386 : i32
      %lt3A_388 = arith.constant 0 : i32
      %lt3A_389 = arith.cmpi slt, %select_n3A_382, %lt3A_388 : i32
      %ne3A_390 = arith.xori %lt3A_387, %lt3A_389 : i1
      %and3A_391 = arith.andi %ne3A_390, %ne3A_385 : i1
      %add3A_392 = arith.addi %rem3A_383, %select_n3A_382 : i32
      %select_n3A_393 = arith.select %and3A_391, %add3A_392, %rem3A_383 : i32
      %add3A_394 = arith.constant 4 : i32
      %add3A_395 = arith.addi %select_n3A_393, %add3A_394 : i32
      %broadcast_in_dim3A_396 = vector.broadcast %add3A_395 : i32 to vector<16xi32>
      %broadcast_in_dim3A_397 = vector.shape_cast %broadcast_in_dim3A_396 : vector<16xi32> to vector<16x1xi32>
      %gather3A_398 = vector.shape_cast %broadcast_in_dim3A_397 : vector<16x1xi32> to vector<16xi32>
      %gather3A_399 = tpu.dynamic_gather %get3A_71[%gather3A_398] in [0] : vector<16xf32>, vector<16xi32> -> vector<16xf32>
      %jit3A_400 = arith.constant 16 : i32
      %eq3A_401 = arith.constant 0 : i32
      %eq3A_402 = arith.cmpi eq, %jit3A_400, %eq3A_401 : i32
      %jit3A_403 = arith.constant 1 : i32
      %select_n3A_404 = arith.select %eq3A_402, %jit3A_403, %jit3A_400 : i32
      %rem3A_405 = arith.remsi %mul3A_39, %select_n3A_404 : i32
      %ne3A_406 = arith.constant 0 : i32
      %ne3A_407 = arith.cmpi ne, %rem3A_405, %ne3A_406 : i32
      %lt3A_408 = arith.constant 0 : i32
      %lt3A_409 = arith.cmpi slt, %rem3A_405, %lt3A_408 : i32
      %lt3A_410 = arith.constant 0 : i32
      %lt3A_411 = arith.cmpi slt, %select_n3A_404, %lt3A_410 : i32
      %ne3A_412 = arith.xori %lt3A_409, %lt3A_411 : i1
      %and3A_413 = arith.andi %ne3A_412, %ne3A_407 : i1
      %add3A_414 = arith.addi %rem3A_405, %select_n3A_404 : i32
      %select_n3A_415 = arith.select %and3A_413, %add3A_414, %rem3A_405 : i32
      %add3A_416 = arith.constant 5 : i32
      %add3A_417 = arith.addi %select_n3A_415, %add3A_416 : i32
      %broadcast_in_dim3A_418 = vector.broadcast %add3A_417 : i32 to vector<16xi32>
      %broadcast_in_dim3A_419 = vector.shape_cast %broadcast_in_dim3A_418 : vector<16xi32> to vector<16x1xi32>
      %gather3A_420 = vector.shape_cast %broadcast_in_dim3A_419 : vector<16x1xi32> to vector<16xi32>
      %gather3A_421 = tpu.dynamic_gather %get3A_61[%gather3A_420] in [0] : vector<16xf32>, vector<16xi32> -> vector<16xf32>
      %jit3A_422 = arith.constant 16 : i32
      %eq3A_423 = arith.constant 0 : i32
      %eq3A_424 = arith.cmpi eq, %jit3A_422, %eq3A_423 : i32
      %jit3A_425 = arith.constant 1 : i32
      %select_n3A_426 = arith.select %eq3A_424, %jit3A_425, %jit3A_422 : i32
      %rem3A_427 = arith.remsi %mul3A_39, %select_n3A_426 : i32
      %ne3A_428 = arith.constant 0 : i32
      %ne3A_429 = arith.cmpi ne, %rem3A_427, %ne3A_428 : i32
      %lt3A_430 = arith.constant 0 : i32
      %lt3A_431 = arith.cmpi slt, %rem3A_427, %lt3A_430 : i32
      %lt3A_432 = arith.constant 0 : i32
      %lt3A_433 = arith.cmpi slt, %select_n3A_426, %lt3A_432 : i32
      %ne3A_434 = arith.xori %lt3A_431, %lt3A_433 : i1
      %and3A_435 = arith.andi %ne3A_434, %ne3A_429 : i1
      %add3A_436 = arith.addi %rem3A_427, %select_n3A_426 : i32
      %select_n3A_437 = arith.select %and3A_435, %add3A_436, %rem3A_427 : i32
      %add3A_438 = arith.constant 5 : i32
      %add3A_439 = arith.addi %select_n3A_437, %add3A_438 : i32
      %broadcast_in_dim3A_440 = vector.broadcast %add3A_439 : i32 to vector<16xi32>
      %broadcast_in_dim3A_441 = vector.shape_cast %broadcast_in_dim3A_440 : vector<16xi32> to vector<16x1xi32>
      %gather3A_442 = vector.shape_cast %broadcast_in_dim3A_441 : vector<16x1xi32> to vector<16xi32>
      %gather3A_443 = tpu.dynamic_gather %get3A_66[%gather3A_442] in [0] : vector<16xf32>, vector<16xi32> -> vector<16xf32>
      %jit3A_444 = arith.constant 16 : i32
      %eq3A_445 = arith.constant 0 : i32
      %eq3A_446 = arith.cmpi eq, %jit3A_444, %eq3A_445 : i32
      %jit3A_447 = arith.constant 1 : i32
      %select_n3A_448 = arith.select %eq3A_446, %jit3A_447, %jit3A_444 : i32
      %rem3A_449 = arith.remsi %mul3A_39, %select_n3A_448 : i32
      %ne3A_450 = arith.constant 0 : i32
      %ne3A_451 = arith.cmpi ne, %rem3A_449, %ne3A_450 : i32
      %lt3A_452 = arith.constant 0 : i32
      %lt3A_453 = arith.cmpi slt, %rem3A_449, %lt3A_452 : i32
      %lt3A_454 = arith.constant 0 : i32
      %lt3A_455 = arith.cmpi slt, %select_n3A_448, %lt3A_454 : i32
      %ne3A_456 = arith.xori %lt3A_453, %lt3A_455 : i1
      %and3A_457 = arith.andi %ne3A_456, %ne3A_451 : i1
      %add3A_458 = arith.addi %rem3A_449, %select_n3A_448 : i32
      %select_n3A_459 = arith.select %and3A_457, %add3A_458, %rem3A_449 : i32
      %add3A_460 = arith.constant 5 : i32
      %add3A_461 = arith.addi %select_n3A_459, %add3A_460 : i32
      %broadcast_in_dim3A_462 = vector.broadcast %add3A_461 : i32 to vector<16xi32>
      %broadcast_in_dim3A_463 = vector.shape_cast %broadcast_in_dim3A_462 : vector<16xi32> to vector<16x1xi32>
      %gather3A_464 = vector.shape_cast %broadcast_in_dim3A_463 : vector<16x1xi32> to vector<16xi32>
      %gather3A_465 = tpu.dynamic_gather %get3A_71[%gather3A_464] in [0] : vector<16xf32>, vector<16xi32> -> vector<16xf32>
      %jit3A_466 = arith.constant 16 : i32
      %eq3A_467 = arith.constant 0 : i32
      %eq3A_468 = arith.cmpi eq, %jit3A_466, %eq3A_467 : i32
      %jit3A_469 = arith.constant 1 : i32
      %select_n3A_470 = arith.select %eq3A_468, %jit3A_469, %jit3A_466 : i32
      %rem3A_471 = arith.remsi %mul3A_39, %select_n3A_470 : i32
      %ne3A_472 = arith.constant 0 : i32
      %ne3A_473 = arith.cmpi ne, %rem3A_471, %ne3A_472 : i32
      %lt3A_474 = arith.constant 0 : i32
      %lt3A_475 = arith.cmpi slt, %rem3A_471, %lt3A_474 : i32
      %lt3A_476 = arith.constant 0 : i32
      %lt3A_477 = arith.cmpi slt, %select_n3A_470, %lt3A_476 : i32
      %ne3A_478 = arith.xori %lt3A_475, %lt3A_477 : i1
      %and3A_479 = arith.andi %ne3A_478, %ne3A_473 : i1
      %add3A_480 = arith.addi %rem3A_471, %select_n3A_470 : i32
      %select_n3A_481 = arith.select %and3A_479, %add3A_480, %rem3A_471 : i32
      %add3A_482 = arith.constant 6 : i32
      %add3A_483 = arith.addi %select_n3A_481, %add3A_482 : i32
      %broadcast_in_dim3A_484 = vector.broadcast %add3A_483 : i32 to vector<16xi32>
      %broadcast_in_dim3A_485 = vector.shape_cast %broadcast_in_dim3A_484 : vector<16xi32> to vector<16x1xi32>
      %gather3A_486 = vector.shape_cast %broadcast_in_dim3A_485 : vector<16x1xi32> to vector<16xi32>
      %gather3A_487 = tpu.dynamic_gather %get3A_61[%gather3A_486] in [0] : vector<16xf32>, vector<16xi32> -> vector<16xf32>
      %jit3A_488 = arith.constant 16 : i32
      %eq3A_489 = arith.constant 0 : i32
      %eq3A_490 = arith.cmpi eq, %jit3A_488, %eq3A_489 : i32
      %jit3A_491 = arith.constant 1 : i32
      %select_n3A_492 = arith.select %eq3A_490, %jit3A_491, %jit3A_488 : i32
      %rem3A_493 = arith.remsi %mul3A_39, %select_n3A_492 : i32
      %ne3A_494 = arith.constant 0 : i32
      %ne3A_495 = arith.cmpi ne, %rem3A_493, %ne3A_494 : i32
      %lt3A_496 = arith.constant 0 : i32
      %lt3A_497 = arith.cmpi slt, %rem3A_493, %lt3A_496 : i32
      %lt3A_498 = arith.constant 0 : i32
      %lt3A_499 = arith.cmpi slt, %select_n3A_492, %lt3A_498 : i32
      %ne3A_500 = arith.xori %lt3A_497, %lt3A_499 : i1
      %and3A_501 = arith.andi %ne3A_500, %ne3A_495 : i1
      %add3A_502 = arith.addi %rem3A_493, %select_n3A_492 : i32
      %select_n3A_503 = arith.select %and3A_501, %add3A_502, %rem3A_493 : i32
      %add3A_504 = arith.constant 6 : i32
      %add3A_505 = arith.addi %select_n3A_503, %add3A_504 : i32
      %broadcast_in_dim3A_506 = vector.broadcast %add3A_505 : i32 to vector<16xi32>
      %broadcast_in_dim3A_507 = vector.shape_cast %broadcast_in_dim3A_506 : vector<16xi32> to vector<16x1xi32>
      %gather3A_508 = vector.shape_cast %broadcast_in_dim3A_507 : vector<16x1xi32> to vector<16xi32>
      %gather3A_509 = tpu.dynamic_gather %get3A_66[%gather3A_508] in [0] : vector<16xf32>, vector<16xi32> -> vector<16xf32>
      %jit3A_510 = arith.constant 16 : i32
      %eq3A_511 = arith.constant 0 : i32
      %eq3A_512 = arith.cmpi eq, %jit3A_510, %eq3A_511 : i32
      %jit3A_513 = arith.constant 1 : i32
      %select_n3A_514 = arith.select %eq3A_512, %jit3A_513, %jit3A_510 : i32
      %rem3A_515 = arith.remsi %mul3A_39, %select_n3A_514 : i32
      %ne3A_516 = arith.constant 0 : i32
      %ne3A_517 = arith.cmpi ne, %rem3A_515, %ne3A_516 : i32
      %lt3A_518 = arith.constant 0 : i32
      %lt3A_519 = arith.cmpi slt, %rem3A_515, %lt3A_518 : i32
      %lt3A_520 = arith.constant 0 : i32
      %lt3A_521 = arith.cmpi slt, %select_n3A_514, %lt3A_520 : i32
      %ne3A_522 = arith.xori %lt3A_519, %lt3A_521 : i1
      %and3A_523 = arith.andi %ne3A_522, %ne3A_517 : i1
      %add3A_524 = arith.addi %rem3A_515, %select_n3A_514 : i32
      %select_n3A_525 = arith.select %and3A_523, %add3A_524, %rem3A_515 : i32
      %add3A_526 = arith.constant 6 : i32
      %add3A_527 = arith.addi %select_n3A_525, %add3A_526 : i32
      %broadcast_in_dim3A_528 = vector.broadcast %add3A_527 : i32 to vector<16xi32>
      %broadcast_in_dim3A_529 = vector.shape_cast %broadcast_in_dim3A_528 : vector<16xi32> to vector<16x1xi32>
      %gather3A_530 = vector.shape_cast %broadcast_in_dim3A_529 : vector<16x1xi32> to vector<16xi32>
      %gather3A_531 = tpu.dynamic_gather %get3A_71[%gather3A_530] in [0] : vector<16xf32>, vector<16xi32> -> vector<16xf32>
      %jit3A_532 = arith.constant 16 : i32
      %eq3A_533 = arith.constant 0 : i32
      %eq3A_534 = arith.cmpi eq, %jit3A_532, %eq3A_533 : i32
      %jit3A_535 = arith.constant 1 : i32
      %select_n3A_536 = arith.select %eq3A_534, %jit3A_535, %jit3A_532 : i32
      %rem3A_537 = arith.remsi %mul3A_39, %select_n3A_536 : i32
      %ne3A_538 = arith.constant 0 : i32
      %ne3A_539 = arith.cmpi ne, %rem3A_537, %ne3A_538 : i32
      %lt3A_540 = arith.constant 0 : i32
      %lt3A_541 = arith.cmpi slt, %rem3A_537, %lt3A_540 : i32
      %lt3A_542 = arith.constant 0 : i32
      %lt3A_543 = arith.cmpi slt, %select_n3A_536, %lt3A_542 : i32
      %ne3A_544 = arith.xori %lt3A_541, %lt3A_543 : i1
      %and3A_545 = arith.andi %ne3A_544, %ne3A_539 : i1
      %add3A_546 = arith.addi %rem3A_537, %select_n3A_536 : i32
      %select_n3A_547 = arith.select %and3A_545, %add3A_546, %rem3A_537 : i32
      %add3A_548 = arith.constant 7 : i32
      %add3A_549 = arith.addi %select_n3A_547, %add3A_548 : i32
      %broadcast_in_dim3A_550 = vector.broadcast %add3A_549 : i32 to vector<16xi32>
      %broadcast_in_dim3A_551 = vector.shape_cast %broadcast_in_dim3A_550 : vector<16xi32> to vector<16x1xi32>
      %gather3A_552 = vector.shape_cast %broadcast_in_dim3A_551 : vector<16x1xi32> to vector<16xi32>
      %gather3A_553 = tpu.dynamic_gather %get3A_61[%gather3A_552] in [0] : vector<16xf32>, vector<16xi32> -> vector<16xf32>
      %jit3A_554 = arith.constant 16 : i32
      %eq3A_555 = arith.constant 0 : i32
      %eq3A_556 = arith.cmpi eq, %jit3A_554, %eq3A_555 : i32
      %jit3A_557 = arith.constant 1 : i32
      %select_n3A_558 = arith.select %eq3A_556, %jit3A_557, %jit3A_554 : i32
      %rem3A_559 = arith.remsi %mul3A_39, %select_n3A_558 : i32
      %ne3A_560 = arith.constant 0 : i32
      %ne3A_561 = arith.cmpi ne, %rem3A_559, %ne3A_560 : i32
      %lt3A_562 = arith.constant 0 : i32
      %lt3A_563 = arith.cmpi slt, %rem3A_559, %lt3A_562 : i32
      %lt3A_564 = arith.constant 0 : i32
      %lt3A_565 = arith.cmpi slt, %select_n3A_558, %lt3A_564 : i32
      %ne3A_566 = arith.xori %lt3A_563, %lt3A_565 : i1
      %and3A_567 = arith.andi %ne3A_566, %ne3A_561 : i1
      %add3A_568 = arith.addi %rem3A_559, %select_n3A_558 : i32
      %select_n3A_569 = arith.select %and3A_567, %add3A_568, %rem3A_559 : i32
      %add3A_570 = arith.constant 7 : i32
      %add3A_571 = arith.addi %select_n3A_569, %add3A_570 : i32
      %broadcast_in_dim3A_572 = vector.broadcast %add3A_571 : i32 to vector<16xi32>
      %broadcast_in_dim3A_573 = vector.shape_cast %broadcast_in_dim3A_572 : vector<16xi32> to vector<16x1xi32>
      %gather3A_574 = vector.shape_cast %broadcast_in_dim3A_573 : vector<16x1xi32> to vector<16xi32>
      %gather3A_575 = tpu.dynamic_gather %get3A_66[%gather3A_574] in [0] : vector<16xf32>, vector<16xi32> -> vector<16xf32>
      %jit3A_576 = arith.constant 16 : i32
      %eq3A_577 = arith.constant 0 : i32
      %eq3A_578 = arith.cmpi eq, %jit3A_576, %eq3A_577 : i32
      %jit3A_579 = arith.constant 1 : i32
      %select_n3A_580 = arith.select %eq3A_578, %jit3A_579, %jit3A_576 : i32
      %rem3A_581 = arith.remsi %mul3A_39, %select_n3A_580 : i32
      %ne3A_582 = arith.constant 0 : i32
      %ne3A_583 = arith.cmpi ne, %rem3A_581, %ne3A_582 : i32
      %lt3A_584 = arith.constant 0 : i32
      %lt3A_585 = arith.cmpi slt, %rem3A_581, %lt3A_584 : i32
      %lt3A_586 = arith.constant 0 : i32
      %lt3A_587 = arith.cmpi slt, %select_n3A_580, %lt3A_586 : i32
      %ne3A_588 = arith.xori %lt3A_585, %lt3A_587 : i1
      %and3A_589 = arith.andi %ne3A_588, %ne3A_583 : i1
      %add3A_590 = arith.addi %rem3A_581, %select_n3A_580 : i32
      %select_n3A_591 = arith.select %and3A_589, %add3A_590, %rem3A_581 : i32
      %add3A_592 = arith.constant 7 : i32
      %add3A_593 = arith.addi %select_n3A_591, %add3A_592 : i32
      %broadcast_in_dim3A_594 = vector.broadcast %add3A_593 : i32 to vector<16xi32>
      %broadcast_in_dim3A_595 = vector.shape_cast %broadcast_in_dim3A_594 : vector<16xi32> to vector<16x1xi32>
      %gather3A_596 = vector.shape_cast %broadcast_in_dim3A_595 : vector<16x1xi32> to vector<16xi32>
      %gather3A_597 = tpu.dynamic_gather %get3A_71[%gather3A_596] in [0] : vector<16xf32>, vector<16xi32> -> vector<16xf32>
      %parallel_loop3A_598 = arith.constant 0 : i32
      %parallel_loop3A_599 = arith.constant 80 : i32
      %parallel_loop3A_600 = arith.constant 1 : i32
      %parallel_loop3A_601:8 = scf.for %parallel_loop3A_983 = %parallel_loop3A_598 to %parallel_loop3A_599 step %parallel_loop3A_600 iter_args(%parallel_loop3A_984 = %broadcast_in_dim3A_0, %parallel_loop3A_985 = %broadcast_in_dim3A_0, %parallel_loop3A_986 = %broadcast_in_dim3A_0, %parallel_loop3A_987 = %broadcast_in_dim3A_0, %parallel_loop3A_988 = %broadcast_in_dim3A_0, %parallel_loop3A_989 = %broadcast_in_dim3A_0, %parallel_loop3A_990 = %broadcast_in_dim3A_0, %parallel_loop3A_991 = %broadcast_in_dim3A_0) -> (vector<16xf32>, vector<16xf32>, vector<16xf32>, vector<16xf32>, vector<16xf32>, vector<16xf32>, vector<16xf32>, vector<16xf32>)  : i32 {
        %parallel_loop3A_992 = arith.constant 16 : i32
        %parallel_loop3A_993 = arith.muli %parallel_loop3A_983, %parallel_loop3A_992 : i32
        %parallel_loop3A_994 = arith.constant 0 : i32
        %parallel_loop3A_995 = arith.index_cast %parallel_loop3A_994 : i32 to index
        %parallel_loop3A_996 = arith.index_cast %parallel_loop3A_993 : i32 to index
        %parallel_loop3A_997 = tpu.vector_load %arg7[%parallel_loop3A_995, %parallel_loop3A_996] {strides = array<i32>} : memref<3x1280xf32, #tpu.memory_space<vmem>>, vector<1x16xf32>,
        %parallel_loop3A_998 = vector.shape_cast %parallel_loop3A_997 : vector<1x16xf32> to vector<16xf32>
        %parallel_loop3A_999 = arith.constant 1 : i32
        %parallel_loop3A_1000 = arith.index_cast %parallel_loop3A_999 : i32 to index
        %parallel_loop3A_1001 = arith.index_cast %parallel_loop3A_993 : i32 to index
        %parallel_loop3A_1002 = tpu.vector_load %arg7[%parallel_loop3A_1000, %parallel_loop3A_1001] {strides = array<i32>} : memref<3x1280xf32, #tpu.memory_space<vmem>>, vector<1x16xf32>,
        %parallel_loop3A_1003 = vector.shape_cast %parallel_loop3A_1002 : vector<1x16xf32> to vector<16xf32>
        %parallel_loop3A_1004 = arith.constant 2 : i32
        %parallel_loop3A_1005 = arith.index_cast %parallel_loop3A_1004 : i32 to index
        %parallel_loop3A_1006 = arith.index_cast %parallel_loop3A_993 : i32 to index
        %parallel_loop3A_1007 = tpu.vector_load %arg7[%parallel_loop3A_1005, %parallel_loop3A_1006] {strides = array<i32>} : memref<3x1280xf32, #tpu.memory_space<vmem>>, vector<1x16xf32>,
        %parallel_loop3A_1008 = vector.shape_cast %parallel_loop3A_1007 : vector<1x16xf32> to vector<16xf32>
        %parallel_loop3A_1009 = arith.subf %parallel_loop3A_998, %gather3A_91 : vector<16xf32>
        %parallel_loop3A_1010 = arith.mulf %parallel_loop3A_1009, %parallel_loop3A_1009 : vector<16xf32>
        %parallel_loop3A_1011 = arith.subf %parallel_loop3A_1003, %gather3A_113 : vector<16xf32>
        %parallel_loop3A_1012 = arith.mulf %parallel_loop3A_1011, %parallel_loop3A_1011 : vector<16xf32>
        %parallel_loop3A_1013 = arith.addf %parallel_loop3A_1010, %parallel_loop3A_1012 : vector<16xf32>
        %parallel_loop3A_1014 = arith.subf %parallel_loop3A_1008, %gather3A_135 : vector<16xf32>
        %parallel_loop3A_1015 = arith.mulf %parallel_loop3A_1014, %parallel_loop3A_1014 : vector<16xf32>
        %parallel_loop3A_1016 = arith.addf %parallel_loop3A_1013, %parallel_loop3A_1015 : vector<16xf32>
        %parallel_loop3A_1017 = arith.minimumf %parallel_loop3A_984, %parallel_loop3A_1016 : vector<16xf32>
        %parallel_loop3A_1018 = arith.subf %parallel_loop3A_998, %gather3A_157 : vector<16xf32>
        %parallel_loop3A_1019 = arith.mulf %parallel_loop3A_1018, %parallel_loop3A_1018 : vector<16xf32>
        %parallel_loop3A_1020 = arith.subf %parallel_loop3A_1003, %gather3A_179 : vector<16xf32>
        %parallel_loop3A_1021 = arith.mulf %parallel_loop3A_1020, %parallel_loop3A_1020 : vector<16xf32>
        %parallel_loop3A_1022 = arith.addf %parallel_loop3A_1019, %parallel_loop3A_1021 : vector<16xf32>
        %parallel_loop3A_1023 = arith.subf %parallel_loop3A_1008, %gather3A_201 : vector<16xf32>
        %parallel_loop3A_1024 = arith.mulf %parallel_loop3A_1023, %parallel_loop3A_1023 : vector<16xf32>
        %parallel_loop3A_1025 = arith.addf %parallel_loop3A_1022, %parallel_loop3A_1024 : vector<16xf32>
        %parallel_loop3A_1026 = arith.minimumf %parallel_loop3A_985, %parallel_loop3A_1025 : vector<16xf32>
        %parallel_loop3A_1027 = arith.subf %parallel_loop3A_998, %gather3A_223 : vector<16xf32>
        %parallel_loop3A_1028 = arith.mulf %parallel_loop3A_1027, %parallel_loop3A_1027 : vector<16xf32>
        %parallel_loop3A_1029 = arith.subf %parallel_loop3A_1003, %gather3A_245 : vector<16xf32>
        %parallel_loop3A_1030 = arith.mulf %parallel_loop3A_1029, %parallel_loop3A_1029 : vector<16xf32>
        %parallel_loop3A_1031 = arith.addf %parallel_loop3A_1028, %parallel_loop3A_1030 : vector<16xf32>
        %parallel_loop3A_1032 = arith.subf %parallel_loop3A_1008, %gather3A_267 : vector<16xf32>
        %parallel_loop3A_1033 = arith.mulf %parallel_loop3A_1032, %parallel_loop3A_1032 : vector<16xf32>
        %parallel_loop3A_1034 = arith.addf %parallel_loop3A_1031, %parallel_loop3A_1033 : vector<16xf32>
        %parallel_loop3A_1035 = arith.minimumf %parallel_loop3A_986, %parallel_loop3A_1034 : vector<16xf32>
        %parallel_loop3A_1036 = arith.subf %parallel_loop3A_998, %gather3A_289 : vector<16xf32>
        %parallel_loop3A_1037 = arith.mulf %parallel_loop3A_1036, %parallel_loop3A_1036 : vector<16xf32>
        %parallel_loop3A_1038 = arith.subf %parallel_loop3A_1003, %gather3A_311 : vector<16xf32>
        %parallel_loop3A_1039 = arith.mulf %parallel_loop3A_1038, %parallel_loop3A_1038 : vector<16xf32>
        %parallel_loop3A_1040 = arith.addf %parallel_loop3A_1037, %parallel_loop3A_1039 : vector<16xf32>
        %parallel_loop3A_1041 = arith.subf %parallel_loop3A_1008, %gather3A_333 : vector<16xf32>
        %parallel_loop3A_1042 = arith.mulf %parallel_loop3A_1041, %parallel_loop3A_1041 : vector<16xf32>
        %parallel_loop3A_1043 = arith.addf %parallel_loop3A_1040, %parallel_loop3A_1042 : vector<16xf32>
        %parallel_loop3A_1044 = arith.minimumf %parallel_loop3A_987, %parallel_loop3A_1043 : vector<16xf32>
        %parallel_loop3A_1045 = arith.subf %parallel_loop3A_998, %gather3A_355 : vector<16xf32>
        %parallel_loop3A_1046 = arith.mulf %parallel_loop3A_1045, %parallel_loop3A_1045 : vector<16xf32>
        %parallel_loop3A_1047 = arith.subf %parallel_loop3A_1003, %gather3A_377 : vector<16xf32>
        %parallel_loop3A_1048 = arith.mulf %parallel_loop3A_1047, %parallel_loop3A_1047 : vector<16xf32>
        %parallel_loop3A_1049 = arith.addf %parallel_loop3A_1046, %parallel_loop3A_1048 : vector<16xf32>
        %parallel_loop3A_1050 = arith.subf %parallel_loop3A_1008, %gather3A_399 : vector<16xf32>
        %parallel_loop3A_1051 = arith.mulf %parallel_loop3A_1050, %parallel_loop3A_1050 : vector<16xf32>
        %parallel_loop3A_1052 = arith.addf %parallel_loop3A_1049, %parallel_loop3A_1051 : vector<16xf32>
        %parallel_loop3A_1053 = arith.minimumf %parallel_loop3A_988, %parallel_loop3A_1052 : vector<16xf32>
        %parallel_loop3A_1054 = arith.subf %parallel_loop3A_998, %gather3A_421 : vector<16xf32>
        %parallel_loop3A_1055 = arith.mulf %parallel_loop3A_1054, %parallel_loop3A_1054 : vector<16xf32>
        %parallel_loop3A_1056 = arith.subf %parallel_loop3A_1003, %gather3A_443 : vector<16xf32>
        %parallel_loop3A_1057 = arith.mulf %parallel_loop3A_1056, %parallel_loop3A_1056 : vector<16xf32>
        %parallel_loop3A_1058 = arith.addf %parallel_loop3A_1055, %parallel_loop3A_1057 : vector<16xf32>
        %parallel_loop3A_1059 = arith.subf %parallel_loop3A_1008, %gather3A_465 : vector<16xf32>
        %parallel_loop3A_1060 = arith.mulf %parallel_loop3A_1059, %parallel_loop3A_1059 : vector<16xf32>
        %parallel_loop3A_1061 = arith.addf %parallel_loop3A_1058, %parallel_loop3A_1060 : vector<16xf32>
        %parallel_loop3A_1062 = arith.minimumf %parallel_loop3A_989, %parallel_loop3A_1061 : vector<16xf32>
        %parallel_loop3A_1063 = arith.subf %parallel_loop3A_998, %gather3A_487 : vector<16xf32>
        %parallel_loop3A_1064 = arith.mulf %parallel_loop3A_1063, %parallel_loop3A_1063 : vector<16xf32>
        %parallel_loop3A_1065 = arith.subf %parallel_loop3A_1003, %gather3A_509 : vector<16xf32>
        %parallel_loop3A_1066 = arith.mulf %parallel_loop3A_1065, %parallel_loop3A_1065 : vector<16xf32>
        %parallel_loop3A_1067 = arith.addf %parallel_loop3A_1064, %parallel_loop3A_1066 : vector<16xf32>
        %parallel_loop3A_1068 = arith.subf %parallel_loop3A_1008, %gather3A_531 : vector<16xf32>
        %parallel_loop3A_1069 = arith.mulf %parallel_loop3A_1068, %parallel_loop3A_1068 : vector<16xf32>
        %parallel_loop3A_1070 = arith.addf %parallel_loop3A_1067, %parallel_loop3A_1069 : vector<16xf32>
        %parallel_loop3A_1071 = arith.minimumf %parallel_loop3A_990, %parallel_loop3A_1070 : vector<16xf32>
        %parallel_loop3A_1072 = arith.subf %parallel_loop3A_998, %gather3A_553 : vector<16xf32>
        %parallel_loop3A_1073 = arith.mulf %parallel_loop3A_1072, %parallel_loop3A_1072 : vector<16xf32>
        %parallel_loop3A_1074 = arith.subf %parallel_loop3A_1003, %gather3A_575 : vector<16xf32>
        %parallel_loop3A_1075 = arith.mulf %parallel_loop3A_1074, %parallel_loop3A_1074 : vector<16xf32>
        %parallel_loop3A_1076 = arith.addf %parallel_loop3A_1073, %parallel_loop3A_1075 : vector<16xf32>
        %parallel_loop3A_1077 = arith.subf %parallel_loop3A_1008, %gather3A_597 : vector<16xf32>
        %parallel_loop3A_1078 = arith.mulf %parallel_loop3A_1077, %parallel_loop3A_1077 : vector<16xf32>
        %parallel_loop3A_1079 = arith.addf %parallel_loop3A_1076, %parallel_loop3A_1078 : vector<16xf32>
        %parallel_loop3A_1080 = arith.minimumf %parallel_loop3A_991, %parallel_loop3A_1079 : vector<16xf32>
        %parallel_loop3A_1081 = arith.minimumf %parallel_loop3A_1016, %parallel_loop3A_1025 : vector<16xf32>
        %parallel_loop3A_1082 = arith.minimumf %parallel_loop3A_1034, %parallel_loop3A_1043 : vector<16xf32>
        %parallel_loop3A_1083 = arith.minimumf %parallel_loop3A_1052, %parallel_loop3A_1061 : vector<16xf32>
        %parallel_loop3A_1084 = arith.minimumf %parallel_loop3A_1070, %parallel_loop3A_1079 : vector<16xf32>
        %parallel_loop3A_1085 = arith.minimumf %parallel_loop3A_1081, %parallel_loop3A_1082 : vector<16xf32>
        %parallel_loop3A_1086 = arith.minimumf %parallel_loop3A_1083, %parallel_loop3A_1084 : vector<16xf32>
        %parallel_loop3A_1087 = arith.minimumf %parallel_loop3A_1085, %parallel_loop3A_1086 : vector<16xf32>
        %parallel_loop3A_1088 = arith.index_cast %parallel_loop3A_993 : i32 to index
        %parallel_loop3A_1089 = tpu.vector_load %arg8[%parallel_loop3A_1088] {strides = array<i32>} : memref<1280xf32, #tpu.memory_space<vmem>>, vector<16xf32>,
        %parallel_loop3A_1090 = vector.shape_cast %parallel_loop3A_1089 : vector<16xf32> to vector<16xf32>
        %parallel_loop3A_1091 = arith.minimumf %parallel_loop3A_1090, %parallel_loop3A_1087 : vector<16xf32>
        %parallel_loop3A_1092 = arith.index_cast %parallel_loop3A_993 : i32 to index
        %parallel_loop3A_1093 = tpu.vector_load %arg8[%parallel_loop3A_1092] {strides = array<i32>} : memref<1280xf32, #tpu.memory_space<vmem>>, vector<16xf32>,
        %parallel_loop3A_1094 = vector.shape_cast %parallel_loop3A_1093 : vector<16xf32> to vector<16xf32>
        %parallel_loop3A_1095 = vector.shape_cast %parallel_loop3A_1091 : vector<16xf32> to vector<16xf32>
        tpu.vector_store %arg8[%parallel_loop3A_1092], %parallel_loop3A_1095 {strides = array<i32>} : memref<1280xf32, #tpu.memory_space<vmem>>, vector<16xf32>,
        scf.yield %parallel_loop3A_1017, %parallel_loop3A_1026, %parallel_loop3A_1035, %parallel_loop3A_1044, %parallel_loop3A_1053, %parallel_loop3A_1062, %parallel_loop3A_1071, %parallel_loop3A_1080 : vector<16xf32>, vector<16xf32>, vector<16xf32>, vector<16xf32>, vector<16xf32>, vector<16xf32>, vector<16xf32>, vector<16xf32>
      } {sc.loop_unroll_factor = 2 : i64, sc.parallel_access}
      %get3A_602 = arith.index_cast %mul3A_57 : i32 to index
      %get3A_603 = tpu.vector_load %arg9[%get3A_602] {strides = array<i32>} : memref<256xf32, #tpu.memory_space<vmem>>, vector<16xf32>,
      %get3A_604 = vector.shape_cast %get3A_603 : vector<16xf32> to vector<16xf32>
      %jit3A_605 = arith.constant 16 : i32
      %eq3A_606 = arith.constant 0 : i32
      %eq3A_607 = arith.cmpi eq, %jit3A_605, %eq3A_606 : i32
      %jit3A_608 = arith.constant 1 : i32
      %select_n3A_609 = arith.select %eq3A_607, %jit3A_608, %jit3A_605 : i32
      %rem3A_610 = arith.remsi %mul3A_39, %select_n3A_609 : i32
      %ne3A_611 = arith.constant 0 : i32
      %ne3A_612 = arith.cmpi ne, %rem3A_610, %ne3A_611 : i32
      %lt3A_613 = arith.constant 0 : i32
      %lt3A_614 = arith.cmpi slt, %rem3A_610, %lt3A_613 : i32
      %lt3A_615 = arith.constant 0 : i32
      %lt3A_616 = arith.cmpi slt, %select_n3A_609, %lt3A_615 : i32
      %ne3A_617 = arith.xori %lt3A_614, %lt3A_616 : i1
      %and3A_618 = arith.andi %ne3A_617, %ne3A_612 : i1
      %add3A_619 = arith.addi %rem3A_610, %select_n3A_609 : i32
      %select_n3A_620 = arith.select %and3A_618, %add3A_619, %rem3A_610 : i32
      %add3A_621 = arith.constant 8 : i32
      %add3A_622 = vector.broadcast %add3A_621 : i32 to vector<16xi32>
      %add3A_623 = arith.addi %iota3A, %add3A_622 : vector<16xi32>
      %and3A_624 = arith.constant 15 : i32
      %and3A_625 = vector.broadcast %and3A_624 : i32 to vector<16xi32>
      %and3A_626 = arith.andi %add3A_623, %and3A_625 : vector<16xi32>
      %broadcast_in_dim3A_627 = vector.shape_cast %and3A_626 : vector<16xi32> to vector<16x1xi32>
      %gather3A_628 = vector.shape_cast %broadcast_in_dim3A_627 : vector<16x1xi32> to vector<16xi32>
      %gather3A_629 = tpu.dynamic_gather %parallel_loop3A_601#0[%gather3A_628] in [0] : vector<16xf32>, vector<16xi32> -> vector<16xf32>
      %min3A = arith.minimumf %parallel_loop3A_601#0, %gather3A_629 : vector<16xf32>
      %add3A_630 = arith.constant 4 : i32
      %add3A_631 = vector.broadcast %add3A_630 : i32 to vector<16xi32>
      %add3A_632 = arith.addi %iota3A, %add3A_631 : vector<16xi32>
      %and3A_633 = arith.constant 15 : i32
      %and3A_634 = vector.broadcast %and3A_633 : i32 to vector<16xi32>
      %and3A_635 = arith.andi %add3A_632, %and3A_634 : vector<16xi32>
      %broadcast_in_dim3A_636 = vector.shape_cast %and3A_635 : vector<16xi32> to vector<16x1xi32>
      %gather3A_637 = vector.shape_cast %broadcast_in_dim3A_636 : vector<16x1xi32> to vector<16xi32>
      %gather3A_638 = tpu.dynamic_gather %min3A[%gather3A_637] in [0] : vector<16xf32>, vector<16xi32> -> vector<16xf32>
      %min3A_639 = arith.minimumf %min3A, %gather3A_638 : vector<16xf32>
      %add3A_640 = arith.constant 2 : i32
      %add3A_641 = vector.broadcast %add3A_640 : i32 to vector<16xi32>
      %add3A_642 = arith.addi %iota3A, %add3A_641 : vector<16xi32>
      %and3A_643 = arith.constant 15 : i32
      %and3A_644 = vector.broadcast %and3A_643 : i32 to vector<16xi32>
      %and3A_645 = arith.andi %add3A_642, %and3A_644 : vector<16xi32>
      %broadcast_in_dim3A_646 = vector.shape_cast %and3A_645 : vector<16xi32> to vector<16x1xi32>
      %gather3A_647 = vector.shape_cast %broadcast_in_dim3A_646 : vector<16x1xi32> to vector<16xi32>
      %gather3A_648 = tpu.dynamic_gather %min3A_639[%gather3A_647] in [0] : vector<16xf32>, vector<16xi32> -> vector<16xf32>
      %min3A_649 = arith.minimumf %min3A_639, %gather3A_648 : vector<16xf32>
      %add3A_650 = arith.constant 1 : i32
      %add3A_651 = vector.broadcast %add3A_650 : i32 to vector<16xi32>
      %add3A_652 = arith.addi %iota3A, %add3A_651 : vector<16xi32>
      %and3A_653 = arith.constant 15 : i32
      %and3A_654 = vector.broadcast %and3A_653 : i32 to vector<16xi32>
      %and3A_655 = arith.andi %add3A_652, %and3A_654 : vector<16xi32>
      %broadcast_in_dim3A_656 = vector.shape_cast %and3A_655 : vector<16xi32> to vector<16x1xi32>
      %gather3A_657 = vector.shape_cast %broadcast_in_dim3A_656 : vector<16x1xi32> to vector<16xi32>
      %gather3A_658 = tpu.dynamic_gather %min3A_649[%gather3A_657] in [0] : vector<16xf32>, vector<16xi32> -> vector<16xf32>
      %min3A_659 = arith.minimumf %min3A_649, %gather3A_658 : vector<16xf32>
      %add3A_660 = arith.constant 0 : i32
      %add3A_661 = arith.addi %select_n3A_620, %add3A_660 : i32
      %eq3A_662 = vector.broadcast %add3A_661 : i32 to vector<16xi32>
      %eq3A_663 = arith.cmpi eq, %iota3A, %eq3A_662 : vector<16xi32>
      %select_n3A_664 = arith.select %eq3A_663, %min3A_659, %get3A_604 : vector<16xi1>, vector<16xf32>
      %add3A_665 = arith.constant 8 : i32
      %add3A_666 = vector.broadcast %add3A_665 : i32 to vector<16xi32>
      %add3A_667 = arith.addi %iota3A, %add3A_666 : vector<16xi32>
      %and3A_668 = arith.constant 15 : i32
      %and3A_669 = vector.broadcast %and3A_668 : i32 to vector<16xi32>
      %and3A_670 = arith.andi %add3A_667, %and3A_669 : vector<16xi32>
      %broadcast_in_dim3A_671 = vector.shape_cast %and3A_670 : vector<16xi32> to vector<16x1xi32>
      %gather3A_672 = vector.shape_cast %broadcast_in_dim3A_671 : vector<16x1xi32> to vector<16xi32>
      %gather3A_673 = tpu.dynamic_gather %parallel_loop3A_601#1[%gather3A_672] in [0] : vector<16xf32>, vector<16xi32> -> vector<16xf32>
      %min3A_674 = arith.minimumf %parallel_loop3A_601#1, %gather3A_673 : vector<16xf32>
      %add3A_675 = arith.constant 4 : i32
      %add3A_676 = vector.broadcast %add3A_675 : i32 to vector<16xi32>
      %add3A_677 = arith.addi %iota3A, %add3A_676 : vector<16xi32>
      %and3A_678 = arith.constant 15 : i32
      %and3A_679 = vector.broadcast %and3A_678 : i32 to vector<16xi32>
      %and3A_680 = arith.andi %add3A_677, %and3A_679 : vector<16xi32>
      %broadcast_in_dim3A_681 = vector.shape_cast %and3A_680 : vector<16xi32> to vector<16x1xi32>
      %gather3A_682 = vector.shape_cast %broadcast_in_dim3A_681 : vector<16x1xi32> to vector<16xi32>
      %gather3A_683 = tpu.dynamic_gather %min3A_674[%gather3A_682] in [0] : vector<16xf32>, vector<16xi32> -> vector<16xf32>
      %min3A_684 = arith.minimumf %min3A_674, %gather3A_683 : vector<16xf32>
      %add3A_685 = arith.constant 2 : i32
      %add3A_686 = vector.broadcast %add3A_685 : i32 to vector<16xi32>
      %add3A_687 = arith.addi %iota3A, %add3A_686 : vector<16xi32>
      %and3A_688 = arith.constant 15 : i32
      %and3A_689 = vector.broadcast %and3A_688 : i32 to vector<16xi32>
      %and3A_690 = arith.andi %add3A_687, %and3A_689 : vector<16xi32>
      %broadcast_in_dim3A_691 = vector.shape_cast %and3A_690 : vector<16xi32> to vector<16x1xi32>
      %gather3A_692 = vector.shape_cast %broadcast_in_dim3A_691 : vector<16x1xi32> to vector<16xi32>
      %gather3A_693 = tpu.dynamic_gather %min3A_684[%gather3A_692] in [0] : vector<16xf32>, vector<16xi32> -> vector<16xf32>
      %min3A_694 = arith.minimumf %min3A_684, %gather3A_693 : vector<16xf32>
      %add3A_695 = arith.constant 1 : i32
      %add3A_696 = vector.broadcast %add3A_695 : i32 to vector<16xi32>
      %add3A_697 = arith.addi %iota3A, %add3A_696 : vector<16xi32>
      %and3A_698 = arith.constant 15 : i32
      %and3A_699 = vector.broadcast %and3A_698 : i32 to vector<16xi32>
      %and3A_700 = arith.andi %add3A_697, %and3A_699 : vector<16xi32>
      %broadcast_in_dim3A_701 = vector.shape_cast %and3A_700 : vector<16xi32> to vector<16x1xi32>
      %gather3A_702 = vector.shape_cast %broadcast_in_dim3A_701 : vector<16x1xi32> to vector<16xi32>
      %gather3A_703 = tpu.dynamic_gather %min3A_694[%gather3A_702] in [0] : vector<16xf32>, vector<16xi32> -> vector<16xf32>
      %min3A_704 = arith.minimumf %min3A_694, %gather3A_703 : vector<16xf32>
      %add3A_705 = arith.constant 1 : i32
      %add3A_706 = arith.addi %select_n3A_620, %add3A_705 : i32
      %eq3A_707 = vector.broadcast %add3A_706 : i32 to vector<16xi32>
      %eq3A_708 = arith.cmpi eq, %iota3A, %eq3A_707 : vector<16xi32>
      %select_n3A_709 = arith.select %eq3A_708, %min3A_704, %select_n3A_664 : vector<16xi1>, vector<16xf32>
      %add3A_710 = arith.constant 8 : i32
      %add3A_711 = vector.broadcast %add3A_710 : i32 to vector<16xi32>
      %add3A_712 = arith.addi %iota3A, %add3A_711 : vector<16xi32>
      %and3A_713 = arith.constant 15 : i32
      %and3A_714 = vector.broadcast %and3A_713 : i32 to vector<16xi32>
      %and3A_715 = arith.andi %add3A_712, %and3A_714 : vector<16xi32>
      %broadcast_in_dim3A_716 = vector.shape_cast %and3A_715 : vector<16xi32> to vector<16x1xi32>
      %gather3A_717 = vector.shape_cast %broadcast_in_dim3A_716 : vector<16x1xi32> to vector<16xi32>
      %gather3A_718 = tpu.dynamic_gather %parallel_loop3A_601#2[%gather3A_717] in [0] : vector<16xf32>, vector<16xi32> -> vector<16xf32>
      %min3A_719 = arith.minimumf %parallel_loop3A_601#2, %gather3A_718 : vector<16xf32>
      %add3A_720 = arith.constant 4 : i32
      %add3A_721 = vector.broadcast %add3A_720 : i32 to vector<16xi32>
      %add3A_722 = arith.addi %iota3A, %add3A_721 : vector<16xi32>
      %and3A_723 = arith.constant 15 : i32
      %and3A_724 = vector.broadcast %and3A_723 : i32 to vector<16xi32>
      %and3A_725 = arith.andi %add3A_722, %and3A_724 : vector<16xi32>
      %broadcast_in_dim3A_726 = vector.shape_cast %and3A_725 : vector<16xi32> to vector<16x1xi32>
      %gather3A_727 = vector.shape_cast %broadcast_in_dim3A_726 : vector<16x1xi32> to vector<16xi32>
      %gather3A_728 = tpu.dynamic_gather %min3A_719[%gather3A_727] in [0] : vector<16xf32>, vector<16xi32> -> vector<16xf32>
      %min3A_729 = arith.minimumf %min3A_719, %gather3A_728 : vector<16xf32>
      %add3A_730 = arith.constant 2 : i32
      %add3A_731 = vector.broadcast %add3A_730 : i32 to vector<16xi32>
      %add3A_732 = arith.addi %iota3A, %add3A_731 : vector<16xi32>
      %and3A_733 = arith.constant 15 : i32
      %and3A_734 = vector.broadcast %and3A_733 : i32 to vector<16xi32>
      %and3A_735 = arith.andi %add3A_732, %and3A_734 : vector<16xi32>
      %broadcast_in_dim3A_736 = vector.shape_cast %and3A_735 : vector<16xi32> to vector<16x1xi32>
      %gather3A_737 = vector.shape_cast %broadcast_in_dim3A_736 : vector<16x1xi32> to vector<16xi32>
      %gather3A_738 = tpu.dynamic_gather %min3A_729[%gather3A_737] in [0] : vector<16xf32>, vector<16xi32> -> vector<16xf32>
      %min3A_739 = arith.minimumf %min3A_729, %gather3A_738 : vector<16xf32>
      %add3A_740 = arith.constant 1 : i32
      %add3A_741 = vector.broadcast %add3A_740 : i32 to vector<16xi32>
      %add3A_742 = arith.addi %iota3A, %add3A_741 : vector<16xi32>
      %and3A_743 = arith.constant 15 : i32
      %and3A_744 = vector.broadcast %and3A_743 : i32 to vector<16xi32>
      %and3A_745 = arith.andi %add3A_742, %and3A_744 : vector<16xi32>
      %broadcast_in_dim3A_746 = vector.shape_cast %and3A_745 : vector<16xi32> to vector<16x1xi32>
      %gather3A_747 = vector.shape_cast %broadcast_in_dim3A_746 : vector<16x1xi32> to vector<16xi32>
      %gather3A_748 = tpu.dynamic_gather %min3A_739[%gather3A_747] in [0] : vector<16xf32>, vector<16xi32> -> vector<16xf32>
      %min3A_749 = arith.minimumf %min3A_739, %gather3A_748 : vector<16xf32>
      %add3A_750 = arith.constant 2 : i32
      %add3A_751 = arith.addi %select_n3A_620, %add3A_750 : i32
      %eq3A_752 = vector.broadcast %add3A_751 : i32 to vector<16xi32>
      %eq3A_753 = arith.cmpi eq, %iota3A, %eq3A_752 : vector<16xi32>
      %select_n3A_754 = arith.select %eq3A_753, %min3A_749, %select_n3A_709 : vector<16xi1>, vector<16xf32>
      %add3A_755 = arith.constant 8 : i32
      %add3A_756 = vector.broadcast %add3A_755 : i32 to vector<16xi32>
      %add3A_757 = arith.addi %iota3A, %add3A_756 : vector<16xi32>
      %and3A_758 = arith.constant 15 : i32
      %and3A_759 = vector.broadcast %and3A_758 : i32 to vector<16xi32>
      %and3A_760 = arith.andi %add3A_757, %and3A_759 : vector<16xi32>
      %broadcast_in_dim3A_761 = vector.shape_cast %and3A_760 : vector<16xi32> to vector<16x1xi32>
      %gather3A_762 = vector.shape_cast %broadcast_in_dim3A_761 : vector<16x1xi32> to vector<16xi32>
      %gather3A_763 = tpu.dynamic_gather %parallel_loop3A_601#3[%gather3A_762] in [0] : vector<16xf32>, vector<16xi32> -> vector<16xf32>
      %min3A_764 = arith.minimumf %parallel_loop3A_601#3, %gather3A_763 : vector<16xf32>
      %add3A_765 = arith.constant 4 : i32
      %add3A_766 = vector.broadcast %add3A_765 : i32 to vector<16xi32>
      %add3A_767 = arith.addi %iota3A, %add3A_766 : vector<16xi32>
      %and3A_768 = arith.constant 15 : i32
      %and3A_769 = vector.broadcast %and3A_768 : i32 to vector<16xi32>
      %and3A_770 = arith.andi %add3A_767, %and3A_769 : vector<16xi32>
      %broadcast_in_dim3A_771 = vector.shape_cast %and3A_770 : vector<16xi32> to vector<16x1xi32>
      %gather3A_772 = vector.shape_cast %broadcast_in_dim3A_771 : vector<16x1xi32> to vector<16xi32>
      %gather3A_773 = tpu.dynamic_gather %min3A_764[%gather3A_772] in [0] : vector<16xf32>, vector<16xi32> -> vector<16xf32>
      %min3A_774 = arith.minimumf %min3A_764, %gather3A_773 : vector<16xf32>
      %add3A_775 = arith.constant 2 : i32
      %add3A_776 = vector.broadcast %add3A_775 : i32 to vector<16xi32>
      %add3A_777 = arith.addi %iota3A, %add3A_776 : vector<16xi32>
      %and3A_778 = arith.constant 15 : i32
      %and3A_779 = vector.broadcast %and3A_778 : i32 to vector<16xi32>
      %and3A_780 = arith.andi %add3A_777, %and3A_779 : vector<16xi32>
      %broadcast_in_dim3A_781 = vector.shape_cast %and3A_780 : vector<16xi32> to vector<16x1xi32>
      %gather3A_782 = vector.shape_cast %broadcast_in_dim3A_781 : vector<16x1xi32> to vector<16xi32>
      %gather3A_783 = tpu.dynamic_gather %min3A_774[%gather3A_782] in [0] : vector<16xf32>, vector<16xi32> -> vector<16xf32>
      %min3A_784 = arith.minimumf %min3A_774, %gather3A_783 : vector<16xf32>
      %add3A_785 = arith.constant 1 : i32
      %add3A_786 = vector.broadcast %add3A_785 : i32 to vector<16xi32>
      %add3A_787 = arith.addi %iota3A, %add3A_786 : vector<16xi32>
      %and3A_788 = arith.constant 15 : i32
      %and3A_789 = vector.broadcast %and3A_788 : i32 to vector<16xi32>
      %and3A_790 = arith.andi %add3A_787, %and3A_789 : vector<16xi32>
      %broadcast_in_dim3A_791 = vector.shape_cast %and3A_790 : vector<16xi32> to vector<16x1xi32>
      %gather3A_792 = vector.shape_cast %broadcast_in_dim3A_791 : vector<16x1xi32> to vector<16xi32>
      %gather3A_793 = tpu.dynamic_gather %min3A_784[%gather3A_792] in [0] : vector<16xf32>, vector<16xi32> -> vector<16xf32>
      %min3A_794 = arith.minimumf %min3A_784, %gather3A_793 : vector<16xf32>
      %add3A_795 = arith.constant 3 : i32
      %add3A_796 = arith.addi %select_n3A_620, %add3A_795 : i32
      %eq3A_797 = vector.broadcast %add3A_796 : i32 to vector<16xi32>
      %eq3A_798 = arith.cmpi eq, %iota3A, %eq3A_797 : vector<16xi32>
      %select_n3A_799 = arith.select %eq3A_798, %min3A_794, %select_n3A_754 : vector<16xi1>, vector<16xf32>
      %add3A_800 = arith.constant 8 : i32
      %add3A_801 = vector.broadcast %add3A_800 : i32 to vector<16xi32>
      %add3A_802 = arith.addi %iota3A, %add3A_801 : vector<16xi32>
      %and3A_803 = arith.constant 15 : i32
      %and3A_804 = vector.broadcast %and3A_803 : i32 to vector<16xi32>
      %and3A_805 = arith.andi %add3A_802, %and3A_804 : vector<16xi32>
      %broadcast_in_dim3A_806 = vector.shape_cast %and3A_805 : vector<16xi32> to vector<16x1xi32>
      %gather3A_807 = vector.shape_cast %broadcast_in_dim3A_806 : vector<16x1xi32> to vector<16xi32>
      %gather3A_808 = tpu.dynamic_gather %parallel_loop3A_601#4[%gather3A_807] in [0] : vector<16xf32>, vector<16xi32> -> vector<16xf32>
      %min3A_809 = arith.minimumf %parallel_loop3A_601#4, %gather3A_808 : vector<16xf32>
      %add3A_810 = arith.constant 4 : i32
      %add3A_811 = vector.broadcast %add3A_810 : i32 to vector<16xi32>
      %add3A_812 = arith.addi %iota3A, %add3A_811 : vector<16xi32>
      %and3A_813 = arith.constant 15 : i32
      %and3A_814 = vector.broadcast %and3A_813 : i32 to vector<16xi32>
      %and3A_815 = arith.andi %add3A_812, %and3A_814 : vector<16xi32>
      %broadcast_in_dim3A_816 = vector.shape_cast %and3A_815 : vector<16xi32> to vector<16x1xi32>
      %gather3A_817 = vector.shape_cast %broadcast_in_dim3A_816 : vector<16x1xi32> to vector<16xi32>
      %gather3A_818 = tpu.dynamic_gather %min3A_809[%gather3A_817] in [0] : vector<16xf32>, vector<16xi32> -> vector<16xf32>
      %min3A_819 = arith.minimumf %min3A_809, %gather3A_818 : vector<16xf32>
      %add3A_820 = arith.constant 2 : i32
      %add3A_821 = vector.broadcast %add3A_820 : i32 to vector<16xi32>
      %add3A_822 = arith.addi %iota3A, %add3A_821 : vector<16xi32>
      %and3A_823 = arith.constant 15 : i32
      %and3A_824 = vector.broadcast %and3A_823 : i32 to vector<16xi32>
      %and3A_825 = arith.andi %add3A_822, %and3A_824 : vector<16xi32>
      %broadcast_in_dim3A_826 = vector.shape_cast %and3A_825 : vector<16xi32> to vector<16x1xi32>
      %gather3A_827 = vector.shape_cast %broadcast_in_dim3A_826 : vector<16x1xi32> to vector<16xi32>
      %gather3A_828 = tpu.dynamic_gather %min3A_819[%gather3A_827] in [0] : vector<16xf32>, vector<16xi32> -> vector<16xf32>
      %min3A_829 = arith.minimumf %min3A_819, %gather3A_828 : vector<16xf32>
      %add3A_830 = arith.constant 1 : i32
      %add3A_831 = vector.broadcast %add3A_830 : i32 to vector<16xi32>
      %add3A_832 = arith.addi %iota3A, %add3A_831 : vector<16xi32>
      %and3A_833 = arith.constant 15 : i32
      %and3A_834 = vector.broadcast %and3A_833 : i32 to vector<16xi32>
      %and3A_835 = arith.andi %add3A_832, %and3A_834 : vector<16xi32>
      %broadcast_in_dim3A_836 = vector.shape_cast %and3A_835 : vector<16xi32> to vector<16x1xi32>
      %gather3A_837 = vector.shape_cast %broadcast_in_dim3A_836 : vector<16x1xi32> to vector<16xi32>
      %gather3A_838 = tpu.dynamic_gather %min3A_829[%gather3A_837] in [0] : vector<16xf32>, vector<16xi32> -> vector<16xf32>
      %min3A_839 = arith.minimumf %min3A_829, %gather3A_838 : vector<16xf32>
      %add3A_840 = arith.constant 4 : i32
      %add3A_841 = arith.addi %select_n3A_620, %add3A_840 : i32
      %eq3A_842 = vector.broadcast %add3A_841 : i32 to vector<16xi32>
      %eq3A_843 = arith.cmpi eq, %iota3A, %eq3A_842 : vector<16xi32>
      %select_n3A_844 = arith.select %eq3A_843, %min3A_839, %select_n3A_799 : vector<16xi1>, vector<16xf32>
      %add3A_845 = arith.constant 8 : i32
      %add3A_846 = vector.broadcast %add3A_845 : i32 to vector<16xi32>
      %add3A_847 = arith.addi %iota3A, %add3A_846 : vector<16xi32>
      %and3A_848 = arith.constant 15 : i32
      %and3A_849 = vector.broadcast %and3A_848 : i32 to vector<16xi32>
      %and3A_850 = arith.andi %add3A_847, %and3A_849 : vector<16xi32>
      %broadcast_in_dim3A_851 = vector.shape_cast %and3A_850 : vector<16xi32> to vector<16x1xi32>
      %gather3A_852 = vector.shape_cast %broadcast_in_dim3A_851 : vector<16x1xi32> to vector<16xi32>
      %gather3A_853 = tpu.dynamic_gather %parallel_loop3A_601#5[%gather3A_852] in [0] : vector<16xf32>, vector<16xi32> -> vector<16xf32>
      %min3A_854 = arith.minimumf %parallel_loop3A_601#5, %gather3A_853 : vector<16xf32>
      %add3A_855 = arith.constant 4 : i32
      %add3A_856 = vector.broadcast %add3A_855 : i32 to vector<16xi32>
      %add3A_857 = arith.addi %iota3A, %add3A_856 : vector<16xi32>
      %and3A_858 = arith.constant 15 : i32
      %and3A_859 = vector.broadcast %and3A_858 : i32 to vector<16xi32>
      %and3A_860 = arith.andi %add3A_857, %and3A_859 : vector<16xi32>
      %broadcast_in_dim3A_861 = vector.shape_cast %and3A_860 : vector<16xi32> to vector<16x1xi32>
      %gather3A_862 = vector.shape_cast %broadcast_in_dim3A_861 : vector<16x1xi32> to vector<16xi32>
      %gather3A_863 = tpu.dynamic_gather %min3A_854[%gather3A_862] in [0] : vector<16xf32>, vector<16xi32> -> vector<16xf32>
      %min3A_864 = arith.minimumf %min3A_854, %gather3A_863 : vector<16xf32>
      %add3A_865 = arith.constant 2 : i32
      %add3A_866 = vector.broadcast %add3A_865 : i32 to vector<16xi32>
      %add3A_867 = arith.addi %iota3A, %add3A_866 : vector<16xi32>
      %and3A_868 = arith.constant 15 : i32
      %and3A_869 = vector.broadcast %and3A_868 : i32 to vector<16xi32>
      %and3A_870 = arith.andi %add3A_867, %and3A_869 : vector<16xi32>
      %broadcast_in_dim3A_871 = vector.shape_cast %and3A_870 : vector<16xi32> to vector<16x1xi32>
      %gather3A_872 = vector.shape_cast %broadcast_in_dim3A_871 : vector<16x1xi32> to vector<16xi32>
      %gather3A_873 = tpu.dynamic_gather %min3A_864[%gather3A_872] in [0] : vector<16xf32>, vector<16xi32> -> vector<16xf32>
      %min3A_874 = arith.minimumf %min3A_864, %gather3A_873 : vector<16xf32>
      %add3A_875 = arith.constant 1 : i32
      %add3A_876 = vector.broadcast %add3A_875 : i32 to vector<16xi32>
      %add3A_877 = arith.addi %iota3A, %add3A_876 : vector<16xi32>
      %and3A_878 = arith.constant 15 : i32
      %and3A_879 = vector.broadcast %and3A_878 : i32 to vector<16xi32>
      %and3A_880 = arith.andi %add3A_877, %and3A_879 : vector<16xi32>
      %broadcast_in_dim3A_881 = vector.shape_cast %and3A_880 : vector<16xi32> to vector<16x1xi32>
      %gather3A_882 = vector.shape_cast %broadcast_in_dim3A_881 : vector<16x1xi32> to vector<16xi32>
      %gather3A_883 = tpu.dynamic_gather %min3A_874[%gather3A_882] in [0] : vector<16xf32>, vector<16xi32> -> vector<16xf32>
      %min3A_884 = arith.minimumf %min3A_874, %gather3A_883 : vector<16xf32>
      %add3A_885 = arith.constant 5 : i32
      %add3A_886 = arith.addi %select_n3A_620, %add3A_885 : i32
      %eq3A_887 = vector.broadcast %add3A_886 : i32 to vector<16xi32>
      %eq3A_888 = arith.cmpi eq, %iota3A, %eq3A_887 : vector<16xi32>
      %select_n3A_889 = arith.select %eq3A_888, %min3A_884, %select_n3A_844 : vector<16xi1>, vector<16xf32>
      %add3A_890 = arith.constant 8 : i32
      %add3A_891 = vector.broadcast %add3A_890 : i32 to vector<16xi32>
      %add3A_892 = arith.addi %iota3A, %add3A_891 : vector<16xi32>
      %and3A_893 = arith.constant 15 : i32
      %and3A_894 = vector.broadcast %and3A_893 : i32 to vector<16xi32>
      %and3A_895 = arith.andi %add3A_892, %and3A_894 : vector<16xi32>
      %broadcast_in_dim3A_896 = vector.shape_cast %and3A_895 : vector<16xi32> to vector<16x1xi32>
      %gather3A_897 = vector.shape_cast %broadcast_in_dim3A_896 : vector<16x1xi32> to vector<16xi32>
      %gather3A_898 = tpu.dynamic_gather %parallel_loop3A_601#6[%gather3A_897] in [0] : vector<16xf32>, vector<16xi32> -> vector<16xf32>
      %min3A_899 = arith.minimumf %parallel_loop3A_601#6, %gather3A_898 : vector<16xf32>
      %add3A_900 = arith.constant 4 : i32
      %add3A_901 = vector.broadcast %add3A_900 : i32 to vector<16xi32>
      %add3A_902 = arith.addi %iota3A, %add3A_901 : vector<16xi32>
      %and3A_903 = arith.constant 15 : i32
      %and3A_904 = vector.broadcast %and3A_903 : i32 to vector<16xi32>
      %and3A_905 = arith.andi %add3A_902, %and3A_904 : vector<16xi32>
      %broadcast_in_dim3A_906 = vector.shape_cast %and3A_905 : vector<16xi32> to vector<16x1xi32>
      %gather3A_907 = vector.shape_cast %broadcast_in_dim3A_906 : vector<16x1xi32> to vector<16xi32>
      %gather3A_908 = tpu.dynamic_gather %min3A_899[%gather3A_907] in [0] : vector<16xf32>, vector<16xi32> -> vector<16xf32>
      %min3A_909 = arith.minimumf %min3A_899, %gather3A_908 : vector<16xf32>
      %add3A_910 = arith.constant 2 : i32
      %add3A_911 = vector.broadcast %add3A_910 : i32 to vector<16xi32>
      %add3A_912 = arith.addi %iota3A, %add3A_911 : vector<16xi32>
      %and3A_913 = arith.constant 15 : i32
      %and3A_914 = vector.broadcast %and3A_913 : i32 to vector<16xi32>
      %and3A_915 = arith.andi %add3A_912, %and3A_914 : vector<16xi32>
      %broadcast_in_dim3A_916 = vector.shape_cast %and3A_915 : vector<16xi32> to vector<16x1xi32>
      %gather3A_917 = vector.shape_cast %broadcast_in_dim3A_916 : vector<16x1xi32> to vector<16xi32>
      %gather3A_918 = tpu.dynamic_gather %min3A_909[%gather3A_917] in [0] : vector<16xf32>, vector<16xi32> -> vector<16xf32>
      %min3A_919 = arith.minimumf %min3A_909, %gather3A_918 : vector<16xf32>
      %add3A_920 = arith.constant 1 : i32
      %add3A_921 = vector.broadcast %add3A_920 : i32 to vector<16xi32>
      %add3A_922 = arith.addi %iota3A, %add3A_921 : vector<16xi32>
      %and3A_923 = arith.constant 15 : i32
      %and3A_924 = vector.broadcast %and3A_923 : i32 to vector<16xi32>
      %and3A_925 = arith.andi %add3A_922, %and3A_924 : vector<16xi32>
      %broadcast_in_dim3A_926 = vector.shape_cast %and3A_925 : vector<16xi32> to vector<16x1xi32>
      %gather3A_927 = vector.shape_cast %broadcast_in_dim3A_926 : vector<16x1xi32> to vector<16xi32>
      %gather3A_928 = tpu.dynamic_gather %min3A_919[%gather3A_927] in [0] : vector<16xf32>, vector<16xi32> -> vector<16xf32>
      %min3A_929 = arith.minimumf %min3A_919, %gather3A_928 : vector<16xf32>
      %add3A_930 = arith.constant 6 : i32
      %add3A_931 = arith.addi %select_n3A_620, %add3A_930 : i32
      %eq3A_932 = vector.broadcast %add3A_931 : i32 to vector<16xi32>
      %eq3A_933 = arith.cmpi eq, %iota3A, %eq3A_932 : vector<16xi32>
      %select_n3A_934 = arith.select %eq3A_933, %min3A_929, %select_n3A_889 : vector<16xi1>, vector<16xf32>
      %add3A_935 = arith.constant 8 : i32
      %add3A_936 = vector.broadcast %add3A_935 : i32 to vector<16xi32>
      %add3A_937 = arith.addi %iota3A, %add3A_936 : vector<16xi32>
      %and3A_938 = arith.constant 15 : i32
      %and3A_939 = vector.broadcast %and3A_938 : i32 to vector<16xi32>
      %and3A_940 = arith.andi %add3A_937, %and3A_939 : vector<16xi32>
      %broadcast_in_dim3A_941 = vector.shape_cast %and3A_940 : vector<16xi32> to vector<16x1xi32>
      %gather3A_942 = vector.shape_cast %broadcast_in_dim3A_941 : vector<16x1xi32> to vector<16xi32>
      %gather3A_943 = tpu.dynamic_gather %parallel_loop3A_601#7[%gather3A_942] in [0] : vector<16xf32>, vector<16xi32> -> vector<16xf32>
      %min3A_944 = arith.minimumf %parallel_loop3A_601#7, %gather3A_943 : vector<16xf32>
      %add3A_945 = arith.constant 4 : i32
      %add3A_946 = vector.broadcast %add3A_945 : i32 to vector<16xi32>
      %add3A_947 = arith.addi %iota3A, %add3A_946 : vector<16xi32>
      %and3A_948 = arith.constant 15 : i32
      %and3A_949 = vector.broadcast %and3A_948 : i32 to vector<16xi32>
      %and3A_950 = arith.andi %add3A_947, %and3A_949 : vector<16xi32>
      %broadcast_in_dim3A_951 = vector.shape_cast %and3A_950 : vector<16xi32> to vector<16x1xi32>
      %gather3A_952 = vector.shape_cast %broadcast_in_dim3A_951 : vector<16x1xi32> to vector<16xi32>
      %gather3A_953 = tpu.dynamic_gather %min3A_944[%gather3A_952] in [0] : vector<16xf32>, vector<16xi32> -> vector<16xf32>
      %min3A_954 = arith.minimumf %min3A_944, %gather3A_953 : vector<16xf32>
      %add3A_955 = arith.constant 2 : i32
      %add3A_956 = vector.broadcast %add3A_955 : i32 to vector<16xi32>
      %add3A_957 = arith.addi %iota3A, %add3A_956 : vector<16xi32>
      %and3A_958 = arith.constant 15 : i32
      %and3A_959 = vector.broadcast %and3A_958 : i32 to vector<16xi32>
      %and3A_960 = arith.andi %add3A_957, %and3A_959 : vector<16xi32>
      %broadcast_in_dim3A_961 = vector.shape_cast %and3A_960 : vector<16xi32> to vector<16x1xi32>
      %gather3A_962 = vector.shape_cast %broadcast_in_dim3A_961 : vector<16x1xi32> to vector<16xi32>
      %gather3A_963 = tpu.dynamic_gather %min3A_954[%gather3A_962] in [0] : vector<16xf32>, vector<16xi32> -> vector<16xf32>
      %min3A_964 = arith.minimumf %min3A_954, %gather3A_963 : vector<16xf32>
      %add3A_965 = arith.constant 1 : i32
      %add3A_966 = vector.broadcast %add3A_965 : i32 to vector<16xi32>
      %add3A_967 = arith.addi %iota3A, %add3A_966 : vector<16xi32>
      %and3A_968 = arith.constant 15 : i32
      %and3A_969 = vector.broadcast %and3A_968 : i32 to vector<16xi32>
      %and3A_970 = arith.andi %add3A_967, %and3A_969 : vector<16xi32>
      %broadcast_in_dim3A_971 = vector.shape_cast %and3A_970 : vector<16xi32> to vector<16x1xi32>
      %gather3A_972 = vector.shape_cast %broadcast_in_dim3A_971 : vector<16x1xi32> to vector<16xi32>
      %gather3A_973 = tpu.dynamic_gather %min3A_964[%gather3A_972] in [0] : vector<16xf32>, vector<16xi32> -> vector<16xf32>
      %min3A_974 = arith.minimumf %min3A_964, %gather3A_973 : vector<16xf32>
      %add3A_975 = arith.constant 7 : i32
      %add3A_976 = arith.addi %select_n3A_620, %add3A_975 : i32
      %eq3A_977 = vector.broadcast %add3A_976 : i32 to vector<16xi32>
      %eq3A_978 = arith.cmpi eq, %iota3A, %eq3A_977 : vector<16xi32>
      %select_n3A_979 = arith.select %eq3A_978, %min3A_974, %select_n3A_934 : vector<16xi1>, vector<16xf32>
      %swap3A = arith.index_cast %mul3A_57 : i32 to index
      %swap3A_980 = tpu.vector_load %arg9[%swap3A] {strides = array<i32>} : memref<256xf32, #tpu.memory_space<vmem>>, vector<16xf32>,
      %swap3A_981 = vector.shape_cast %swap3A_980 : vector<16xf32> to vector<16xf32>
      %swap3A_982 = vector.shape_cast %select_n3A_979 : vector<16xf32> to vector<16xf32>
      tpu.vector_store %arg9[%swap3A], %swap3A_982 {strides = array<i32>} : memref<256xf32, #tpu.memory_space<vmem>>, vector<16xf32>,
    }
    %scan3A_9 = arith.constant 32 : i32
    %mul3A_10 = arith.constant 256 : i32
    %mul3A_11 = arith.muli %arg1, %mul3A_10 : i32
    "tpu.region"() ({
      %run_scoped3A = tpu.sem_alloc : memref<!tpu.dma_semaphore, #tpu.memory_space<semaphore_mem>>
      %dma_start3A = tpu.memref_slice %arg4[%add3A_2, %mul3A_11] : memref<4x4096xf32, #tpu.memory_space<hbm>> -> memref<1x256xf32, #tpu.memory_space<hbm>>
      %dma_start3A_37 = tpu.memref_squeeze %dma_start3A : memref<1x256xf32, #tpu.memory_space<hbm>> -> memref<256xf32, #tpu.memory_space<hbm>>
      %dma_start3A_38 = tpu.memref_slice %arg4[%add3A_2, %mul3A_11] : memref<4x4096xf32, #tpu.memory_space<hbm>> -> memref<1x256xf32, #tpu.memory_space<hbm>>
      %dma_start3A_39 = tpu.memref_squeeze %dma_start3A_38 : memref<1x256xf32, #tpu.memory_space<hbm>> -> memref<256xf32, #tpu.memory_space<hbm>>
      tpu.enqueue_dma source(%arg9 : memref<256xf32, #tpu.memory_space<vmem>>) target(%dma_start3A_39 : memref<256xf32, #tpu.memory_space<hbm>>) target_semaphore(%run_scoped3A : memref<!tpu.dma_semaphore, #tpu.memory_space<semaphore_mem>>)
      %dma_wait3A = tpu.memref_slice %arg4[%add3A_2, %mul3A_11] : memref<4x4096xf32, #tpu.memory_space<hbm>> -> memref<1x256xf32, #tpu.memory_space<hbm>>
      %dma_wait3A_40 = tpu.memref_squeeze %dma_wait3A : memref<1x256xf32, #tpu.memory_space<hbm>> -> memref<256xf32, #tpu.memory_space<hbm>>
      %dma_wait3A_41 = tpu.memref_slice %arg4[%add3A_2, %mul3A_11] : memref<4x4096xf32, #tpu.memory_space<hbm>> -> memref<1x256xf32, #tpu.memory_space<hbm>>
      %dma_wait3A_42 = tpu.memref_squeeze %dma_wait3A_41 : memref<1x256xf32, #tpu.memory_space<hbm>> -> memref<256xf32, #tpu.memory_space<hbm>>
      tpu.wait_dma2 semaphore(%run_scoped3A : memref<!tpu.dma_semaphore, #tpu.memory_space<semaphore_mem>>) src(%arg9 : memref<256xf32, #tpu.memory_space<vmem>>) dst(%dma_wait3A_42 : memref<256xf32, #tpu.memory_space<hbm>>)
      tpu.yield
    }) : () -> ()
    "tpu.region"() ({
      %run_scoped3A = tpu.sem_alloc : memref<!tpu.dma_semaphore, #tpu.memory_space<semaphore_mem>>
      %dma_start3A = arith.constant 0 : i32
      %dma_start3A_37 = tpu.memref_slice %arg12[%arg1, %dma_start3A] : memref<16x1280xf32, #tpu.memory_space<vmem_shared>> -> memref<1x1280xf32, #tpu.memory_space<vmem_shared>>
      %dma_start3A_38 = tpu.memref_squeeze %dma_start3A_37 : memref<1x1280xf32, #tpu.memory_space<vmem_shared>> -> memref<1280xf32, #tpu.memory_space<vmem_shared>>
      %dma_start3A_39 = arith.constant 0 : i32
      %dma_start3A_40 = tpu.memref_slice %arg12[%arg1, %dma_start3A_39] : memref<16x1280xf32, #tpu.memory_space<vmem_shared>> -> memref<1x1280xf32, #tpu.memory_space<vmem_shared>>
      %dma_start3A_41 = tpu.memref_squeeze %dma_start3A_40 : memref<1x1280xf32, #tpu.memory_space<vmem_shared>> -> memref<1280xf32, #tpu.memory_space<vmem_shared>>
      tpu.enqueue_dma source(%arg8 : memref<1280xf32, #tpu.memory_space<vmem>>) target(%dma_start3A_41 : memref<1280xf32, #tpu.memory_space<vmem_shared>>) target_semaphore(%run_scoped3A : memref<!tpu.dma_semaphore, #tpu.memory_space<semaphore_mem>>)
      %dma_wait3A = arith.constant 0 : i32
      %dma_wait3A_42 = tpu.memref_slice %arg12[%arg1, %dma_wait3A] : memref<16x1280xf32, #tpu.memory_space<vmem_shared>> -> memref<1x1280xf32, #tpu.memory_space<vmem_shared>>
      %dma_wait3A_43 = tpu.memref_squeeze %dma_wait3A_42 : memref<1x1280xf32, #tpu.memory_space<vmem_shared>> -> memref<1280xf32, #tpu.memory_space<vmem_shared>>
      %dma_wait3A_44 = arith.constant 0 : i32
      %dma_wait3A_45 = tpu.memref_slice %arg12[%arg1, %dma_wait3A_44] : memref<16x1280xf32, #tpu.memory_space<vmem_shared>> -> memref<1x1280xf32, #tpu.memory_space<vmem_shared>>
      %dma_wait3A_46 = tpu.memref_squeeze %dma_wait3A_45 : memref<1x1280xf32, #tpu.memory_space<vmem_shared>> -> memref<1280xf32, #tpu.memory_space<vmem_shared>>
      tpu.wait_dma2 semaphore(%run_scoped3A : memref<!tpu.dma_semaphore, #tpu.memory_space<semaphore_mem>>) src(%arg8 : memref<1280xf32, #tpu.memory_space<vmem>>) dst(%dma_wait3A_46 : memref<1280xf32, #tpu.memory_space<vmem_shared>>)
      tpu.yield
    }) : () -> ()
    %barrier3A = arith.constant 0 : index
    tpu.barrier barrier_id(%barrier3A)
    %lt3A = arith.constant 10 : i32
    %lt3A_12 = arith.cmpi slt, %arg1, %lt3A : i32
    %convert_element_type3A = arith.extui %lt3A_12 : i1 to i32
    %cond3A = arith.constant 0 : i32
    %cond3A_13 = arith.cmpi ne, %convert_element_type3A, %cond3A : i32
    scf.if %cond3A_13 {
      %mul3A_37 = arith.constant 128 : i32
      %mul3A_38 = arith.muli %arg1, %mul3A_37 : i32
      "tpu.region"() ({
        %run_scoped3A = tpu.sem_alloc : memref<!tpu.dma_semaphore, #tpu.memory_space<semaphore_mem>>
        %dma_start3A = arith.constant 0 : i32
        %dma_start3A_47 = tpu.memref_slice %arg12[%dma_start3A, %mul3A_38] : memref<16x1280xf32, #tpu.memory_space<vmem_shared>> -> memref<16x128xf32, #tpu.memory_space<vmem_shared>>
        %dma_start3A_48 = arith.constant 0 : i32
        %dma_start3A_49 = tpu.memref_slice %arg12[%dma_start3A_48, %mul3A_38] : memref<16x1280xf32, #tpu.memory_space<vmem_shared>> -> memref<16x128xf32, #tpu.memory_space<vmem_shared>>
        tpu.enqueue_dma source(%dma_start3A_49 : memref<16x128xf32, #tpu.memory_space<vmem_shared>>) target(%arg10 : memref<16x128xf32, #tpu.memory_space<vmem>>) target_semaphore(%run_scoped3A : memref<!tpu.dma_semaphore, #tpu.memory_space<semaphore_mem>>)
        %dma_wait3A = arith.constant 0 : i32
        %dma_wait3A_50 = tpu.memref_slice %arg12[%dma_wait3A, %mul3A_38] : memref<16x1280xf32, #tpu.memory_space<vmem_shared>> -> memref<16x128xf32, #tpu.memory_space<vmem_shared>>
        %dma_wait3A_51 = arith.constant 0 : i32
        %dma_wait3A_52 = tpu.memref_slice %arg12[%dma_wait3A_51, %mul3A_38] : memref<16x1280xf32, #tpu.memory_space<vmem_shared>> -> memref<16x128xf32, #tpu.memory_space<vmem_shared>>
        tpu.wait_dma2 semaphore(%run_scoped3A : memref<!tpu.dma_semaphore, #tpu.memory_space<semaphore_mem>>) src(%dma_wait3A_52 : memref<16x128xf32, #tpu.memory_space<vmem_shared>>) dst(%arg10 : memref<16x128xf32, #tpu.memory_space<vmem>>)
        tpu.yield
      }) : () -> ()
      %scan3A_39 = arith.constant 0 : i32
      %scan3A_40 = arith.constant 0 : i32
      %scan3A_41 = arith.constant 8 : i32
      %scan3A_42 = arith.addi %scan3A_40, %scan3A_41 : i32
      %scan3A_43 = arith.constant 1 : i32
      scf.for %scan3A_47 = %scan3A_40 to %scan3A_42 step %scan3A_43  : i32 {
        %mul3A_48 = arith.constant 16 : i32
        %mul3A_49 = arith.muli %scan3A_47, %mul3A_48 : i32
        %get3A = arith.constant 0 : i32
        %get3A_50 = arith.index_cast %get3A : i32 to index
        %get3A_51 = arith.index_cast %mul3A_49 : i32 to index
        %get3A_52 = tpu.vector_load %arg10[%get3A_50, %get3A_51] {strides = array<i32>} : memref<16x128xf32, #tpu.memory_space<vmem>>, vector<1x16xf32>,
        %get3A_53 = vector.shape_cast %get3A_52 : vector<1x16xf32> to vector<16xf32>
        %mul3A_54 = arith.constant 16 : i32
        %mul3A_55 = arith.muli %scan3A_47, %mul3A_54 : i32
        %get3A_56 = arith.constant 1 : i32
        %get3A_57 = arith.index_cast %get3A_56 : i32 to index
        %get3A_58 = arith.index_cast %mul3A_55 : i32 to index
        %get3A_59 = tpu.vector_load %arg10[%get3A_57, %get3A_58] {strides = array<i32>} : memref<16x128xf32, #tpu.memory_space<vmem>>, vector<1x16xf32>,
        %get3A_60 = vector.shape_cast %get3A_59 : vector<1x16xf32> to vector<16xf32>
        %min3A = arith.minimumf %get3A_53, %get3A_60 : vector<16xf32>
        %mul3A_61 = arith.constant 16 : i32
        %mul3A_62 = arith.muli %scan3A_47, %mul3A_61 : i32
        %get3A_63 = arith.constant 2 : i32
        %get3A_64 = arith.index_cast %get3A_63 : i32 to index
        %get3A_65 = arith.index_cast %mul3A_62 : i32 to index
        %get3A_66 = tpu.vector_load %arg10[%get3A_64, %get3A_65] {strides = array<i32>} : memref<16x128xf32, #tpu.memory_space<vmem>>, vector<1x16xf32>,
        %get3A_67 = vector.shape_cast %get3A_66 : vector<1x16xf32> to vector<16xf32>
        %min3A_68 = arith.minimumf %min3A, %get3A_67 : vector<16xf32>
        %mul3A_69 = arith.constant 16 : i32
        %mul3A_70 = arith.muli %scan3A_47, %mul3A_69 : i32
        %get3A_71 = arith.constant 3 : i32
        %get3A_72 = arith.index_cast %get3A_71 : i32 to index
        %get3A_73 = arith.index_cast %mul3A_70 : i32 to index
        %get3A_74 = tpu.vector_load %arg10[%get3A_72, %get3A_73] {strides = array<i32>} : memref<16x128xf32, #tpu.memory_space<vmem>>, vector<1x16xf32>,
        %get3A_75 = vector.shape_cast %get3A_74 : vector<1x16xf32> to vector<16xf32>
        %min3A_76 = arith.minimumf %min3A_68, %get3A_75 : vector<16xf32>
        %mul3A_77 = arith.constant 16 : i32
        %mul3A_78 = arith.muli %scan3A_47, %mul3A_77 : i32
        %get3A_79 = arith.constant 4 : i32
        %get3A_80 = arith.index_cast %get3A_79 : i32 to index
        %get3A_81 = arith.index_cast %mul3A_78 : i32 to index
        %get3A_82 = tpu.vector_load %arg10[%get3A_80, %get3A_81] {strides = array<i32>} : memref<16x128xf32, #tpu.memory_space<vmem>>, vector<1x16xf32>,
        %get3A_83 = vector.shape_cast %get3A_82 : vector<1x16xf32> to vector<16xf32>
        %min3A_84 = arith.minimumf %min3A_76, %get3A_83 : vector<16xf32>
        %mul3A_85 = arith.constant 16 : i32
        %mul3A_86 = arith.muli %scan3A_47, %mul3A_85 : i32
        %get3A_87 = arith.constant 5 : i32
        %get3A_88 = arith.index_cast %get3A_87 : i32 to index
        %get3A_89 = arith.index_cast %mul3A_86 : i32 to index
        %get3A_90 = tpu.vector_load %arg10[%get3A_88, %get3A_89] {strides = array<i32>} : memref<16x128xf32, #tpu.memory_space<vmem>>, vector<1x16xf32>,
        %get3A_91 = vector.shape_cast %get3A_90 : vector<1x16xf32> to vector<16xf32>
        %min3A_92 = arith.minimumf %min3A_84, %get3A_91 : vector<16xf32>
        %mul3A_93 = arith.constant 16 : i32
        %mul3A_94 = arith.muli %scan3A_47, %mul3A_93 : i32
        %get3A_95 = arith.constant 6 : i32
        %get3A_96 = arith.index_cast %get3A_95 : i32 to index
        %get3A_97 = arith.index_cast %mul3A_94 : i32 to index
        %get3A_98 = tpu.vector_load %arg10[%get3A_96, %get3A_97] {strides = array<i32>} : memref<16x128xf32, #tpu.memory_space<vmem>>, vector<1x16xf32>,
        %get3A_99 = vector.shape_cast %get3A_98 : vector<1x16xf32> to vector<16xf32>
        %min3A_100 = arith.minimumf %min3A_92, %get3A_99 : vector<16xf32>
        %mul3A_101 = arith.constant 16 : i32
        %mul3A_102 = arith.muli %scan3A_47, %mul3A_101 : i32
        %get3A_103 = arith.constant 7 : i32
        %get3A_104 = arith.index_cast %get3A_103 : i32 to index
        %get3A_105 = arith.index_cast %mul3A_102 : i32 to index
        %get3A_106 = tpu.vector_load %arg10[%get3A_104, %get3A_105] {strides = array<i32>} : memref<16x128xf32, #tpu.memory_space<vmem>>, vector<1x16xf32>,
        %get3A_107 = vector.shape_cast %get3A_106 : vector<1x16xf32> to vector<16xf32>
        %min3A_108 = arith.minimumf %min3A_100, %get3A_107 : vector<16xf32>
        %mul3A_109 = arith.constant 16 : i32
        %mul3A_110 = arith.muli %scan3A_47, %mul3A_109 : i32
        %get3A_111 = arith.constant 8 : i32
        %get3A_112 = arith.index_cast %get3A_111 : i32 to index
        %get3A_113 = arith.index_cast %mul3A_110 : i32 to index
        %get3A_114 = tpu.vector_load %arg10[%get3A_112, %get3A_113] {strides = array<i32>} : memref<16x128xf32, #tpu.memory_space<vmem>>, vector<1x16xf32>,
        %get3A_115 = vector.shape_cast %get3A_114 : vector<1x16xf32> to vector<16xf32>
        %min3A_116 = arith.minimumf %min3A_108, %get3A_115 : vector<16xf32>
        %mul3A_117 = arith.constant 16 : i32
        %mul3A_118 = arith.muli %scan3A_47, %mul3A_117 : i32
        %get3A_119 = arith.constant 9 : i32
        %get3A_120 = arith.index_cast %get3A_119 : i32 to index
        %get3A_121 = arith.index_cast %mul3A_118 : i32 to index
        %get3A_122 = tpu.vector_load %arg10[%get3A_120, %get3A_121] {strides = array<i32>} : memref<16x128xf32, #tpu.memory_space<vmem>>, vector<1x16xf32>,
        %get3A_123 = vector.shape_cast %get3A_122 : vector<1x16xf32> to vector<16xf32>
        %min3A_124 = arith.minimumf %min3A_116, %get3A_123 : vector<16xf32>
        %mul3A_125 = arith.constant 16 : i32
        %mul3A_126 = arith.muli %scan3A_47, %mul3A_125 : i32
        %get3A_127 = arith.constant 10 : i32
        %get3A_128 = arith.index_cast %get3A_127 : i32 to index
        %get3A_129 = arith.index_cast %mul3A_126 : i32 to index
        %get3A_130 = tpu.vector_load %arg10[%get3A_128, %get3A_129] {strides = array<i32>} : memref<16x128xf32, #tpu.memory_space<vmem>>, vector<1x16xf32>,
        %get3A_131 = vector.shape_cast %get3A_130 : vector<1x16xf32> to vector<16xf32>
        %min3A_132 = arith.minimumf %min3A_124, %get3A_131 : vector<16xf32>
        %mul3A_133 = arith.constant 16 : i32
        %mul3A_134 = arith.muli %scan3A_47, %mul3A_133 : i32
        %get3A_135 = arith.constant 11 : i32
        %get3A_136 = arith.index_cast %get3A_135 : i32 to index
        %get3A_137 = arith.index_cast %mul3A_134 : i32 to index
        %get3A_138 = tpu.vector_load %arg10[%get3A_136, %get3A_137] {strides = array<i32>} : memref<16x128xf32, #tpu.memory_space<vmem>>, vector<1x16xf32>,
        %get3A_139 = vector.shape_cast %get3A_138 : vector<1x16xf32> to vector<16xf32>
        %min3A_140 = arith.minimumf %min3A_132, %get3A_139 : vector<16xf32>
        %mul3A_141 = arith.constant 16 : i32
        %mul3A_142 = arith.muli %scan3A_47, %mul3A_141 : i32
        %get3A_143 = arith.constant 12 : i32
        %get3A_144 = arith.index_cast %get3A_143 : i32 to index
        %get3A_145 = arith.index_cast %mul3A_142 : i32 to index
        %get3A_146 = tpu.vector_load %arg10[%get3A_144, %get3A_145] {strides = array<i32>} : memref<16x128xf32, #tpu.memory_space<vmem>>, vector<1x16xf32>,
        %get3A_147 = vector.shape_cast %get3A_146 : vector<1x16xf32> to vector<16xf32>
        %min3A_148 = arith.minimumf %min3A_140, %get3A_147 : vector<16xf32>
        %mul3A_149 = arith.constant 16 : i32
        %mul3A_150 = arith.muli %scan3A_47, %mul3A_149 : i32
        %get3A_151 = arith.constant 13 : i32
        %get3A_152 = arith.index_cast %get3A_151 : i32 to index
        %get3A_153 = arith.index_cast %mul3A_150 : i32 to index
        %get3A_154 = tpu.vector_load %arg10[%get3A_152, %get3A_153] {strides = array<i32>} : memref<16x128xf32, #tpu.memory_space<vmem>>, vector<1x16xf32>,
        %get3A_155 = vector.shape_cast %get3A_154 : vector<1x16xf32> to vector<16xf32>
        %min3A_156 = arith.minimumf %min3A_148, %get3A_155 : vector<16xf32>
        %mul3A_157 = arith.constant 16 : i32
        %mul3A_158 = arith.muli %scan3A_47, %mul3A_157 : i32
        %get3A_159 = arith.constant 14 : i32
        %get3A_160 = arith.index_cast %get3A_159 : i32 to index
        %get3A_161 = arith.index_cast %mul3A_158 : i32 to index
        %get3A_162 = tpu.vector_load %arg10[%get3A_160, %get3A_161] {strides = array<i32>} : memref<16x128xf32, #tpu.memory_space<vmem>>, vector<1x16xf32>,
        %get3A_163 = vector.shape_cast %get3A_162 : vector<1x16xf32> to vector<16xf32>
        %min3A_164 = arith.minimumf %min3A_156, %get3A_163 : vector<16xf32>
        %mul3A_165 = arith.constant 16 : i32
        %mul3A_166 = arith.muli %scan3A_47, %mul3A_165 : i32
        %get3A_167 = arith.constant 15 : i32
        %get3A_168 = arith.index_cast %get3A_167 : i32 to index
        %get3A_169 = arith.index_cast %mul3A_166 : i32 to index
        %get3A_170 = tpu.vector_load %arg10[%get3A_168, %get3A_169] {strides = array<i32>} : memref<16x128xf32, #tpu.memory_space<vmem>>, vector<1x16xf32>,
        %get3A_171 = vector.shape_cast %get3A_170 : vector<1x16xf32> to vector<16xf32>
        %min3A_172 = arith.minimumf %min3A_164, %get3A_171 : vector<16xf32>
        %mul3A_173 = arith.constant 16 : i32
        %mul3A_174 = arith.muli %scan3A_47, %mul3A_173 : i32
        %swap3A = arith.index_cast %mul3A_174 : i32 to index
        %swap3A_175 = tpu.vector_load %arg11[%swap3A] {strides = array<i32>} : memref<128xf32, #tpu.memory_space<vmem>>, vector<16xf32>,
        %swap3A_176 = vector.shape_cast %swap3A_175 : vector<16xf32> to vector<16xf32>
        %swap3A_177 = vector.shape_cast %min3A_172 : vector<16xf32> to vector<16xf32>
        tpu.vector_store %arg11[%swap3A], %swap3A_177 {strides = array<i32>} : memref<128xf32, #tpu.memory_space<vmem>>, vector<16xf32>,
      }
      %scan3A_44 = arith.constant 8 : i32
      %mul3A_45 = arith.constant 128 : i32
      %mul3A_46 = arith.muli %arg1, %mul3A_45 : i32
      "tpu.region"() ({
        %run_scoped3A = tpu.sem_alloc : memref<!tpu.dma_semaphore, #tpu.memory_space<semaphore_mem>>
        %dma_start3A = tpu.memref_slice %arg5[%add3A_2, %mul3A_46] : memref<4x1280xf32, #tpu.memory_space<hbm>> -> memref<1x128xf32, #tpu.memory_space<hbm>>
        %dma_start3A_47 = tpu.memref_squeeze %dma_start3A : memref<1x128xf32, #tpu.memory_space<hbm>> -> memref<128xf32, #tpu.memory_space<hbm>>
        %dma_start3A_48 = tpu.memref_slice %arg5[%add3A_2, %mul3A_46] : memref<4x1280xf32, #tpu.memory_space<hbm>> -> memref<1x128xf32, #tpu.memory_space<hbm>>
        %dma_start3A_49 = tpu.memref_squeeze %dma_start3A_48 : memref<1x128xf32, #tpu.memory_space<hbm>> -> memref<128xf32, #tpu.memory_space<hbm>>
        tpu.enqueue_dma source(%arg11 : memref<128xf32, #tpu.memory_space<vmem>>) target(%dma_start3A_49 : memref<128xf32, #tpu.memory_space<hbm>>) target_semaphore(%run_scoped3A : memref<!tpu.dma_semaphore, #tpu.memory_space<semaphore_mem>>)
        %dma_wait3A = tpu.memref_slice %arg5[%add3A_2, %mul3A_46] : memref<4x1280xf32, #tpu.memory_space<hbm>> -> memref<1x128xf32, #tpu.memory_space<hbm>>
        %dma_wait3A_50 = tpu.memref_squeeze %dma_wait3A : memref<1x128xf32, #tpu.memory_space<hbm>> -> memref<128xf32, #tpu.memory_space<hbm>>
        %dma_wait3A_51 = tpu.memref_slice %arg5[%add3A_2, %mul3A_46] : memref<4x1280xf32, #tpu.memory_space<hbm>> -> memref<1x128xf32, #tpu.memory_space<hbm>>
        %dma_wait3A_52 = tpu.memref_squeeze %dma_wait3A_51 : memref<1x128xf32, #tpu.memory_space<hbm>> -> memref<128xf32, #tpu.memory_space<hbm>>
        tpu.wait_dma2 semaphore(%run_scoped3A : memref<!tpu.dma_semaphore, #tpu.memory_space<semaphore_mem>>) src(%arg11 : memref<128xf32, #tpu.memory_space<vmem>>) dst(%dma_wait3A_52 : memref<128xf32, #tpu.memory_space<hbm>>)
        tpu.yield
      }) : () -> ()
    } else {
    }
    %barrier3A_14 = arith.constant 0 : index
    tpu.barrier barrier_id(%barrier3A_14)
    %mul3A_15 = arith.constant 2 : i32
    %mul3A_16 = arith.muli %arg0, %mul3A_15 : i32
    %add3A_17 = arith.constant 1 : i32
    %add3A_18 = arith.addi %mul3A_16, %add3A_17 : i32
    "tpu.region"() ({
      %run_scoped3A = tpu.sem_alloc : memref<!tpu.dma_semaphore, #tpu.memory_space<semaphore_mem>>
      %dma_start3A = arith.constant 0 : i32
      %dma_start3A_37 = arith.constant 2816 : i32
      %dma_start3A_38 = tpu.memref_slice %arg3[%add3A_18, %dma_start3A, %dma_start3A_37] : memref<4x3x4096xf32, #tpu.memory_space<hbm>> -> memref<1x3x1280xf32, #tpu.memory_space<hbm>>
      %dma_start3A_39 = tpu.memref_squeeze %dma_start3A_38 : memref<1x3x1280xf32, #tpu.memory_space<hbm>> -> memref<3x1280xf32, #tpu.memory_space<hbm>>
      %dma_start3A_40 = arith.constant 0 : i32
      %dma_start3A_41 = arith.constant 2816 : i32
      %dma_start3A_42 = tpu.memref_slice %arg3[%add3A_18, %dma_start3A_40, %dma_start3A_41] : memref<4x3x4096xf32, #tpu.memory_space<hbm>> -> memref<1x3x1280xf32, #tpu.memory_space<hbm>>
      %dma_start3A_43 = tpu.memref_squeeze %dma_start3A_42 : memref<1x3x1280xf32, #tpu.memory_space<hbm>> -> memref<3x1280xf32, #tpu.memory_space<hbm>>
      tpu.enqueue_dma source(%dma_start3A_43 : memref<3x1280xf32, #tpu.memory_space<hbm>>) target(%arg7 : memref<3x1280xf32, #tpu.memory_space<vmem>>) target_semaphore(%run_scoped3A : memref<!tpu.dma_semaphore, #tpu.memory_space<semaphore_mem>>)
      %dma_wait3A = arith.constant 0 : i32
      %dma_wait3A_44 = arith.constant 2816 : i32
      %dma_wait3A_45 = tpu.memref_slice %arg3[%add3A_18, %dma_wait3A, %dma_wait3A_44] : memref<4x3x4096xf32, #tpu.memory_space<hbm>> -> memref<1x3x1280xf32, #tpu.memory_space<hbm>>
      %dma_wait3A_46 = tpu.memref_squeeze %dma_wait3A_45 : memref<1x3x1280xf32, #tpu.memory_space<hbm>> -> memref<3x1280xf32, #tpu.memory_space<hbm>>
      %dma_wait3A_47 = arith.constant 0 : i32
      %dma_wait3A_48 = arith.constant 2816 : i32
      %dma_wait3A_49 = tpu.memref_slice %arg3[%add3A_18, %dma_wait3A_47, %dma_wait3A_48] : memref<4x3x4096xf32, #tpu.memory_space<hbm>> -> memref<1x3x1280xf32, #tpu.memory_space<hbm>>
      %dma_wait3A_50 = tpu.memref_squeeze %dma_wait3A_49 : memref<1x3x1280xf32, #tpu.memory_space<hbm>> -> memref<3x1280xf32, #tpu.memory_space<hbm>>
      tpu.wait_dma2 semaphore(%run_scoped3A : memref<!tpu.dma_semaphore, #tpu.memory_space<semaphore_mem>>) src(%dma_wait3A_50 : memref<3x1280xf32, #tpu.memory_space<hbm>>) dst(%arg7 : memref<3x1280xf32, #tpu.memory_space<vmem>>)
      tpu.yield
    }) : () -> ()
    "tpu.region"() ({
      %run_scoped3A = tpu.sem_alloc : memref<!tpu.dma_semaphore, #tpu.memory_space<semaphore_mem>>
      %dma_start3A = arith.constant 0 : i32
      %dma_start3A_37 = tpu.memref_slice %arg2[%add3A_18, %arg1, %dma_start3A] : memref<4x16x768xf32, #tpu.memory_space<hbm>> -> memref<1x1x768xf32, #tpu.memory_space<hbm>>
      %dma_start3A_38 = tpu.memref_squeeze %dma_start3A_37 : memref<1x1x768xf32, #tpu.memory_space<hbm>> -> memref<768xf32, #tpu.memory_space<hbm>>
      %dma_start3A_39 = arith.constant 0 : i32
      %dma_start3A_40 = tpu.memref_slice %arg2[%add3A_18, %arg1, %dma_start3A_39] : memref<4x16x768xf32, #tpu.memory_space<hbm>> -> memref<1x1x768xf32, #tpu.memory_space<hbm>>
      %dma_start3A_41 = tpu.memref_squeeze %dma_start3A_40 : memref<1x1x768xf32, #tpu.memory_space<hbm>> -> memref<768xf32, #tpu.memory_space<hbm>>
      tpu.enqueue_dma source(%dma_start3A_41 : memref<768xf32, #tpu.memory_space<hbm>>) target(%arg6 : memref<768xf32, #tpu.memory_space<vmem>>) target_semaphore(%run_scoped3A : memref<!tpu.dma_semaphore, #tpu.memory_space<semaphore_mem>>)
      %dma_wait3A = arith.constant 0 : i32
      %dma_wait3A_42 = tpu.memref_slice %arg2[%add3A_18, %arg1, %dma_wait3A] : memref<4x16x768xf32, #tpu.memory_space<hbm>> -> memref<1x1x768xf32, #tpu.memory_space<hbm>>
      %dma_wait3A_43 = tpu.memref_squeeze %dma_wait3A_42 : memref<1x1x768xf32, #tpu.memory_space<hbm>> -> memref<768xf32, #tpu.memory_space<hbm>>
      %dma_wait3A_44 = arith.constant 0 : i32
      %dma_wait3A_45 = tpu.memref_slice %arg2[%add3A_18, %arg1, %dma_wait3A_44] : memref<4x16x768xf32, #tpu.memory_space<hbm>> -> memref<1x1x768xf32, #tpu.memory_space<hbm>>
      %dma_wait3A_46 = tpu.memref_squeeze %dma_wait3A_45 : memref<1x1x768xf32, #tpu.memory_space<hbm>> -> memref<768xf32, #tpu.memory_space<hbm>>
      tpu.wait_dma2 semaphore(%run_scoped3A : memref<!tpu.dma_semaphore, #tpu.memory_space<semaphore_mem>>) src(%dma_wait3A_46 : memref<768xf32, #tpu.memory_space<hbm>>) dst(%arg6 : memref<768xf32, #tpu.memory_space<vmem>>)
      tpu.yield
    }) : () -> ()
    %parallel_loop3A_19 = arith.constant 0 : i32
    %parallel_loop3A_20 = arith.constant 80 : i32
    %parallel_loop3A_21 = arith.constant 1 : i32
    scf.for %parallel_loop3A_37 = %parallel_loop3A_19 to %parallel_loop3A_20 step %parallel_loop3A_21  : i32 {
      %parallel_loop3A_38 = arith.constant 16 : i32
      %parallel_loop3A_39 = arith.muli %parallel_loop3A_37, %parallel_loop3A_38 : i32
      %parallel_loop3A_40 = arith.index_cast %parallel_loop3A_39 : i32 to index
      %parallel_loop3A_41 = tpu.vector_load %arg8[%parallel_loop3A_40] {strides = array<i32>} : memref<1280xf32, #tpu.memory_space<vmem>>, vector<16xf32>,
      %parallel_loop3A_42 = vector.shape_cast %parallel_loop3A_41 : vector<16xf32> to vector<16xf32>
      %parallel_loop3A_43 = vector.shape_cast %broadcast_in_dim3A_0 : vector<16xf32> to vector<16xf32>
      tpu.vector_store %arg8[%parallel_loop3A_40], %parallel_loop3A_43 {strides = array<i32>} : memref<1280xf32, #tpu.memory_space<vmem>>, vector<16xf32>,
    } {sc.loop_unroll_factor = 1 : i64, sc.parallel_access}
    %scan3A_22 = arith.constant 0 : i32
    %scan3A_23 = arith.constant 0 : i32
    %scan3A_24 = arith.constant 32 : i32
    %scan3A_25 = arith.addi %scan3A_23, %scan3A_24 : i32
    %scan3A_26 = arith.constant 1 : i32
    scf.for %scan3A_37 = %scan3A_23 to %scan3A_25 step %scan3A_26  : i32 {
      %mul3A_38 = arith.constant 8 : i32
      %mul3A_39 = arith.muli %scan3A_37, %mul3A_38 : i32
      %jit3A = arith.constant 16 : i32
      %div3A = arith.divsi %mul3A_39, %jit3A : i32
      %sign3A = arith.constant 0 : i32
      %sign3A_40 = arith.cmpi sgt, %mul3A_39, %sign3A : i32
      %sign3A_41 = arith.extui %sign3A_40 : i1 to i32
      %sign3A_42 = arith.constant 0 : i32
      %sign3A_43 = arith.cmpi slt, %mul3A_39, %sign3A_42 : i32
      %sign3A_44 = arith.extui %sign3A_43 : i1 to i32
      %sign3A_45 = arith.subi %sign3A_41, %sign3A_44 : i32
      %sign3A_46 = arith.constant 0 : i32
      %sign3A_47 = arith.cmpi sgt, %jit3A, %sign3A_46 : i32
      %sign3A_48 = arith.extui %sign3A_47 : i1 to i32
      %sign3A_49 = arith.constant 0 : i32
      %sign3A_50 = arith.cmpi slt, %jit3A, %sign3A_49 : i32
      %sign3A_51 = arith.extui %sign3A_50 : i1 to i32
      %sign3A_52 = arith.subi %sign3A_48, %sign3A_51 : i32
      %ne3A = arith.cmpi ne, %sign3A_45, %sign3A_52 : i32
      %rem3A = arith.remsi %mul3A_39, %jit3A : i32
      %ne3A_53 = arith.constant 0 : i32
      %ne3A_54 = arith.cmpi ne, %rem3A, %ne3A_53 : i32
      %and3A = arith.andi %ne3A, %ne3A_54 : i1
      %sub3A = arith.constant 1 : i32
      %sub3A_55 = arith.subi %div3A, %sub3A : i32
      %select_n3A = arith.select %and3A, %sub3A_55, %div3A : i32
      %mul3A_56 = arith.constant 16 : i32
      %mul3A_57 = arith.muli %select_n3A, %mul3A_56 : i32
      %add3A_58 = arith.constant 0 : i32
      %add3A_59 = arith.addi %add3A_58, %mul3A_57 : i32
      %get3A = arith.index_cast %add3A_59 : i32 to index
      %get3A_60 = tpu.vector_load %arg6[%get3A] {strides = array<i32>} : memref<768xf32, #tpu.memory_space<vmem>>, vector<16xf32>,
      %get3A_61 = vector.shape_cast %get3A_60 : vector<16xf32> to vector<16xf32>
      %add3A_62 = arith.constant 256 : i32
      %add3A_63 = arith.addi %add3A_62, %mul3A_57 : i32
      %get3A_64 = arith.index_cast %add3A_63 : i32 to index
      %get3A_65 = tpu.vector_load %arg6[%get3A_64] {strides = array<i32>} : memref<768xf32, #tpu.memory_space<vmem>>, vector<16xf32>,
      %get3A_66 = vector.shape_cast %get3A_65 : vector<16xf32> to vector<16xf32>
      %add3A_67 = arith.constant 512 : i32
      %add3A_68 = arith.addi %add3A_67, %mul3A_57 : i32
      %get3A_69 = arith.index_cast %add3A_68 : i32 to index
      %get3A_70 = tpu.vector_load %arg6[%get3A_69] {strides = array<i32>} : memref<768xf32, #tpu.memory_space<vmem>>, vector<16xf32>,
      %get3A_71 = vector.shape_cast %get3A_70 : vector<16xf32> to vector<16xf32>
      %jit3A_72 = arith.constant 16 : i32
      %eq3A = arith.constant 0 : i32
      %eq3A_73 = arith.cmpi eq, %jit3A_72, %eq3A : i32
      %jit3A_74 = arith.constant 1 : i32
      %select_n3A_75 = arith.select %eq3A_73, %jit3A_74, %jit3A_72 : i32
      %rem3A_76 = arith.remsi %mul3A_39, %select_n3A_75 : i32
      %ne3A_77 = arith.constant 0 : i32
      %ne3A_78 = arith.cmpi ne, %rem3A_76, %ne3A_77 : i32
      %lt3A_79 = arith.constant 0 : i32
      %lt3A_80 = arith.cmpi slt, %rem3A_76, %lt3A_79 : i32
      %lt3A_81 = arith.constant 0 : i32
      %lt3A_82 = arith.cmpi slt, %select_n3A_75, %lt3A_81 : i32
      %ne3A_83 = arith.xori %lt3A_80, %lt3A_82 : i1
      %and3A_84 = arith.andi %ne3A_83, %ne3A_78 : i1
      %add3A_85 = arith.addi %rem3A_76, %select_n3A_75 : i32
      %select_n3A_86 = arith.select %and3A_84, %add3A_85, %rem3A_76 : i32
      %add3A_87 = arith.constant 0 : i32
      %add3A_88 = arith.addi %select_n3A_86, %add3A_87 : i32
      %broadcast_in_dim3A_89 = vector.broadcast %add3A_88 : i32 to vector<16xi32>
      %broadcast_in_dim3A_90 = vector.shape_cast %broadcast_in_dim3A_89 : vector<16xi32> to vector<16x1xi32>
      %gather3A = vector.shape_cast %broadcast_in_dim3A_90 : vector<16x1xi32> to vector<16xi32>
      %gather3A_91 = tpu.dynamic_gather %get3A_61[%gather3A] in [0] : vector<16xf32>, vector<16xi32> -> vector<16xf32>
      %jit3A_92 = arith.constant 16 : i32
      %eq3A_93 = arith.constant 0 : i32
      %eq3A_94 = arith.cmpi eq, %jit3A_92, %eq3A_93 : i32
      %jit3A_95 = arith.constant 1 : i32
      %select_n3A_96 = arith.select %eq3A_94, %jit3A_95, %jit3A_92 : i32
      %rem3A_97 = arith.remsi %mul3A_39, %select_n3A_96 : i32
      %ne3A_98 = arith.constant 0 : i32
      %ne3A_99 = arith.cmpi ne, %rem3A_97, %ne3A_98 : i32
      %lt3A_100 = arith.constant 0 : i32
      %lt3A_101 = arith.cmpi slt, %rem3A_97, %lt3A_100 : i32
      %lt3A_102 = arith.constant 0 : i32
      %lt3A_103 = arith.cmpi slt, %select_n3A_96, %lt3A_102 : i32
      %ne3A_104 = arith.xori %lt3A_101, %lt3A_103 : i1
      %and3A_105 = arith.andi %ne3A_104, %ne3A_99 : i1
      %add3A_106 = arith.addi %rem3A_97, %select_n3A_96 : i32
      %select_n3A_107 = arith.select %and3A_105, %add3A_106, %rem3A_97 : i32
      %add3A_108 = arith.constant 0 : i32
      %add3A_109 = arith.addi %select_n3A_107, %add3A_108 : i32
      %broadcast_in_dim3A_110 = vector.broadcast %add3A_109 : i32 to vector<16xi32>
      %broadcast_in_dim3A_111 = vector.shape_cast %broadcast_in_dim3A_110 : vector<16xi32> to vector<16x1xi32>
      %gather3A_112 = vector.shape_cast %broadcast_in_dim3A_111 : vector<16x1xi32> to vector<16xi32>
      %gather3A_113 = tpu.dynamic_gather %get3A_66[%gather3A_112] in [0] : vector<16xf32>, vector<16xi32> -> vector<16xf32>
      %jit3A_114 = arith.constant 16 : i32
      %eq3A_115 = arith.constant 0 : i32
      %eq3A_116 = arith.cmpi eq, %jit3A_114, %eq3A_115 : i32
      %jit3A_117 = arith.constant 1 : i32
      %select_n3A_118 = arith.select %eq3A_116, %jit3A_117, %jit3A_114 : i32
      %rem3A_119 = arith.remsi %mul3A_39, %select_n3A_118 : i32
      %ne3A_120 = arith.constant 0 : i32
      %ne3A_121 = arith.cmpi ne, %rem3A_119, %ne3A_120 : i32
      %lt3A_122 = arith.constant 0 : i32
      %lt3A_123 = arith.cmpi slt, %rem3A_119, %lt3A_122 : i32
      %lt3A_124 = arith.constant 0 : i32
      %lt3A_125 = arith.cmpi slt, %select_n3A_118, %lt3A_124 : i32
      %ne3A_126 = arith.xori %lt3A_123, %lt3A_125 : i1
      %and3A_127 = arith.andi %ne3A_126, %ne3A_121 : i1
      %add3A_128 = arith.addi %rem3A_119, %select_n3A_118 : i32
      %select_n3A_129 = arith.select %and3A_127, %add3A_128, %rem3A_119 : i32
      %add3A_130 = arith.constant 0 : i32
      %add3A_131 = arith.addi %select_n3A_129, %add3A_130 : i32
      %broadcast_in_dim3A_132 = vector.broadcast %add3A_131 : i32 to vector<16xi32>
      %broadcast_in_dim3A_133 = vector.shape_cast %broadcast_in_dim3A_132 : vector<16xi32> to vector<16x1xi32>
      %gather3A_134 = vector.shape_cast %broadcast_in_dim3A_133 : vector<16x1xi32> to vector<16xi32>
      %gather3A_135 = tpu.dynamic_gather %get3A_71[%gather3A_134] in [0] : vector<16xf32>, vector<16xi32> -> vector<16xf32>
      %jit3A_136 = arith.constant 16 : i32
      %eq3A_137 = arith.constant 0 : i32
      %eq3A_138 = arith.cmpi eq, %jit3A_136, %eq3A_137 : i32
      %jit3A_139 = arith.constant 1 : i32
      %select_n3A_140 = arith.select %eq3A_138, %jit3A_139, %jit3A_136 : i32
      %rem3A_141 = arith.remsi %mul3A_39, %select_n3A_140 : i32
      %ne3A_142 = arith.constant 0 : i32
      %ne3A_143 = arith.cmpi ne, %rem3A_141, %ne3A_142 : i32
      %lt3A_144 = arith.constant 0 : i32
      %lt3A_145 = arith.cmpi slt, %rem3A_141, %lt3A_144 : i32
      %lt3A_146 = arith.constant 0 : i32
      %lt3A_147 = arith.cmpi slt, %select_n3A_140, %lt3A_146 : i32
      %ne3A_148 = arith.xori %lt3A_145, %lt3A_147 : i1
      %and3A_149 = arith.andi %ne3A_148, %ne3A_143 : i1
      %add3A_150 = arith.addi %rem3A_141, %select_n3A_140 : i32
      %select_n3A_151 = arith.select %and3A_149, %add3A_150, %rem3A_141 : i32
      %add3A_152 = arith.constant 1 : i32
      %add3A_153 = arith.addi %select_n3A_151, %add3A_152 : i32
      %broadcast_in_dim3A_154 = vector.broadcast %add3A_153 : i32 to vector<16xi32>
      %broadcast_in_dim3A_155 = vector.shape_cast %broadcast_in_dim3A_154 : vector<16xi32> to vector<16x1xi32>
      %gather3A_156 = vector.shape_cast %broadcast_in_dim3A_155 : vector<16x1xi32> to vector<16xi32>
      %gather3A_157 = tpu.dynamic_gather %get3A_61[%gather3A_156] in [0] : vector<16xf32>, vector<16xi32> -> vector<16xf32>
      %jit3A_158 = arith.constant 16 : i32
      %eq3A_159 = arith.constant 0 : i32
      %eq3A_160 = arith.cmpi eq, %jit3A_158, %eq3A_159 : i32
      %jit3A_161 = arith.constant 1 : i32
      %select_n3A_162 = arith.select %eq3A_160, %jit3A_161, %jit3A_158 : i32
      %rem3A_163 = arith.remsi %mul3A_39, %select_n3A_162 : i32
      %ne3A_164 = arith.constant 0 : i32
      %ne3A_165 = arith.cmpi ne, %rem3A_163, %ne3A_164 : i32
      %lt3A_166 = arith.constant 0 : i32
      %lt3A_167 = arith.cmpi slt, %rem3A_163, %lt3A_166 : i32
      %lt3A_168 = arith.constant 0 : i32
      %lt3A_169 = arith.cmpi slt, %select_n3A_162, %lt3A_168 : i32
      %ne3A_170 = arith.xori %lt3A_167, %lt3A_169 : i1
      %and3A_171 = arith.andi %ne3A_170, %ne3A_165 : i1
      %add3A_172 = arith.addi %rem3A_163, %select_n3A_162 : i32
      %select_n3A_173 = arith.select %and3A_171, %add3A_172, %rem3A_163 : i32
      %add3A_174 = arith.constant 1 : i32
      %add3A_175 = arith.addi %select_n3A_173, %add3A_174 : i32
      %broadcast_in_dim3A_176 = vector.broadcast %add3A_175 : i32 to vector<16xi32>
      %broadcast_in_dim3A_177 = vector.shape_cast %broadcast_in_dim3A_176 : vector<16xi32> to vector<16x1xi32>
      %gather3A_178 = vector.shape_cast %broadcast_in_dim3A_177 : vector<16x1xi32> to vector<16xi32>
      %gather3A_179 = tpu.dynamic_gather %get3A_66[%gather3A_178] in [0] : vector<16xf32>, vector<16xi32> -> vector<16xf32>
      %jit3A_180 = arith.constant 16 : i32
      %eq3A_181 = arith.constant 0 : i32
      %eq3A_182 = arith.cmpi eq, %jit3A_180, %eq3A_181 : i32
      %jit3A_183 = arith.constant 1 : i32
      %select_n3A_184 = arith.select %eq3A_182, %jit3A_183, %jit3A_180 : i32
      %rem3A_185 = arith.remsi %mul3A_39, %select_n3A_184 : i32
      %ne3A_186 = arith.constant 0 : i32
      %ne3A_187 = arith.cmpi ne, %rem3A_185, %ne3A_186 : i32
      %lt3A_188 = arith.constant 0 : i32
      %lt3A_189 = arith.cmpi slt, %rem3A_185, %lt3A_188 : i32
      %lt3A_190 = arith.constant 0 : i32
      %lt3A_191 = arith.cmpi slt, %select_n3A_184, %lt3A_190 : i32
      %ne3A_192 = arith.xori %lt3A_189, %lt3A_191 : i1
      %and3A_193 = arith.andi %ne3A_192, %ne3A_187 : i1
      %add3A_194 = arith.addi %rem3A_185, %select_n3A_184 : i32
      %select_n3A_195 = arith.select %and3A_193, %add3A_194, %rem3A_185 : i32
      %add3A_196 = arith.constant 1 : i32
      %add3A_197 = arith.addi %select_n3A_195, %add3A_196 : i32
      %broadcast_in_dim3A_198 = vector.broadcast %add3A_197 : i32 to vector<16xi32>
      %broadcast_in_dim3A_199 = vector.shape_cast %broadcast_in_dim3A_198 : vector<16xi32> to vector<16x1xi32>
      %gather3A_200 = vector.shape_cast %broadcast_in_dim3A_199 : vector<16x1xi32> to vector<16xi32>
      %gather3A_201 = tpu.dynamic_gather %get3A_71[%gather3A_200] in [0] : vector<16xf32>, vector<16xi32> -> vector<16xf32>
      %jit3A_202 = arith.constant 16 : i32
      %eq3A_203 = arith.constant 0 : i32
      %eq3A_204 = arith.cmpi eq, %jit3A_202, %eq3A_203 : i32
      %jit3A_205 = arith.constant 1 : i32
      %select_n3A_206 = arith.select %eq3A_204, %jit3A_205, %jit3A_202 : i32
      %rem3A_207 = arith.remsi %mul3A_39, %select_n3A_206 : i32
      %ne3A_208 = arith.constant 0 : i32
      %ne3A_209 = arith.cmpi ne, %rem3A_207, %ne3A_208 : i32
      %lt3A_210 = arith.constant 0 : i32
      %lt3A_211 = arith.cmpi slt, %rem3A_207, %lt3A_210 : i32
      %lt3A_212 = arith.constant 0 : i32
      %lt3A_213 = arith.cmpi slt, %select_n3A_206, %lt3A_212 : i32
      %ne3A_214 = arith.xori %lt3A_211, %lt3A_213 : i1
      %and3A_215 = arith.andi %ne3A_214, %ne3A_209 : i1
      %add3A_216 = arith.addi %rem3A_207, %select_n3A_206 : i32
      %select_n3A_217 = arith.select %and3A_215, %add3A_216, %rem3A_207 : i32
      %add3A_218 = arith.constant 2 : i32
      %add3A_219 = arith.addi %select_n3A_217, %add3A_218 : i32
      %broadcast_in_dim3A_220 = vector.broadcast %add3A_219 : i32 to vector<16xi32>
      %broadcast_in_dim3A_221 = vector.shape_cast %broadcast_in_dim3A_220 : vector<16xi32> to vector<16x1xi32>
      %gather3A_222 = vector.shape_cast %broadcast_in_dim3A_221 : vector<16x1xi32> to vector<16xi32>
      %gather3A_223 = tpu.dynamic_gather %get3A_61[%gather3A_222] in [0] : vector<16xf32>, vector<16xi32> -> vector<16xf32>
      %jit3A_224 = arith.constant 16 : i32
      %eq3A_225 = arith.constant 0 : i32
      %eq3A_226 = arith.cmpi eq, %jit3A_224, %eq3A_225 : i32
      %jit3A_227 = arith.constant 1 : i32
      %select_n3A_228 = arith.select %eq3A_226, %jit3A_227, %jit3A_224 : i32
      %rem3A_229 = arith.remsi %mul3A_39, %select_n3A_228 : i32
      %ne3A_230 = arith.constant 0 : i32
      %ne3A_231 = arith.cmpi ne, %rem3A_229, %ne3A_230 : i32
      %lt3A_232 = arith.constant 0 : i32
      %lt3A_233 = arith.cmpi slt, %rem3A_229, %lt3A_232 : i32
      %lt3A_234 = arith.constant 0 : i32
      %lt3A_235 = arith.cmpi slt, %select_n3A_228, %lt3A_234 : i32
      %ne3A_236 = arith.xori %lt3A_233, %lt3A_235 : i1
      %and3A_237 = arith.andi %ne3A_236, %ne3A_231 : i1
      %add3A_238 = arith.addi %rem3A_229, %select_n3A_228 : i32
      %select_n3A_239 = arith.select %and3A_237, %add3A_238, %rem3A_229 : i32
      %add3A_240 = arith.constant 2 : i32
      %add3A_241 = arith.addi %select_n3A_239, %add3A_240 : i32
      %broadcast_in_dim3A_242 = vector.broadcast %add3A_241 : i32 to vector<16xi32>
      %broadcast_in_dim3A_243 = vector.shape_cast %broadcast_in_dim3A_242 : vector<16xi32> to vector<16x1xi32>
      %gather3A_244 = vector.shape_cast %broadcast_in_dim3A_243 : vector<16x1xi32> to vector<16xi32>
      %gather3A_245 = tpu.dynamic_gather %get3A_66[%gather3A_244] in [0] : vector<16xf32>, vector<16xi32> -> vector<16xf32>
      %jit3A_246 = arith.constant 16 : i32
      %eq3A_247 = arith.constant 0 : i32
      %eq3A_248 = arith.cmpi eq, %jit3A_246, %eq3A_247 : i32
      %jit3A_249 = arith.constant 1 : i32
      %select_n3A_250 = arith.select %eq3A_248, %jit3A_249, %jit3A_246 : i32
      %rem3A_251 = arith.remsi %mul3A_39, %select_n3A_250 : i32
      %ne3A_252 = arith.constant 0 : i32
      %ne3A_253 = arith.cmpi ne, %rem3A_251, %ne3A_252 : i32
      %lt3A_254 = arith.constant 0 : i32
      %lt3A_255 = arith.cmpi slt, %rem3A_251, %lt3A_254 : i32
      %lt3A_256 = arith.constant 0 : i32
      %lt3A_257 = arith.cmpi slt, %select_n3A_250, %lt3A_256 : i32
      %ne3A_258 = arith.xori %lt3A_255, %lt3A_257 : i1
      %and3A_259 = arith.andi %ne3A_258, %ne3A_253 : i1
      %add3A_260 = arith.addi %rem3A_251, %select_n3A_250 : i32
      %select_n3A_261 = arith.select %and3A_259, %add3A_260, %rem3A_251 : i32
      %add3A_262 = arith.constant 2 : i32
      %add3A_263 = arith.addi %select_n3A_261, %add3A_262 : i32
      %broadcast_in_dim3A_264 = vector.broadcast %add3A_263 : i32 to vector<16xi32>
      %broadcast_in_dim3A_265 = vector.shape_cast %broadcast_in_dim3A_264 : vector<16xi32> to vector<16x1xi32>
      %gather3A_266 = vector.shape_cast %broadcast_in_dim3A_265 : vector<16x1xi32> to vector<16xi32>
      %gather3A_267 = tpu.dynamic_gather %get3A_71[%gather3A_266] in [0] : vector<16xf32>, vector<16xi32> -> vector<16xf32>
      %jit3A_268 = arith.constant 16 : i32
      %eq3A_269 = arith.constant 0 : i32
      %eq3A_270 = arith.cmpi eq, %jit3A_268, %eq3A_269 : i32
      %jit3A_271 = arith.constant 1 : i32
      %select_n3A_272 = arith.select %eq3A_270, %jit3A_271, %jit3A_268 : i32
      %rem3A_273 = arith.remsi %mul3A_39, %select_n3A_272 : i32
      %ne3A_274 = arith.constant 0 : i32
      %ne3A_275 = arith.cmpi ne, %rem3A_273, %ne3A_274 : i32
      %lt3A_276 = arith.constant 0 : i32
      %lt3A_277 = arith.cmpi slt, %rem3A_273, %lt3A_276 : i32
      %lt3A_278 = arith.constant 0 : i32
      %lt3A_279 = arith.cmpi slt, %select_n3A_272, %lt3A_278 : i32
      %ne3A_280 = arith.xori %lt3A_277, %lt3A_279 : i1
      %and3A_281 = arith.andi %ne3A_280, %ne3A_275 : i1
      %add3A_282 = arith.addi %rem3A_273, %select_n3A_272 : i32
      %select_n3A_283 = arith.select %and3A_281, %add3A_282, %rem3A_273 : i32
      %add3A_284 = arith.constant 3 : i32
      %add3A_285 = arith.addi %select_n3A_283, %add3A_284 : i32
      %broadcast_in_dim3A_286 = vector.broadcast %add3A_285 : i32 to vector<16xi32>
      %broadcast_in_dim3A_287 = vector.shape_cast %broadcast_in_dim3A_286 : vector<16xi32> to vector<16x1xi32>
      %gather3A_288 = vector.shape_cast %broadcast_in_dim3A_287 : vector<16x1xi32> to vector<16xi32>
      %gather3A_289 = tpu.dynamic_gather %get3A_61[%gather3A_288] in [0] : vector<16xf32>, vector<16xi32> -> vector<16xf32>
      %jit3A_290 = arith.constant 16 : i32
      %eq3A_291 = arith.constant 0 : i32
      %eq3A_292 = arith.cmpi eq, %jit3A_290, %eq3A_291 : i32
      %jit3A_293 = arith.constant 1 : i32
      %select_n3A_294 = arith.select %eq3A_292, %jit3A_293, %jit3A_290 : i32
      %rem3A_295 = arith.remsi %mul3A_39, %select_n3A_294 : i32
      %ne3A_296 = arith.constant 0 : i32
      %ne3A_297 = arith.cmpi ne, %rem3A_295, %ne3A_296 : i32
      %lt3A_298 = arith.constant 0 : i32
      %lt3A_299 = arith.cmpi slt, %rem3A_295, %lt3A_298 : i32
      %lt3A_300 = arith.constant 0 : i32
      %lt3A_301 = arith.cmpi slt, %select_n3A_294, %lt3A_300 : i32
      %ne3A_302 = arith.xori %lt3A_299, %lt3A_301 : i1
      %and3A_303 = arith.andi %ne3A_302, %ne3A_297 : i1
      %add3A_304 = arith.addi %rem3A_295, %select_n3A_294 : i32
      %select_n3A_305 = arith.select %and3A_303, %add3A_304, %rem3A_295 : i32
      %add3A_306 = arith.constant 3 : i32
      %add3A_307 = arith.addi %select_n3A_305, %add3A_306 : i32
      %broadcast_in_dim3A_308 = vector.broadcast %add3A_307 : i32 to vector<16xi32>
      %broadcast_in_dim3A_309 = vector.shape_cast %broadcast_in_dim3A_308 : vector<16xi32> to vector<16x1xi32>
      %gather3A_310 = vector.shape_cast %broadcast_in_dim3A_309 : vector<16x1xi32> to vector<16xi32>
      %gather3A_311 = tpu.dynamic_gather %get3A_66[%gather3A_310] in [0] : vector<16xf32>, vector<16xi32> -> vector<16xf32>
      %jit3A_312 = arith.constant 16 : i32
      %eq3A_313 = arith.constant 0 : i32
      %eq3A_314 = arith.cmpi eq, %jit3A_312, %eq3A_313 : i32
      %jit3A_315 = arith.constant 1 : i32
      %select_n3A_316 = arith.select %eq3A_314, %jit3A_315, %jit3A_312 : i32
      %rem3A_317 = arith.remsi %mul3A_39, %select_n3A_316 : i32
      %ne3A_318 = arith.constant 0 : i32
      %ne3A_319 = arith.cmpi ne, %rem3A_317, %ne3A_318 : i32
      %lt3A_320 = arith.constant 0 : i32
      %lt3A_321 = arith.cmpi slt, %rem3A_317, %lt3A_320 : i32
      %lt3A_322 = arith.constant 0 : i32
      %lt3A_323 = arith.cmpi slt, %select_n3A_316, %lt3A_322 : i32
      %ne3A_324 = arith.xori %lt3A_321, %lt3A_323 : i1
      %and3A_325 = arith.andi %ne3A_324, %ne3A_319 : i1
      %add3A_326 = arith.addi %rem3A_317, %select_n3A_316 : i32
      %select_n3A_327 = arith.select %and3A_325, %add3A_326, %rem3A_317 : i32
      %add3A_328 = arith.constant 3 : i32
      %add3A_329 = arith.addi %select_n3A_327, %add3A_328 : i32
      %broadcast_in_dim3A_330 = vector.broadcast %add3A_329 : i32 to vector<16xi32>
      %broadcast_in_dim3A_331 = vector.shape_cast %broadcast_in_dim3A_330 : vector<16xi32> to vector<16x1xi32>
      %gather3A_332 = vector.shape_cast %broadcast_in_dim3A_331 : vector<16x1xi32> to vector<16xi32>
      %gather3A_333 = tpu.dynamic_gather %get3A_71[%gather3A_332] in [0] : vector<16xf32>, vector<16xi32> -> vector<16xf32>
      %jit3A_334 = arith.constant 16 : i32
      %eq3A_335 = arith.constant 0 : i32
      %eq3A_336 = arith.cmpi eq, %jit3A_334, %eq3A_335 : i32
      %jit3A_337 = arith.constant 1 : i32
      %select_n3A_338 = arith.select %eq3A_336, %jit3A_337, %jit3A_334 : i32
      %rem3A_339 = arith.remsi %mul3A_39, %select_n3A_338 : i32
      %ne3A_340 = arith.constant 0 : i32
      %ne3A_341 = arith.cmpi ne, %rem3A_339, %ne3A_340 : i32
      %lt3A_342 = arith.constant 0 : i32
      %lt3A_343 = arith.cmpi slt, %rem3A_339, %lt3A_342 : i32
      %lt3A_344 = arith.constant 0 : i32
      %lt3A_345 = arith.cmpi slt, %select_n3A_338, %lt3A_344 : i32
      %ne3A_346 = arith.xori %lt3A_343, %lt3A_345 : i1
      %and3A_347 = arith.andi %ne3A_346, %ne3A_341 : i1
      %add3A_348 = arith.addi %rem3A_339, %select_n3A_338 : i32
      %select_n3A_349 = arith.select %and3A_347, %add3A_348, %rem3A_339 : i32
      %add3A_350 = arith.constant 4 : i32
      %add3A_351 = arith.addi %select_n3A_349, %add3A_350 : i32
      %broadcast_in_dim3A_352 = vector.broadcast %add3A_351 : i32 to vector<16xi32>
      %broadcast_in_dim3A_353 = vector.shape_cast %broadcast_in_dim3A_352 : vector<16xi32> to vector<16x1xi32>
      %gather3A_354 = vector.shape_cast %broadcast_in_dim3A_353 : vector<16x1xi32> to vector<16xi32>
      %gather3A_355 = tpu.dynamic_gather %get3A_61[%gather3A_354] in [0] : vector<16xf32>, vector<16xi32> -> vector<16xf32>
      %jit3A_356 = arith.constant 16 : i32
      %eq3A_357 = arith.constant 0 : i32
      %eq3A_358 = arith.cmpi eq, %jit3A_356, %eq3A_357 : i32
      %jit3A_359 = arith.constant 1 : i32
      %select_n3A_360 = arith.select %eq3A_358, %jit3A_359, %jit3A_356 : i32
      %rem3A_361 = arith.remsi %mul3A_39, %select_n3A_360 : i32
      %ne3A_362 = arith.constant 0 : i32
      %ne3A_363 = arith.cmpi ne, %rem3A_361, %ne3A_362 : i32
      %lt3A_364 = arith.constant 0 : i32
      %lt3A_365 = arith.cmpi slt, %rem3A_361, %lt3A_364 : i32
      %lt3A_366 = arith.constant 0 : i32
      %lt3A_367 = arith.cmpi slt, %select_n3A_360, %lt3A_366 : i32
      %ne3A_368 = arith.xori %lt3A_365, %lt3A_367 : i1
      %and3A_369 = arith.andi %ne3A_368, %ne3A_363 : i1
      %add3A_370 = arith.addi %rem3A_361, %select_n3A_360 : i32
      %select_n3A_371 = arith.select %and3A_369, %add3A_370, %rem3A_361 : i32
      %add3A_372 = arith.constant 4 : i32
      %add3A_373 = arith.addi %select_n3A_371, %add3A_372 : i32
      %broadcast_in_dim3A_374 = vector.broadcast %add3A_373 : i32 to vector<16xi32>
      %broadcast_in_dim3A_375 = vector.shape_cast %broadcast_in_dim3A_374 : vector<16xi32> to vector<16x1xi32>
      %gather3A_376 = vector.shape_cast %broadcast_in_dim3A_375 : vector<16x1xi32> to vector<16xi32>
      %gather3A_377 = tpu.dynamic_gather %get3A_66[%gather3A_376] in [0] : vector<16xf32>, vector<16xi32> -> vector<16xf32>
      %jit3A_378 = arith.constant 16 : i32
      %eq3A_379 = arith.constant 0 : i32
      %eq3A_380 = arith.cmpi eq, %jit3A_378, %eq3A_379 : i32
      %jit3A_381 = arith.constant 1 : i32
      %select_n3A_382 = arith.select %eq3A_380, %jit3A_381, %jit3A_378 : i32
      %rem3A_383 = arith.remsi %mul3A_39, %select_n3A_382 : i32
      %ne3A_384 = arith.constant 0 : i32
      %ne3A_385 = arith.cmpi ne, %rem3A_383, %ne3A_384 : i32
      %lt3A_386 = arith.constant 0 : i32
      %lt3A_387 = arith.cmpi slt, %rem3A_383, %lt3A_386 : i32
      %lt3A_388 = arith.constant 0 : i32
      %lt3A_389 = arith.cmpi slt, %select_n3A_382, %lt3A_388 : i32
      %ne3A_390 = arith.xori %lt3A_387, %lt3A_389 : i1
      %and3A_391 = arith.andi %ne3A_390, %ne3A_385 : i1
      %add3A_392 = arith.addi %rem3A_383, %select_n3A_382 : i32
      %select_n3A_393 = arith.select %and3A_391, %add3A_392, %rem3A_383 : i32
      %add3A_394 = arith.constant 4 : i32
      %add3A_395 = arith.addi %select_n3A_393, %add3A_394 : i32
      %broadcast_in_dim3A_396 = vector.broadcast %add3A_395 : i32 to vector<16xi32>
      %broadcast_in_dim3A_397 = vector.shape_cast %broadcast_in_dim3A_396 : vector<16xi32> to vector<16x1xi32>
      %gather3A_398 = vector.shape_cast %broadcast_in_dim3A_397 : vector<16x1xi32> to vector<16xi32>
      %gather3A_399 = tpu.dynamic_gather %get3A_71[%gather3A_398] in [0] : vector<16xf32>, vector<16xi32> -> vector<16xf32>
      %jit3A_400 = arith.constant 16 : i32
      %eq3A_401 = arith.constant 0 : i32
      %eq3A_402 = arith.cmpi eq, %jit3A_400, %eq3A_401 : i32
      %jit3A_403 = arith.constant 1 : i32
      %select_n3A_404 = arith.select %eq3A_402, %jit3A_403, %jit3A_400 : i32
      %rem3A_405 = arith.remsi %mul3A_39, %select_n3A_404 : i32
      %ne3A_406 = arith.constant 0 : i32
      %ne3A_407 = arith.cmpi ne, %rem3A_405, %ne3A_406 : i32
      %lt3A_408 = arith.constant 0 : i32
      %lt3A_409 = arith.cmpi slt, %rem3A_405, %lt3A_408 : i32
      %lt3A_410 = arith.constant 0 : i32
      %lt3A_411 = arith.cmpi slt, %select_n3A_404, %lt3A_410 : i32
      %ne3A_412 = arith.xori %lt3A_409, %lt3A_411 : i1
      %and3A_413 = arith.andi %ne3A_412, %ne3A_407 : i1
      %add3A_414 = arith.addi %rem3A_405, %select_n3A_404 : i32
      %select_n3A_415 = arith.select %and3A_413, %add3A_414, %rem3A_405 : i32
      %add3A_416 = arith.constant 5 : i32
      %add3A_417 = arith.addi %select_n3A_415, %add3A_416 : i32
      %broadcast_in_dim3A_418 = vector.broadcast %add3A_417 : i32 to vector<16xi32>
      %broadcast_in_dim3A_419 = vector.shape_cast %broadcast_in_dim3A_418 : vector<16xi32> to vector<16x1xi32>
      %gather3A_420 = vector.shape_cast %broadcast_in_dim3A_419 : vector<16x1xi32> to vector<16xi32>
      %gather3A_421 = tpu.dynamic_gather %get3A_61[%gather3A_420] in [0] : vector<16xf32>, vector<16xi32> -> vector<16xf32>
      %jit3A_422 = arith.constant 16 : i32
      %eq3A_423 = arith.constant 0 : i32
      %eq3A_424 = arith.cmpi eq, %jit3A_422, %eq3A_423 : i32
      %jit3A_425 = arith.constant 1 : i32
      %select_n3A_426 = arith.select %eq3A_424, %jit3A_425, %jit3A_422 : i32
      %rem3A_427 = arith.remsi %mul3A_39, %select_n3A_426 : i32
      %ne3A_428 = arith.constant 0 : i32
      %ne3A_429 = arith.cmpi ne, %rem3A_427, %ne3A_428 : i32
      %lt3A_430 = arith.constant 0 : i32
      %lt3A_431 = arith.cmpi slt, %rem3A_427, %lt3A_430 : i32
      %lt3A_432 = arith.constant 0 : i32
      %lt3A_433 = arith.cmpi slt, %select_n3A_426, %lt3A_432 : i32
      %ne3A_434 = arith.xori %lt3A_431, %lt3A_433 : i1
      %and3A_435 = arith.andi %ne3A_434, %ne3A_429 : i1
      %add3A_436 = arith.addi %rem3A_427, %select_n3A_426 : i32
      %select_n3A_437 = arith.select %and3A_435, %add3A_436, %rem3A_427 : i32
      %add3A_438 = arith.constant 5 : i32
      %add3A_439 = arith.addi %select_n3A_437, %add3A_438 : i32
      %broadcast_in_dim3A_440 = vector.broadcast %add3A_439 : i32 to vector<16xi32>
      %broadcast_in_dim3A_441 = vector.shape_cast %broadcast_in_dim3A_440 : vector<16xi32> to vector<16x1xi32>
      %gather3A_442 = vector.shape_cast %broadcast_in_dim3A_441 : vector<16x1xi32> to vector<16xi32>
      %gather3A_443 = tpu.dynamic_gather %get3A_66[%gather3A_442] in [0] : vector<16xf32>, vector<16xi32> -> vector<16xf32>
      %jit3A_444 = arith.constant 16 : i32
      %eq3A_445 = arith.constant 0 : i32
      %eq3A_446 = arith.cmpi eq, %jit3A_444, %eq3A_445 : i32
      %jit3A_447 = arith.constant 1 : i32
      %select_n3A_448 = arith.select %eq3A_446, %jit3A_447, %jit3A_444 : i32
      %rem3A_449 = arith.remsi %mul3A_39, %select_n3A_448 : i32
      %ne3A_450 = arith.constant 0 : i32
      %ne3A_451 = arith.cmpi ne, %rem3A_449, %ne3A_450 : i32
      %lt3A_452 = arith.constant 0 : i32
      %lt3A_453 = arith.cmpi slt, %rem3A_449, %lt3A_452 : i32
      %lt3A_454 = arith.constant 0 : i32
      %lt3A_455 = arith.cmpi slt, %select_n3A_448, %lt3A_454 : i32
      %ne3A_456 = arith.xori %lt3A_453, %lt3A_455 : i1
      %and3A_457 = arith.andi %ne3A_456, %ne3A_451 : i1
      %add3A_458 = arith.addi %rem3A_449, %select_n3A_448 : i32
      %select_n3A_459 = arith.select %and3A_457, %add3A_458, %rem3A_449 : i32
      %add3A_460 = arith.constant 5 : i32
      %add3A_461 = arith.addi %select_n3A_459, %add3A_460 : i32
      %broadcast_in_dim3A_462 = vector.broadcast %add3A_461 : i32 to vector<16xi32>
      %broadcast_in_dim3A_463 = vector.shape_cast %broadcast_in_dim3A_462 : vector<16xi32> to vector<16x1xi32>
      %gather3A_464 = vector.shape_cast %broadcast_in_dim3A_463 : vector<16x1xi32> to vector<16xi32>
      %gather3A_465 = tpu.dynamic_gather %get3A_71[%gather3A_464] in [0] : vector<16xf32>, vector<16xi32> -> vector<16xf32>
      %jit3A_466 = arith.constant 16 : i32
      %eq3A_467 = arith.constant 0 : i32
      %eq3A_468 = arith.cmpi eq, %jit3A_466, %eq3A_467 : i32
      %jit3A_469 = arith.constant 1 : i32
      %select_n3A_470 = arith.select %eq3A_468, %jit3A_469, %jit3A_466 : i32
      %rem3A_471 = arith.remsi %mul3A_39, %select_n3A_470 : i32
      %ne3A_472 = arith.constant 0 : i32
      %ne3A_473 = arith.cmpi ne, %rem3A_471, %ne3A_472 : i32
      %lt3A_474 = arith.constant 0 : i32
      %lt3A_475 = arith.cmpi slt, %rem3A_471, %lt3A_474 : i32
      %lt3A_476 = arith.constant 0 : i32
      %lt3A_477 = arith.cmpi slt, %select_n3A_470, %lt3A_476 : i32
      %ne3A_478 = arith.xori %lt3A_475, %lt3A_477 : i1
      %and3A_479 = arith.andi %ne3A_478, %ne3A_473 : i1
      %add3A_480 = arith.addi %rem3A_471, %select_n3A_470 : i32
      %select_n3A_481 = arith.select %and3A_479, %add3A_480, %rem3A_471 : i32
      %add3A_482 = arith.constant 6 : i32
      %add3A_483 = arith.addi %select_n3A_481, %add3A_482 : i32
      %broadcast_in_dim3A_484 = vector.broadcast %add3A_483 : i32 to vector<16xi32>
      %broadcast_in_dim3A_485 = vector.shape_cast %broadcast_in_dim3A_484 : vector<16xi32> to vector<16x1xi32>
      %gather3A_486 = vector.shape_cast %broadcast_in_dim3A_485 : vector<16x1xi32> to vector<16xi32>
      %gather3A_487 = tpu.dynamic_gather %get3A_61[%gather3A_486] in [0] : vector<16xf32>, vector<16xi32> -> vector<16xf32>
      %jit3A_488 = arith.constant 16 : i32
      %eq3A_489 = arith.constant 0 : i32
      %eq3A_490 = arith.cmpi eq, %jit3A_488, %eq3A_489 : i32
      %jit3A_491 = arith.constant 1 : i32
      %select_n3A_492 = arith.select %eq3A_490, %jit3A_491, %jit3A_488 : i32
      %rem3A_493 = arith.remsi %mul3A_39, %select_n3A_492 : i32
      %ne3A_494 = arith.constant 0 : i32
      %ne3A_495 = arith.cmpi ne, %rem3A_493, %ne3A_494 : i32
      %lt3A_496 = arith.constant 0 : i32
      %lt3A_497 = arith.cmpi slt, %rem3A_493, %lt3A_496 : i32
      %lt3A_498 = arith.constant 0 : i32
      %lt3A_499 = arith.cmpi slt, %select_n3A_492, %lt3A_498 : i32
      %ne3A_500 = arith.xori %lt3A_497, %lt3A_499 : i1
      %and3A_501 = arith.andi %ne3A_500, %ne3A_495 : i1
      %add3A_502 = arith.addi %rem3A_493, %select_n3A_492 : i32
      %select_n3A_503 = arith.select %and3A_501, %add3A_502, %rem3A_493 : i32
      %add3A_504 = arith.constant 6 : i32
      %add3A_505 = arith.addi %select_n3A_503, %add3A_504 : i32
      %broadcast_in_dim3A_506 = vector.broadcast %add3A_505 : i32 to vector<16xi32>
      %broadcast_in_dim3A_507 = vector.shape_cast %broadcast_in_dim3A_506 : vector<16xi32> to vector<16x1xi32>
      %gather3A_508 = vector.shape_cast %broadcast_in_dim3A_507 : vector<16x1xi32> to vector<16xi32>
      %gather3A_509 = tpu.dynamic_gather %get3A_66[%gather3A_508] in [0] : vector<16xf32>, vector<16xi32> -> vector<16xf32>
      %jit3A_510 = arith.constant 16 : i32
      %eq3A_511 = arith.constant 0 : i32
      %eq3A_512 = arith.cmpi eq, %jit3A_510, %eq3A_511 : i32
      %jit3A_513 = arith.constant 1 : i32
      %select_n3A_514 = arith.select %eq3A_512, %jit3A_513, %jit3A_510 : i32
      %rem3A_515 = arith.remsi %mul3A_39, %select_n3A_514 : i32
      %ne3A_516 = arith.constant 0 : i32
      %ne3A_517 = arith.cmpi ne, %rem3A_515, %ne3A_516 : i32
      %lt3A_518 = arith.constant 0 : i32
      %lt3A_519 = arith.cmpi slt, %rem3A_515, %lt3A_518 : i32
      %lt3A_520 = arith.constant 0 : i32
      %lt3A_521 = arith.cmpi slt, %select_n3A_514, %lt3A_520 : i32
      %ne3A_522 = arith.xori %lt3A_519, %lt3A_521 : i1
      %and3A_523 = arith.andi %ne3A_522, %ne3A_517 : i1
      %add3A_524 = arith.addi %rem3A_515, %select_n3A_514 : i32
      %select_n3A_525 = arith.select %and3A_523, %add3A_524, %rem3A_515 : i32
      %add3A_526 = arith.constant 6 : i32
      %add3A_527 = arith.addi %select_n3A_525, %add3A_526 : i32
      %broadcast_in_dim3A_528 = vector.broadcast %add3A_527 : i32 to vector<16xi32>
      %broadcast_in_dim3A_529 = vector.shape_cast %broadcast_in_dim3A_528 : vector<16xi32> to vector<16x1xi32>
      %gather3A_530 = vector.shape_cast %broadcast_in_dim3A_529 : vector<16x1xi32> to vector<16xi32>
      %gather3A_531 = tpu.dynamic_gather %get3A_71[%gather3A_530] in [0] : vector<16xf32>, vector<16xi32> -> vector<16xf32>
      %jit3A_532 = arith.constant 16 : i32
      %eq3A_533 = arith.constant 0 : i32
      %eq3A_534 = arith.cmpi eq, %jit3A_532, %eq3A_533 : i32
      %jit3A_535 = arith.constant 1 : i32
      %select_n3A_536 = arith.select %eq3A_534, %jit3A_535, %jit3A_532 : i32
      %rem3A_537 = arith.remsi %mul3A_39, %select_n3A_536 : i32
      %ne3A_538 = arith.constant 0 : i32
      %ne3A_539 = arith.cmpi ne, %rem3A_537, %ne3A_538 : i32
      %lt3A_540 = arith.constant 0 : i32
      %lt3A_541 = arith.cmpi slt, %rem3A_537, %lt3A_540 : i32
      %lt3A_542 = arith.constant 0 : i32
      %lt3A_543 = arith.cmpi slt, %select_n3A_536, %lt3A_542 : i32
      %ne3A_544 = arith.xori %lt3A_541, %lt3A_543 : i1
      %and3A_545 = arith.andi %ne3A_544, %ne3A_539 : i1
      %add3A_546 = arith.addi %rem3A_537, %select_n3A_536 : i32
      %select_n3A_547 = arith.select %and3A_545, %add3A_546, %rem3A_537 : i32
      %add3A_548 = arith.constant 7 : i32
      %add3A_549 = arith.addi %select_n3A_547, %add3A_548 : i32
      %broadcast_in_dim3A_550 = vector.broadcast %add3A_549 : i32 to vector<16xi32>
      %broadcast_in_dim3A_551 = vector.shape_cast %broadcast_in_dim3A_550 : vector<16xi32> to vector<16x1xi32>
      %gather3A_552 = vector.shape_cast %broadcast_in_dim3A_551 : vector<16x1xi32> to vector<16xi32>
      %gather3A_553 = tpu.dynamic_gather %get3A_61[%gather3A_552] in [0] : vector<16xf32>, vector<16xi32> -> vector<16xf32>
      %jit3A_554 = arith.constant 16 : i32
      %eq3A_555 = arith.constant 0 : i32
      %eq3A_556 = arith.cmpi eq, %jit3A_554, %eq3A_555 : i32
      %jit3A_557 = arith.constant 1 : i32
      %select_n3A_558 = arith.select %eq3A_556, %jit3A_557, %jit3A_554 : i32
      %rem3A_559 = arith.remsi %mul3A_39, %select_n3A_558 : i32
      %ne3A_560 = arith.constant 0 : i32
      %ne3A_561 = arith.cmpi ne, %rem3A_559, %ne3A_560 : i32
      %lt3A_562 = arith.constant 0 : i32
      %lt3A_563 = arith.cmpi slt, %rem3A_559, %lt3A_562 : i32
      %lt3A_564 = arith.constant 0 : i32
      %lt3A_565 = arith.cmpi slt, %select_n3A_558, %lt3A_564 : i32
      %ne3A_566 = arith.xori %lt3A_563, %lt3A_565 : i1
      %and3A_567 = arith.andi %ne3A_566, %ne3A_561 : i1
      %add3A_568 = arith.addi %rem3A_559, %select_n3A_558 : i32
      %select_n3A_569 = arith.select %and3A_567, %add3A_568, %rem3A_559 : i32
      %add3A_570 = arith.constant 7 : i32
      %add3A_571 = arith.addi %select_n3A_569, %add3A_570 : i32
      %broadcast_in_dim3A_572 = vector.broadcast %add3A_571 : i32 to vector<16xi32>
      %broadcast_in_dim3A_573 = vector.shape_cast %broadcast_in_dim3A_572 : vector<16xi32> to vector<16x1xi32>
      %gather3A_574 = vector.shape_cast %broadcast_in_dim3A_573 : vector<16x1xi32> to vector<16xi32>
      %gather3A_575 = tpu.dynamic_gather %get3A_66[%gather3A_574] in [0] : vector<16xf32>, vector<16xi32> -> vector<16xf32>
      %jit3A_576 = arith.constant 16 : i32
      %eq3A_577 = arith.constant 0 : i32
      %eq3A_578 = arith.cmpi eq, %jit3A_576, %eq3A_577 : i32
      %jit3A_579 = arith.constant 1 : i32
      %select_n3A_580 = arith.select %eq3A_578, %jit3A_579, %jit3A_576 : i32
      %rem3A_581 = arith.remsi %mul3A_39, %select_n3A_580 : i32
      %ne3A_582 = arith.constant 0 : i32
      %ne3A_583 = arith.cmpi ne, %rem3A_581, %ne3A_582 : i32
      %lt3A_584 = arith.constant 0 : i32
      %lt3A_585 = arith.cmpi slt, %rem3A_581, %lt3A_584 : i32
      %lt3A_586 = arith.constant 0 : i32
      %lt3A_587 = arith.cmpi slt, %select_n3A_580, %lt3A_586 : i32
      %ne3A_588 = arith.xori %lt3A_585, %lt3A_587 : i1
      %and3A_589 = arith.andi %ne3A_588, %ne3A_583 : i1
      %add3A_590 = arith.addi %rem3A_581, %select_n3A_580 : i32
      %select_n3A_591 = arith.select %and3A_589, %add3A_590, %rem3A_581 : i32
      %add3A_592 = arith.constant 7 : i32
      %add3A_593 = arith.addi %select_n3A_591, %add3A_592 : i32
      %broadcast_in_dim3A_594 = vector.broadcast %add3A_593 : i32 to vector<16xi32>
      %broadcast_in_dim3A_595 = vector.shape_cast %broadcast_in_dim3A_594 : vector<16xi32> to vector<16x1xi32>
      %gather3A_596 = vector.shape_cast %broadcast_in_dim3A_595 : vector<16x1xi32> to vector<16xi32>
      %gather3A_597 = tpu.dynamic_gather %get3A_71[%gather3A_596] in [0] : vector<16xf32>, vector<16xi32> -> vector<16xf32>
      %parallel_loop3A_598 = arith.constant 0 : i32
      %parallel_loop3A_599 = arith.constant 80 : i32
      %parallel_loop3A_600 = arith.constant 1 : i32
      %parallel_loop3A_601:8 = scf.for %parallel_loop3A_983 = %parallel_loop3A_598 to %parallel_loop3A_599 step %parallel_loop3A_600 iter_args(%parallel_loop3A_984 = %broadcast_in_dim3A_0, %parallel_loop3A_985 = %broadcast_in_dim3A_0, %parallel_loop3A_986 = %broadcast_in_dim3A_0, %parallel_loop3A_987 = %broadcast_in_dim3A_0, %parallel_loop3A_988 = %broadcast_in_dim3A_0, %parallel_loop3A_989 = %broadcast_in_dim3A_0, %parallel_loop3A_990 = %broadcast_in_dim3A_0, %parallel_loop3A_991 = %broadcast_in_dim3A_0) -> (vector<16xf32>, vector<16xf32>, vector<16xf32>, vector<16xf32>, vector<16xf32>, vector<16xf32>, vector<16xf32>, vector<16xf32>)  : i32 {
        %parallel_loop3A_992 = arith.constant 16 : i32
        %parallel_loop3A_993 = arith.muli %parallel_loop3A_983, %parallel_loop3A_992 : i32
        %parallel_loop3A_994 = arith.constant 0 : i32
        %parallel_loop3A_995 = arith.index_cast %parallel_loop3A_994 : i32 to index
        %parallel_loop3A_996 = arith.index_cast %parallel_loop3A_993 : i32 to index
        %parallel_loop3A_997 = tpu.vector_load %arg7[%parallel_loop3A_995, %parallel_loop3A_996] {strides = array<i32>} : memref<3x1280xf32, #tpu.memory_space<vmem>>, vector<1x16xf32>,
        %parallel_loop3A_998 = vector.shape_cast %parallel_loop3A_997 : vector<1x16xf32> to vector<16xf32>
        %parallel_loop3A_999 = arith.constant 1 : i32
        %parallel_loop3A_1000 = arith.index_cast %parallel_loop3A_999 : i32 to index
        %parallel_loop3A_1001 = arith.index_cast %parallel_loop3A_993 : i32 to index
        %parallel_loop3A_1002 = tpu.vector_load %arg7[%parallel_loop3A_1000, %parallel_loop3A_1001] {strides = array<i32>} : memref<3x1280xf32, #tpu.memory_space<vmem>>, vector<1x16xf32>,
        %parallel_loop3A_1003 = vector.shape_cast %parallel_loop3A_1002 : vector<1x16xf32> to vector<16xf32>
        %parallel_loop3A_1004 = arith.constant 2 : i32
        %parallel_loop3A_1005 = arith.index_cast %parallel_loop3A_1004 : i32 to index
        %parallel_loop3A_1006 = arith.index_cast %parallel_loop3A_993 : i32 to index
        %parallel_loop3A_1007 = tpu.vector_load %arg7[%parallel_loop3A_1005, %parallel_loop3A_1006] {strides = array<i32>} : memref<3x1280xf32, #tpu.memory_space<vmem>>, vector<1x16xf32>,
        %parallel_loop3A_1008 = vector.shape_cast %parallel_loop3A_1007 : vector<1x16xf32> to vector<16xf32>
        %parallel_loop3A_1009 = arith.subf %parallel_loop3A_998, %gather3A_91 : vector<16xf32>
        %parallel_loop3A_1010 = arith.mulf %parallel_loop3A_1009, %parallel_loop3A_1009 : vector<16xf32>
        %parallel_loop3A_1011 = arith.subf %parallel_loop3A_1003, %gather3A_113 : vector<16xf32>
        %parallel_loop3A_1012 = arith.mulf %parallel_loop3A_1011, %parallel_loop3A_1011 : vector<16xf32>
        %parallel_loop3A_1013 = arith.addf %parallel_loop3A_1010, %parallel_loop3A_1012 : vector<16xf32>
        %parallel_loop3A_1014 = arith.subf %parallel_loop3A_1008, %gather3A_135 : vector<16xf32>
        %parallel_loop3A_1015 = arith.mulf %parallel_loop3A_1014, %parallel_loop3A_1014 : vector<16xf32>
        %parallel_loop3A_1016 = arith.addf %parallel_loop3A_1013, %parallel_loop3A_1015 : vector<16xf32>
        %parallel_loop3A_1017 = arith.minimumf %parallel_loop3A_984, %parallel_loop3A_1016 : vector<16xf32>
        %parallel_loop3A_1018 = arith.subf %parallel_loop3A_998, %gather3A_157 : vector<16xf32>
        %parallel_loop3A_1019 = arith.mulf %parallel_loop3A_1018, %parallel_loop3A_1018 : vector<16xf32>
        %parallel_loop3A_1020 = arith.subf %parallel_loop3A_1003, %gather3A_179 : vector<16xf32>
        %parallel_loop3A_1021 = arith.mulf %parallel_loop3A_1020, %parallel_loop3A_1020 : vector<16xf32>
        %parallel_loop3A_1022 = arith.addf %parallel_loop3A_1019, %parallel_loop3A_1021 : vector<16xf32>
        %parallel_loop3A_1023 = arith.subf %parallel_loop3A_1008, %gather3A_201 : vector<16xf32>
        %parallel_loop3A_1024 = arith.mulf %parallel_loop3A_1023, %parallel_loop3A_1023 : vector<16xf32>
        %parallel_loop3A_1025 = arith.addf %parallel_loop3A_1022, %parallel_loop3A_1024 : vector<16xf32>
        %parallel_loop3A_1026 = arith.minimumf %parallel_loop3A_985, %parallel_loop3A_1025 : vector<16xf32>
        %parallel_loop3A_1027 = arith.subf %parallel_loop3A_998, %gather3A_223 : vector<16xf32>
        %parallel_loop3A_1028 = arith.mulf %parallel_loop3A_1027, %parallel_loop3A_1027 : vector<16xf32>
        %parallel_loop3A_1029 = arith.subf %parallel_loop3A_1003, %gather3A_245 : vector<16xf32>
        %parallel_loop3A_1030 = arith.mulf %parallel_loop3A_1029, %parallel_loop3A_1029 : vector<16xf32>
        %parallel_loop3A_1031 = arith.addf %parallel_loop3A_1028, %parallel_loop3A_1030 : vector<16xf32>
        %parallel_loop3A_1032 = arith.subf %parallel_loop3A_1008, %gather3A_267 : vector<16xf32>
        %parallel_loop3A_1033 = arith.mulf %parallel_loop3A_1032, %parallel_loop3A_1032 : vector<16xf32>
        %parallel_loop3A_1034 = arith.addf %parallel_loop3A_1031, %parallel_loop3A_1033 : vector<16xf32>
        %parallel_loop3A_1035 = arith.minimumf %parallel_loop3A_986, %parallel_loop3A_1034 : vector<16xf32>
        %parallel_loop3A_1036 = arith.subf %parallel_loop3A_998, %gather3A_289 : vector<16xf32>
        %parallel_loop3A_1037 = arith.mulf %parallel_loop3A_1036, %parallel_loop3A_1036 : vector<16xf32>
        %parallel_loop3A_1038 = arith.subf %parallel_loop3A_1003, %gather3A_311 : vector<16xf32>
        %parallel_loop3A_1039 = arith.mulf %parallel_loop3A_1038, %parallel_loop3A_1038 : vector<16xf32>
        %parallel_loop3A_1040 = arith.addf %parallel_loop3A_1037, %parallel_loop3A_1039 : vector<16xf32>
        %parallel_loop3A_1041 = arith.subf %parallel_loop3A_1008, %gather3A_333 : vector<16xf32>
        %parallel_loop3A_1042 = arith.mulf %parallel_loop3A_1041, %parallel_loop3A_1041 : vector<16xf32>
        %parallel_loop3A_1043 = arith.addf %parallel_loop3A_1040, %parallel_loop3A_1042 : vector<16xf32>
        %parallel_loop3A_1044 = arith.minimumf %parallel_loop3A_987, %parallel_loop3A_1043 : vector<16xf32>
        %parallel_loop3A_1045 = arith.subf %parallel_loop3A_998, %gather3A_355 : vector<16xf32>
        %parallel_loop3A_1046 = arith.mulf %parallel_loop3A_1045, %parallel_loop3A_1045 : vector<16xf32>
        %parallel_loop3A_1047 = arith.subf %parallel_loop3A_1003, %gather3A_377 : vector<16xf32>
        %parallel_loop3A_1048 = arith.mulf %parallel_loop3A_1047, %parallel_loop3A_1047 : vector<16xf32>
        %parallel_loop3A_1049 = arith.addf %parallel_loop3A_1046, %parallel_loop3A_1048 : vector<16xf32>
        %parallel_loop3A_1050 = arith.subf %parallel_loop3A_1008, %gather3A_399 : vector<16xf32>
        %parallel_loop3A_1051 = arith.mulf %parallel_loop3A_1050, %parallel_loop3A_1050 : vector<16xf32>
        %parallel_loop3A_1052 = arith.addf %parallel_loop3A_1049, %parallel_loop3A_1051 : vector<16xf32>
        %parallel_loop3A_1053 = arith.minimumf %parallel_loop3A_988, %parallel_loop3A_1052 : vector<16xf32>
        %parallel_loop3A_1054 = arith.subf %parallel_loop3A_998, %gather3A_421 : vector<16xf32>
        %parallel_loop3A_1055 = arith.mulf %parallel_loop3A_1054, %parallel_loop3A_1054 : vector<16xf32>
        %parallel_loop3A_1056 = arith.subf %parallel_loop3A_1003, %gather3A_443 : vector<16xf32>
        %parallel_loop3A_1057 = arith.mulf %parallel_loop3A_1056, %parallel_loop3A_1056 : vector<16xf32>
        %parallel_loop3A_1058 = arith.addf %parallel_loop3A_1055, %parallel_loop3A_1057 : vector<16xf32>
        %parallel_loop3A_1059 = arith.subf %parallel_loop3A_1008, %gather3A_465 : vector<16xf32>
        %parallel_loop3A_1060 = arith.mulf %parallel_loop3A_1059, %parallel_loop3A_1059 : vector<16xf32>
        %parallel_loop3A_1061 = arith.addf %parallel_loop3A_1058, %parallel_loop3A_1060 : vector<16xf32>
        %parallel_loop3A_1062 = arith.minimumf %parallel_loop3A_989, %parallel_loop3A_1061 : vector<16xf32>
        %parallel_loop3A_1063 = arith.subf %parallel_loop3A_998, %gather3A_487 : vector<16xf32>
        %parallel_loop3A_1064 = arith.mulf %parallel_loop3A_1063, %parallel_loop3A_1063 : vector<16xf32>
        %parallel_loop3A_1065 = arith.subf %parallel_loop3A_1003, %gather3A_509 : vector<16xf32>
        %parallel_loop3A_1066 = arith.mulf %parallel_loop3A_1065, %parallel_loop3A_1065 : vector<16xf32>
        %parallel_loop3A_1067 = arith.addf %parallel_loop3A_1064, %parallel_loop3A_1066 : vector<16xf32>
        %parallel_loop3A_1068 = arith.subf %parallel_loop3A_1008, %gather3A_531 : vector<16xf32>
        %parallel_loop3A_1069 = arith.mulf %parallel_loop3A_1068, %parallel_loop3A_1068 : vector<16xf32>
        %parallel_loop3A_1070 = arith.addf %parallel_loop3A_1067, %parallel_loop3A_1069 : vector<16xf32>
        %parallel_loop3A_1071 = arith.minimumf %parallel_loop3A_990, %parallel_loop3A_1070 : vector<16xf32>
        %parallel_loop3A_1072 = arith.subf %parallel_loop3A_998, %gather3A_553 : vector<16xf32>
        %parallel_loop3A_1073 = arith.mulf %parallel_loop3A_1072, %parallel_loop3A_1072 : vector<16xf32>
        %parallel_loop3A_1074 = arith.subf %parallel_loop3A_1003, %gather3A_575 : vector<16xf32>
        %parallel_loop3A_1075 = arith.mulf %parallel_loop3A_1074, %parallel_loop3A_1074 : vector<16xf32>
        %parallel_loop3A_1076 = arith.addf %parallel_loop3A_1073, %parallel_loop3A_1075 : vector<16xf32>
        %parallel_loop3A_1077 = arith.subf %parallel_loop3A_1008, %gather3A_597 : vector<16xf32>
        %parallel_loop3A_1078 = arith.mulf %parallel_loop3A_1077, %parallel_loop3A_1077 : vector<16xf32>
        %parallel_loop3A_1079 = arith.addf %parallel_loop3A_1076, %parallel_loop3A_1078 : vector<16xf32>
        %parallel_loop3A_1080 = arith.minimumf %parallel_loop3A_991, %parallel_loop3A_1079 : vector<16xf32>
        %parallel_loop3A_1081 = arith.minimumf %parallel_loop3A_1016, %parallel_loop3A_1025 : vector<16xf32>
        %parallel_loop3A_1082 = arith.minimumf %parallel_loop3A_1034, %parallel_loop3A_1043 : vector<16xf32>
        %parallel_loop3A_1083 = arith.minimumf %parallel_loop3A_1052, %parallel_loop3A_1061 : vector<16xf32>
        %parallel_loop3A_1084 = arith.minimumf %parallel_loop3A_1070, %parallel_loop3A_1079 : vector<16xf32>
        %parallel_loop3A_1085 = arith.minimumf %parallel_loop3A_1081, %parallel_loop3A_1082 : vector<16xf32>
        %parallel_loop3A_1086 = arith.minimumf %parallel_loop3A_1083, %parallel_loop3A_1084 : vector<16xf32>
        %parallel_loop3A_1087 = arith.minimumf %parallel_loop3A_1085, %parallel_loop3A_1086 : vector<16xf32>
        %parallel_loop3A_1088 = arith.index_cast %parallel_loop3A_993 : i32 to index
        %parallel_loop3A_1089 = tpu.vector_load %arg8[%parallel_loop3A_1088] {strides = array<i32>} : memref<1280xf32, #tpu.memory_space<vmem>>, vector<16xf32>,
        %parallel_loop3A_1090 = vector.shape_cast %parallel_loop3A_1089 : vector<16xf32> to vector<16xf32>
        %parallel_loop3A_1091 = arith.minimumf %parallel_loop3A_1090, %parallel_loop3A_1087 : vector<16xf32>
        %parallel_loop3A_1092 = arith.index_cast %parallel_loop3A_993 : i32 to index
        %parallel_loop3A_1093 = tpu.vector_load %arg8[%parallel_loop3A_1092] {strides = array<i32>} : memref<1280xf32, #tpu.memory_space<vmem>>, vector<16xf32>,
        %parallel_loop3A_1094 = vector.shape_cast %parallel_loop3A_1093 : vector<16xf32> to vector<16xf32>
        %parallel_loop3A_1095 = vector.shape_cast %parallel_loop3A_1091 : vector<16xf32> to vector<16xf32>
        tpu.vector_store %arg8[%parallel_loop3A_1092], %parallel_loop3A_1095 {strides = array<i32>} : memref<1280xf32, #tpu.memory_space<vmem>>, vector<16xf32>,
        scf.yield %parallel_loop3A_1017, %parallel_loop3A_1026, %parallel_loop3A_1035, %parallel_loop3A_1044, %parallel_loop3A_1053, %parallel_loop3A_1062, %parallel_loop3A_1071, %parallel_loop3A_1080 : vector<16xf32>, vector<16xf32>, vector<16xf32>, vector<16xf32>, vector<16xf32>, vector<16xf32>, vector<16xf32>, vector<16xf32>
      } {sc.loop_unroll_factor = 2 : i64, sc.parallel_access}
      %get3A_602 = arith.index_cast %mul3A_57 : i32 to index
      %get3A_603 = tpu.vector_load %arg9[%get3A_602] {strides = array<i32>} : memref<256xf32, #tpu.memory_space<vmem>>, vector<16xf32>,
      %get3A_604 = vector.shape_cast %get3A_603 : vector<16xf32> to vector<16xf32>
      %jit3A_605 = arith.constant 16 : i32
      %eq3A_606 = arith.constant 0 : i32
      %eq3A_607 = arith.cmpi eq, %jit3A_605, %eq3A_606 : i32
      %jit3A_608 = arith.constant 1 : i32
      %select_n3A_609 = arith.select %eq3A_607, %jit3A_608, %jit3A_605 : i32
      %rem3A_610 = arith.remsi %mul3A_39, %select_n3A_609 : i32
      %ne3A_611 = arith.constant 0 : i32
      %ne3A_612 = arith.cmpi ne, %rem3A_610, %ne3A_611 : i32
      %lt3A_613 = arith.constant 0 : i32
      %lt3A_614 = arith.cmpi slt, %rem3A_610, %lt3A_613 : i32
      %lt3A_615 = arith.constant 0 : i32
      %lt3A_616 = arith.cmpi slt, %select_n3A_609, %lt3A_615 : i32
      %ne3A_617 = arith.xori %lt3A_614, %lt3A_616 : i1
      %and3A_618 = arith.andi %ne3A_617, %ne3A_612 : i1
      %add3A_619 = arith.addi %rem3A_610, %select_n3A_609 : i32
      %select_n3A_620 = arith.select %and3A_618, %add3A_619, %rem3A_610 : i32
      %add3A_621 = arith.constant 8 : i32
      %add3A_622 = vector.broadcast %add3A_621 : i32 to vector<16xi32>
      %add3A_623 = arith.addi %iota3A, %add3A_622 : vector<16xi32>
      %and3A_624 = arith.constant 15 : i32
      %and3A_625 = vector.broadcast %and3A_624 : i32 to vector<16xi32>
      %and3A_626 = arith.andi %add3A_623, %and3A_625 : vector<16xi32>
      %broadcast_in_dim3A_627 = vector.shape_cast %and3A_626 : vector<16xi32> to vector<16x1xi32>
      %gather3A_628 = vector.shape_cast %broadcast_in_dim3A_627 : vector<16x1xi32> to vector<16xi32>
      %gather3A_629 = tpu.dynamic_gather %parallel_loop3A_601#0[%gather3A_628] in [0] : vector<16xf32>, vector<16xi32> -> vector<16xf32>
      %min3A = arith.minimumf %parallel_loop3A_601#0, %gather3A_629 : vector<16xf32>
      %add3A_630 = arith.constant 4 : i32
      %add3A_631 = vector.broadcast %add3A_630 : i32 to vector<16xi32>
      %add3A_632 = arith.addi %iota3A, %add3A_631 : vector<16xi32>
      %and3A_633 = arith.constant 15 : i32
      %and3A_634 = vector.broadcast %and3A_633 : i32 to vector<16xi32>
      %and3A_635 = arith.andi %add3A_632, %and3A_634 : vector<16xi32>
      %broadcast_in_dim3A_636 = vector.shape_cast %and3A_635 : vector<16xi32> to vector<16x1xi32>
      %gather3A_637 = vector.shape_cast %broadcast_in_dim3A_636 : vector<16x1xi32> to vector<16xi32>
      %gather3A_638 = tpu.dynamic_gather %min3A[%gather3A_637] in [0] : vector<16xf32>, vector<16xi32> -> vector<16xf32>
      %min3A_639 = arith.minimumf %min3A, %gather3A_638 : vector<16xf32>
      %add3A_640 = arith.constant 2 : i32
      %add3A_641 = vector.broadcast %add3A_640 : i32 to vector<16xi32>
      %add3A_642 = arith.addi %iota3A, %add3A_641 : vector<16xi32>
      %and3A_643 = arith.constant 15 : i32
      %and3A_644 = vector.broadcast %and3A_643 : i32 to vector<16xi32>
      %and3A_645 = arith.andi %add3A_642, %and3A_644 : vector<16xi32>
      %broadcast_in_dim3A_646 = vector.shape_cast %and3A_645 : vector<16xi32> to vector<16x1xi32>
      %gather3A_647 = vector.shape_cast %broadcast_in_dim3A_646 : vector<16x1xi32> to vector<16xi32>
      %gather3A_648 = tpu.dynamic_gather %min3A_639[%gather3A_647] in [0] : vector<16xf32>, vector<16xi32> -> vector<16xf32>
      %min3A_649 = arith.minimumf %min3A_639, %gather3A_648 : vector<16xf32>
      %add3A_650 = arith.constant 1 : i32
      %add3A_651 = vector.broadcast %add3A_650 : i32 to vector<16xi32>
      %add3A_652 = arith.addi %iota3A, %add3A_651 : vector<16xi32>
      %and3A_653 = arith.constant 15 : i32
      %and3A_654 = vector.broadcast %and3A_653 : i32 to vector<16xi32>
      %and3A_655 = arith.andi %add3A_652, %and3A_654 : vector<16xi32>
      %broadcast_in_dim3A_656 = vector.shape_cast %and3A_655 : vector<16xi32> to vector<16x1xi32>
      %gather3A_657 = vector.shape_cast %broadcast_in_dim3A_656 : vector<16x1xi32> to vector<16xi32>
      %gather3A_658 = tpu.dynamic_gather %min3A_649[%gather3A_657] in [0] : vector<16xf32>, vector<16xi32> -> vector<16xf32>
      %min3A_659 = arith.minimumf %min3A_649, %gather3A_658 : vector<16xf32>
      %add3A_660 = arith.constant 0 : i32
      %add3A_661 = arith.addi %select_n3A_620, %add3A_660 : i32
      %eq3A_662 = vector.broadcast %add3A_661 : i32 to vector<16xi32>
      %eq3A_663 = arith.cmpi eq, %iota3A, %eq3A_662 : vector<16xi32>
      %select_n3A_664 = arith.select %eq3A_663, %min3A_659, %get3A_604 : vector<16xi1>, vector<16xf32>
      %add3A_665 = arith.constant 8 : i32
      %add3A_666 = vector.broadcast %add3A_665 : i32 to vector<16xi32>
      %add3A_667 = arith.addi %iota3A, %add3A_666 : vector<16xi32>
      %and3A_668 = arith.constant 15 : i32
      %and3A_669 = vector.broadcast %and3A_668 : i32 to vector<16xi32>
      %and3A_670 = arith.andi %add3A_667, %and3A_669 : vector<16xi32>
      %broadcast_in_dim3A_671 = vector.shape_cast %and3A_670 : vector<16xi32> to vector<16x1xi32>
      %gather3A_672 = vector.shape_cast %broadcast_in_dim3A_671 : vector<16x1xi32> to vector<16xi32>
      %gather3A_673 = tpu.dynamic_gather %parallel_loop3A_601#1[%gather3A_672] in [0] : vector<16xf32>, vector<16xi32> -> vector<16xf32>
      %min3A_674 = arith.minimumf %parallel_loop3A_601#1, %gather3A_673 : vector<16xf32>
      %add3A_675 = arith.constant 4 : i32
      %add3A_676 = vector.broadcast %add3A_675 : i32 to vector<16xi32>
      %add3A_677 = arith.addi %iota3A, %add3A_676 : vector<16xi32>
      %and3A_678 = arith.constant 15 : i32
      %and3A_679 = vector.broadcast %and3A_678 : i32 to vector<16xi32>
      %and3A_680 = arith.andi %add3A_677, %and3A_679 : vector<16xi32>
      %broadcast_in_dim3A_681 = vector.shape_cast %and3A_680 : vector<16xi32> to vector<16x1xi32>
      %gather3A_682 = vector.shape_cast %broadcast_in_dim3A_681 : vector<16x1xi32> to vector<16xi32>
      %gather3A_683 = tpu.dynamic_gather %min3A_674[%gather3A_682] in [0] : vector<16xf32>, vector<16xi32> -> vector<16xf32>
      %min3A_684 = arith.minimumf %min3A_674, %gather3A_683 : vector<16xf32>
      %add3A_685 = arith.constant 2 : i32
      %add3A_686 = vector.broadcast %add3A_685 : i32 to vector<16xi32>
      %add3A_687 = arith.addi %iota3A, %add3A_686 : vector<16xi32>
      %and3A_688 = arith.constant 15 : i32
      %and3A_689 = vector.broadcast %and3A_688 : i32 to vector<16xi32>
      %and3A_690 = arith.andi %add3A_687, %and3A_689 : vector<16xi32>
      %broadcast_in_dim3A_691 = vector.shape_cast %and3A_690 : vector<16xi32> to vector<16x1xi32>
      %gather3A_692 = vector.shape_cast %broadcast_in_dim3A_691 : vector<16x1xi32> to vector<16xi32>
      %gather3A_693 = tpu.dynamic_gather %min3A_684[%gather3A_692] in [0] : vector<16xf32>, vector<16xi32> -> vector<16xf32>
      %min3A_694 = arith.minimumf %min3A_684, %gather3A_693 : vector<16xf32>
      %add3A_695 = arith.constant 1 : i32
      %add3A_696 = vector.broadcast %add3A_695 : i32 to vector<16xi32>
      %add3A_697 = arith.addi %iota3A, %add3A_696 : vector<16xi32>
      %and3A_698 = arith.constant 15 : i32
      %and3A_699 = vector.broadcast %and3A_698 : i32 to vector<16xi32>
      %and3A_700 = arith.andi %add3A_697, %and3A_699 : vector<16xi32>
      %broadcast_in_dim3A_701 = vector.shape_cast %and3A_700 : vector<16xi32> to vector<16x1xi32>
      %gather3A_702 = vector.shape_cast %broadcast_in_dim3A_701 : vector<16x1xi32> to vector<16xi32>
      %gather3A_703 = tpu.dynamic_gather %min3A_694[%gather3A_702] in [0] : vector<16xf32>, vector<16xi32> -> vector<16xf32>
      %min3A_704 = arith.minimumf %min3A_694, %gather3A_703 : vector<16xf32>
      %add3A_705 = arith.constant 1 : i32
      %add3A_706 = arith.addi %select_n3A_620, %add3A_705 : i32
      %eq3A_707 = vector.broadcast %add3A_706 : i32 to vector<16xi32>
      %eq3A_708 = arith.cmpi eq, %iota3A, %eq3A_707 : vector<16xi32>
      %select_n3A_709 = arith.select %eq3A_708, %min3A_704, %select_n3A_664 : vector<16xi1>, vector<16xf32>
      %add3A_710 = arith.constant 8 : i32
      %add3A_711 = vector.broadcast %add3A_710 : i32 to vector<16xi32>
      %add3A_712 = arith.addi %iota3A, %add3A_711 : vector<16xi32>
      %and3A_713 = arith.constant 15 : i32
      %and3A_714 = vector.broadcast %and3A_713 : i32 to vector<16xi32>
      %and3A_715 = arith.andi %add3A_712, %and3A_714 : vector<16xi32>
      %broadcast_in_dim3A_716 = vector.shape_cast %and3A_715 : vector<16xi32> to vector<16x1xi32>
      %gather3A_717 = vector.shape_cast %broadcast_in_dim3A_716 : vector<16x1xi32> to vector<16xi32>
      %gather3A_718 = tpu.dynamic_gather %parallel_loop3A_601#2[%gather3A_717] in [0] : vector<16xf32>, vector<16xi32> -> vector<16xf32>
      %min3A_719 = arith.minimumf %parallel_loop3A_601#2, %gather3A_718 : vector<16xf32>
      %add3A_720 = arith.constant 4 : i32
      %add3A_721 = vector.broadcast %add3A_720 : i32 to vector<16xi32>
      %add3A_722 = arith.addi %iota3A, %add3A_721 : vector<16xi32>
      %and3A_723 = arith.constant 15 : i32
      %and3A_724 = vector.broadcast %and3A_723 : i32 to vector<16xi32>
      %and3A_725 = arith.andi %add3A_722, %and3A_724 : vector<16xi32>
      %broadcast_in_dim3A_726 = vector.shape_cast %and3A_725 : vector<16xi32> to vector<16x1xi32>
      %gather3A_727 = vector.shape_cast %broadcast_in_dim3A_726 : vector<16x1xi32> to vector<16xi32>
      %gather3A_728 = tpu.dynamic_gather %min3A_719[%gather3A_727] in [0] : vector<16xf32>, vector<16xi32> -> vector<16xf32>
      %min3A_729 = arith.minimumf %min3A_719, %gather3A_728 : vector<16xf32>
      %add3A_730 = arith.constant 2 : i32
      %add3A_731 = vector.broadcast %add3A_730 : i32 to vector<16xi32>
      %add3A_732 = arith.addi %iota3A, %add3A_731 : vector<16xi32>
      %and3A_733 = arith.constant 15 : i32
      %and3A_734 = vector.broadcast %and3A_733 : i32 to vector<16xi32>
      %and3A_735 = arith.andi %add3A_732, %and3A_734 : vector<16xi32>
      %broadcast_in_dim3A_736 = vector.shape_cast %and3A_735 : vector<16xi32> to vector<16x1xi32>
      %gather3A_737 = vector.shape_cast %broadcast_in_dim3A_736 : vector<16x1xi32> to vector<16xi32>
      %gather3A_738 = tpu.dynamic_gather %min3A_729[%gather3A_737] in [0] : vector<16xf32>, vector<16xi32> -> vector<16xf32>
      %min3A_739 = arith.minimumf %min3A_729, %gather3A_738 : vector<16xf32>
      %add3A_740 = arith.constant 1 : i32
      %add3A_741 = vector.broadcast %add3A_740 : i32 to vector<16xi32>
      %add3A_742 = arith.addi %iota3A, %add3A_741 : vector<16xi32>
      %and3A_743 = arith.constant 15 : i32
      %and3A_744 = vector.broadcast %and3A_743 : i32 to vector<16xi32>
      %and3A_745 = arith.andi %add3A_742, %and3A_744 : vector<16xi32>
      %broadcast_in_dim3A_746 = vector.shape_cast %and3A_745 : vector<16xi32> to vector<16x1xi32>
      %gather3A_747 = vector.shape_cast %broadcast_in_dim3A_746 : vector<16x1xi32> to vector<16xi32>
      %gather3A_748 = tpu.dynamic_gather %min3A_739[%gather3A_747] in [0] : vector<16xf32>, vector<16xi32> -> vector<16xf32>
      %min3A_749 = arith.minimumf %min3A_739, %gather3A_748 : vector<16xf32>
      %add3A_750 = arith.constant 2 : i32
      %add3A_751 = arith.addi %select_n3A_620, %add3A_750 : i32
      %eq3A_752 = vector.broadcast %add3A_751 : i32 to vector<16xi32>
      %eq3A_753 = arith.cmpi eq, %iota3A, %eq3A_752 : vector<16xi32>
      %select_n3A_754 = arith.select %eq3A_753, %min3A_749, %select_n3A_709 : vector<16xi1>, vector<16xf32>
      %add3A_755 = arith.constant 8 : i32
      %add3A_756 = vector.broadcast %add3A_755 : i32 to vector<16xi32>
      %add3A_757 = arith.addi %iota3A, %add3A_756 : vector<16xi32>
      %and3A_758 = arith.constant 15 : i32
      %and3A_759 = vector.broadcast %and3A_758 : i32 to vector<16xi32>
      %and3A_760 = arith.andi %add3A_757, %and3A_759 : vector<16xi32>
      %broadcast_in_dim3A_761 = vector.shape_cast %and3A_760 : vector<16xi32> to vector<16x1xi32>
      %gather3A_762 = vector.shape_cast %broadcast_in_dim3A_761 : vector<16x1xi32> to vector<16xi32>
      %gather3A_763 = tpu.dynamic_gather %parallel_loop3A_601#3[%gather3A_762] in [0] : vector<16xf32>, vector<16xi32> -> vector<16xf32>
      %min3A_764 = arith.minimumf %parallel_loop3A_601#3, %gather3A_763 : vector<16xf32>
      %add3A_765 = arith.constant 4 : i32
      %add3A_766 = vector.broadcast %add3A_765 : i32 to vector<16xi32>
      %add3A_767 = arith.addi %iota3A, %add3A_766 : vector<16xi32>
      %and3A_768 = arith.constant 15 : i32
      %and3A_769 = vector.broadcast %and3A_768 : i32 to vector<16xi32>
      %and3A_770 = arith.andi %add3A_767, %and3A_769 : vector<16xi32>
      %broadcast_in_dim3A_771 = vector.shape_cast %and3A_770 : vector<16xi32> to vector<16x1xi32>
      %gather3A_772 = vector.shape_cast %broadcast_in_dim3A_771 : vector<16x1xi32> to vector<16xi32>
      %gather3A_773 = tpu.dynamic_gather %min3A_764[%gather3A_772] in [0] : vector<16xf32>, vector<16xi32> -> vector<16xf32>
      %min3A_774 = arith.minimumf %min3A_764, %gather3A_773 : vector<16xf32>
      %add3A_775 = arith.constant 2 : i32
      %add3A_776 = vector.broadcast %add3A_775 : i32 to vector<16xi32>
      %add3A_777 = arith.addi %iota3A, %add3A_776 : vector<16xi32>
      %and3A_778 = arith.constant 15 : i32
      %and3A_779 = vector.broadcast %and3A_778 : i32 to vector<16xi32>
      %and3A_780 = arith.andi %add3A_777, %and3A_779 : vector<16xi32>
      %broadcast_in_dim3A_781 = vector.shape_cast %and3A_780 : vector<16xi32> to vector<16x1xi32>
      %gather3A_782 = vector.shape_cast %broadcast_in_dim3A_781 : vector<16x1xi32> to vector<16xi32>
      %gather3A_783 = tpu.dynamic_gather %min3A_774[%gather3A_782] in [0] : vector<16xf32>, vector<16xi32> -> vector<16xf32>
      %min3A_784 = arith.minimumf %min3A_774, %gather3A_783 : vector<16xf32>
      %add3A_785 = arith.constant 1 : i32
      %add3A_786 = vector.broadcast %add3A_785 : i32 to vector<16xi32>
      %add3A_787 = arith.addi %iota3A, %add3A_786 : vector<16xi32>
      %and3A_788 = arith.constant 15 : i32
      %and3A_789 = vector.broadcast %and3A_788 : i32 to vector<16xi32>
      %and3A_790 = arith.andi %add3A_787, %and3A_789 : vector<16xi32>
      %broadcast_in_dim3A_791 = vector.shape_cast %and3A_790 : vector<16xi32> to vector<16x1xi32>
      %gather3A_792 = vector.shape_cast %broadcast_in_dim3A_791 : vector<16x1xi32> to vector<16xi32>
      %gather3A_793 = tpu.dynamic_gather %min3A_784[%gather3A_792] in [0] : vector<16xf32>, vector<16xi32> -> vector<16xf32>
      %min3A_794 = arith.minimumf %min3A_784, %gather3A_793 : vector<16xf32>
      %add3A_795 = arith.constant 3 : i32
      %add3A_796 = arith.addi %select_n3A_620, %add3A_795 : i32
      %eq3A_797 = vector.broadcast %add3A_796 : i32 to vector<16xi32>
      %eq3A_798 = arith.cmpi eq, %iota3A, %eq3A_797 : vector<16xi32>
      %select_n3A_799 = arith.select %eq3A_798, %min3A_794, %select_n3A_754 : vector<16xi1>, vector<16xf32>
      %add3A_800 = arith.constant 8 : i32
      %add3A_801 = vector.broadcast %add3A_800 : i32 to vector<16xi32>
      %add3A_802 = arith.addi %iota3A, %add3A_801 : vector<16xi32>
      %and3A_803 = arith.constant 15 : i32
      %and3A_804 = vector.broadcast %and3A_803 : i32 to vector<16xi32>
      %and3A_805 = arith.andi %add3A_802, %and3A_804 : vector<16xi32>
      %broadcast_in_dim3A_806 = vector.shape_cast %and3A_805 : vector<16xi32> to vector<16x1xi32>
      %gather3A_807 = vector.shape_cast %broadcast_in_dim3A_806 : vector<16x1xi32> to vector<16xi32>
      %gather3A_808 = tpu.dynamic_gather %parallel_loop3A_601#4[%gather3A_807] in [0] : vector<16xf32>, vector<16xi32> -> vector<16xf32>
      %min3A_809 = arith.minimumf %parallel_loop3A_601#4, %gather3A_808 : vector<16xf32>
      %add3A_810 = arith.constant 4 : i32
      %add3A_811 = vector.broadcast %add3A_810 : i32 to vector<16xi32>
      %add3A_812 = arith.addi %iota3A, %add3A_811 : vector<16xi32>
      %and3A_813 = arith.constant 15 : i32
      %and3A_814 = vector.broadcast %and3A_813 : i32 to vector<16xi32>
      %and3A_815 = arith.andi %add3A_812, %and3A_814 : vector<16xi32>
      %broadcast_in_dim3A_816 = vector.shape_cast %and3A_815 : vector<16xi32> to vector<16x1xi32>
      %gather3A_817 = vector.shape_cast %broadcast_in_dim3A_816 : vector<16x1xi32> to vector<16xi32>
      %gather3A_818 = tpu.dynamic_gather %min3A_809[%gather3A_817] in [0] : vector<16xf32>, vector<16xi32> -> vector<16xf32>
      %min3A_819 = arith.minimumf %min3A_809, %gather3A_818 : vector<16xf32>
      %add3A_820 = arith.constant 2 : i32
      %add3A_821 = vector.broadcast %add3A_820 : i32 to vector<16xi32>
      %add3A_822 = arith.addi %iota3A, %add3A_821 : vector<16xi32>
      %and3A_823 = arith.constant 15 : i32
      %and3A_824 = vector.broadcast %and3A_823 : i32 to vector<16xi32>
      %and3A_825 = arith.andi %add3A_822, %and3A_824 : vector<16xi32>
      %broadcast_in_dim3A_826 = vector.shape_cast %and3A_825 : vector<16xi32> to vector<16x1xi32>
      %gather3A_827 = vector.shape_cast %broadcast_in_dim3A_826 : vector<16x1xi32> to vector<16xi32>
      %gather3A_828 = tpu.dynamic_gather %min3A_819[%gather3A_827] in [0] : vector<16xf32>, vector<16xi32> -> vector<16xf32>
      %min3A_829 = arith.minimumf %min3A_819, %gather3A_828 : vector<16xf32>
      %add3A_830 = arith.constant 1 : i32
      %add3A_831 = vector.broadcast %add3A_830 : i32 to vector<16xi32>
      %add3A_832 = arith.addi %iota3A, %add3A_831 : vector<16xi32>
      %and3A_833 = arith.constant 15 : i32
      %and3A_834 = vector.broadcast %and3A_833 : i32 to vector<16xi32>
      %and3A_835 = arith.andi %add3A_832, %and3A_834 : vector<16xi32>
      %broadcast_in_dim3A_836 = vector.shape_cast %and3A_835 : vector<16xi32> to vector<16x1xi32>
      %gather3A_837 = vector.shape_cast %broadcast_in_dim3A_836 : vector<16x1xi32> to vector<16xi32>
      %gather3A_838 = tpu.dynamic_gather %min3A_829[%gather3A_837] in [0] : vector<16xf32>, vector<16xi32> -> vector<16xf32>
      %min3A_839 = arith.minimumf %min3A_829, %gather3A_838 : vector<16xf32>
      %add3A_840 = arith.constant 4 : i32
      %add3A_841 = arith.addi %select_n3A_620, %add3A_840 : i32
      %eq3A_842 = vector.broadcast %add3A_841 : i32 to vector<16xi32>
      %eq3A_843 = arith.cmpi eq, %iota3A, %eq3A_842 : vector<16xi32>
      %select_n3A_844 = arith.select %eq3A_843, %min3A_839, %select_n3A_799 : vector<16xi1>, vector<16xf32>
      %add3A_845 = arith.constant 8 : i32
      %add3A_846 = vector.broadcast %add3A_845 : i32 to vector<16xi32>
      %add3A_847 = arith.addi %iota3A, %add3A_846 : vector<16xi32>
      %and3A_848 = arith.constant 15 : i32
      %and3A_849 = vector.broadcast %and3A_848 : i32 to vector<16xi32>
      %and3A_850 = arith.andi %add3A_847, %and3A_849 : vector<16xi32>
      %broadcast_in_dim3A_851 = vector.shape_cast %and3A_850 : vector<16xi32> to vector<16x1xi32>
      %gather3A_852 = vector.shape_cast %broadcast_in_dim3A_851 : vector<16x1xi32> to vector<16xi32>
      %gather3A_853 = tpu.dynamic_gather %parallel_loop3A_601#5[%gather3A_852] in [0] : vector<16xf32>, vector<16xi32> -> vector<16xf32>
      %min3A_854 = arith.minimumf %parallel_loop3A_601#5, %gather3A_853 : vector<16xf32>
      %add3A_855 = arith.constant 4 : i32
      %add3A_856 = vector.broadcast %add3A_855 : i32 to vector<16xi32>
      %add3A_857 = arith.addi %iota3A, %add3A_856 : vector<16xi32>
      %and3A_858 = arith.constant 15 : i32
      %and3A_859 = vector.broadcast %and3A_858 : i32 to vector<16xi32>
      %and3A_860 = arith.andi %add3A_857, %and3A_859 : vector<16xi32>
      %broadcast_in_dim3A_861 = vector.shape_cast %and3A_860 : vector<16xi32> to vector<16x1xi32>
      %gather3A_862 = vector.shape_cast %broadcast_in_dim3A_861 : vector<16x1xi32> to vector<16xi32>
      %gather3A_863 = tpu.dynamic_gather %min3A_854[%gather3A_862] in [0] : vector<16xf32>, vector<16xi32> -> vector<16xf32>
      %min3A_864 = arith.minimumf %min3A_854, %gather3A_863 : vector<16xf32>
      %add3A_865 = arith.constant 2 : i32
      %add3A_866 = vector.broadcast %add3A_865 : i32 to vector<16xi32>
      %add3A_867 = arith.addi %iota3A, %add3A_866 : vector<16xi32>
      %and3A_868 = arith.constant 15 : i32
      %and3A_869 = vector.broadcast %and3A_868 : i32 to vector<16xi32>
      %and3A_870 = arith.andi %add3A_867, %and3A_869 : vector<16xi32>
      %broadcast_in_dim3A_871 = vector.shape_cast %and3A_870 : vector<16xi32> to vector<16x1xi32>
      %gather3A_872 = vector.shape_cast %broadcast_in_dim3A_871 : vector<16x1xi32> to vector<16xi32>
      %gather3A_873 = tpu.dynamic_gather %min3A_864[%gather3A_872] in [0] : vector<16xf32>, vector<16xi32> -> vector<16xf32>
      %min3A_874 = arith.minimumf %min3A_864, %gather3A_873 : vector<16xf32>
      %add3A_875 = arith.constant 1 : i32
      %add3A_876 = vector.broadcast %add3A_875 : i32 to vector<16xi32>
      %add3A_877 = arith.addi %iota3A, %add3A_876 : vector<16xi32>
      %and3A_878 = arith.constant 15 : i32
      %and3A_879 = vector.broadcast %and3A_878 : i32 to vector<16xi32>
      %and3A_880 = arith.andi %add3A_877, %and3A_879 : vector<16xi32>
      %broadcast_in_dim3A_881 = vector.shape_cast %and3A_880 : vector<16xi32> to vector<16x1xi32>
      %gather3A_882 = vector.shape_cast %broadcast_in_dim3A_881 : vector<16x1xi32> to vector<16xi32>
      %gather3A_883 = tpu.dynamic_gather %min3A_874[%gather3A_882] in [0] : vector<16xf32>, vector<16xi32> -> vector<16xf32>
      %min3A_884 = arith.minimumf %min3A_874, %gather3A_883 : vector<16xf32>
      %add3A_885 = arith.constant 5 : i32
      %add3A_886 = arith.addi %select_n3A_620, %add3A_885 : i32
      %eq3A_887 = vector.broadcast %add3A_886 : i32 to vector<16xi32>
      %eq3A_888 = arith.cmpi eq, %iota3A, %eq3A_887 : vector<16xi32>
      %select_n3A_889 = arith.select %eq3A_888, %min3A_884, %select_n3A_844 : vector<16xi1>, vector<16xf32>
      %add3A_890 = arith.constant 8 : i32
      %add3A_891 = vector.broadcast %add3A_890 : i32 to vector<16xi32>
      %add3A_892 = arith.addi %iota3A, %add3A_891 : vector<16xi32>
      %and3A_893 = arith.constant 15 : i32
      %and3A_894 = vector.broadcast %and3A_893 : i32 to vector<16xi32>
      %and3A_895 = arith.andi %add3A_892, %and3A_894 : vector<16xi32>
      %broadcast_in_dim3A_896 = vector.shape_cast %and3A_895 : vector<16xi32> to vector<16x1xi32>
      %gather3A_897 = vector.shape_cast %broadcast_in_dim3A_896 : vector<16x1xi32> to vector<16xi32>
      %gather3A_898 = tpu.dynamic_gather %parallel_loop3A_601#6[%gather3A_897] in [0] : vector<16xf32>, vector<16xi32> -> vector<16xf32>
      %min3A_899 = arith.minimumf %parallel_loop3A_601#6, %gather3A_898 : vector<16xf32>
      %add3A_900 = arith.constant 4 : i32
      %add3A_901 = vector.broadcast %add3A_900 : i32 to vector<16xi32>
      %add3A_902 = arith.addi %iota3A, %add3A_901 : vector<16xi32>
      %and3A_903 = arith.constant 15 : i32
      %and3A_904 = vector.broadcast %and3A_903 : i32 to vector<16xi32>
      %and3A_905 = arith.andi %add3A_902, %and3A_904 : vector<16xi32>
      %broadcast_in_dim3A_906 = vector.shape_cast %and3A_905 : vector<16xi32> to vector<16x1xi32>
      %gather3A_907 = vector.shape_cast %broadcast_in_dim3A_906 : vector<16x1xi32> to vector<16xi32>
      %gather3A_908 = tpu.dynamic_gather %min3A_899[%gather3A_907] in [0] : vector<16xf32>, vector<16xi32> -> vector<16xf32>
      %min3A_909 = arith.minimumf %min3A_899, %gather3A_908 : vector<16xf32>
      %add3A_910 = arith.constant 2 : i32
      %add3A_911 = vector.broadcast %add3A_910 : i32 to vector<16xi32>
      %add3A_912 = arith.addi %iota3A, %add3A_911 : vector<16xi32>
      %and3A_913 = arith.constant 15 : i32
      %and3A_914 = vector.broadcast %and3A_913 : i32 to vector<16xi32>
      %and3A_915 = arith.andi %add3A_912, %and3A_914 : vector<16xi32>
      %broadcast_in_dim3A_916 = vector.shape_cast %and3A_915 : vector<16xi32> to vector<16x1xi32>
      %gather3A_917 = vector.shape_cast %broadcast_in_dim3A_916 : vector<16x1xi32> to vector<16xi32>
      %gather3A_918 = tpu.dynamic_gather %min3A_909[%gather3A_917] in [0] : vector<16xf32>, vector<16xi32> -> vector<16xf32>
      %min3A_919 = arith.minimumf %min3A_909, %gather3A_918 : vector<16xf32>
      %add3A_920 = arith.constant 1 : i32
      %add3A_921 = vector.broadcast %add3A_920 : i32 to vector<16xi32>
      %add3A_922 = arith.addi %iota3A, %add3A_921 : vector<16xi32>
      %and3A_923 = arith.constant 15 : i32
      %and3A_924 = vector.broadcast %and3A_923 : i32 to vector<16xi32>
      %and3A_925 = arith.andi %add3A_922, %and3A_924 : vector<16xi32>
      %broadcast_in_dim3A_926 = vector.shape_cast %and3A_925 : vector<16xi32> to vector<16x1xi32>
      %gather3A_927 = vector.shape_cast %broadcast_in_dim3A_926 : vector<16x1xi32> to vector<16xi32>
      %gather3A_928 = tpu.dynamic_gather %min3A_919[%gather3A_927] in [0] : vector<16xf32>, vector<16xi32> -> vector<16xf32>
      %min3A_929 = arith.minimumf %min3A_919, %gather3A_928 : vector<16xf32>
      %add3A_930 = arith.constant 6 : i32
      %add3A_931 = arith.addi %select_n3A_620, %add3A_930 : i32
      %eq3A_932 = vector.broadcast %add3A_931 : i32 to vector<16xi32>
      %eq3A_933 = arith.cmpi eq, %iota3A, %eq3A_932 : vector<16xi32>
      %select_n3A_934 = arith.select %eq3A_933, %min3A_929, %select_n3A_889 : vector<16xi1>, vector<16xf32>
      %add3A_935 = arith.constant 8 : i32
      %add3A_936 = vector.broadcast %add3A_935 : i32 to vector<16xi32>
      %add3A_937 = arith.addi %iota3A, %add3A_936 : vector<16xi32>
      %and3A_938 = arith.constant 15 : i32
      %and3A_939 = vector.broadcast %and3A_938 : i32 to vector<16xi32>
      %and3A_940 = arith.andi %add3A_937, %and3A_939 : vector<16xi32>
      %broadcast_in_dim3A_941 = vector.shape_cast %and3A_940 : vector<16xi32> to vector<16x1xi32>
      %gather3A_942 = vector.shape_cast %broadcast_in_dim3A_941 : vector<16x1xi32> to vector<16xi32>
      %gather3A_943 = tpu.dynamic_gather %parallel_loop3A_601#7[%gather3A_942] in [0] : vector<16xf32>, vector<16xi32> -> vector<16xf32>
      %min3A_944 = arith.minimumf %parallel_loop3A_601#7, %gather3A_943 : vector<16xf32>
      %add3A_945 = arith.constant 4 : i32
      %add3A_946 = vector.broadcast %add3A_945 : i32 to vector<16xi32>
      %add3A_947 = arith.addi %iota3A, %add3A_946 : vector<16xi32>
      %and3A_948 = arith.constant 15 : i32
      %and3A_949 = vector.broadcast %and3A_948 : i32 to vector<16xi32>
      %and3A_950 = arith.andi %add3A_947, %and3A_949 : vector<16xi32>
      %broadcast_in_dim3A_951 = vector.shape_cast %and3A_950 : vector<16xi32> to vector<16x1xi32>
      %gather3A_952 = vector.shape_cast %broadcast_in_dim3A_951 : vector<16x1xi32> to vector<16xi32>
      %gather3A_953 = tpu.dynamic_gather %min3A_944[%gather3A_952] in [0] : vector<16xf32>, vector<16xi32> -> vector<16xf32>
      %min3A_954 = arith.minimumf %min3A_944, %gather3A_953 : vector<16xf32>
      %add3A_955 = arith.constant 2 : i32
      %add3A_956 = vector.broadcast %add3A_955 : i32 to vector<16xi32>
      %add3A_957 = arith.addi %iota3A, %add3A_956 : vector<16xi32>
      %and3A_958 = arith.constant 15 : i32
      %and3A_959 = vector.broadcast %and3A_958 : i32 to vector<16xi32>
      %and3A_960 = arith.andi %add3A_957, %and3A_959 : vector<16xi32>
      %broadcast_in_dim3A_961 = vector.shape_cast %and3A_960 : vector<16xi32> to vector<16x1xi32>
      %gather3A_962 = vector.shape_cast %broadcast_in_dim3A_961 : vector<16x1xi32> to vector<16xi32>
      %gather3A_963 = tpu.dynamic_gather %min3A_954[%gather3A_962] in [0] : vector<16xf32>, vector<16xi32> -> vector<16xf32>
      %min3A_964 = arith.minimumf %min3A_954, %gather3A_963 : vector<16xf32>
      %add3A_965 = arith.constant 1 : i32
      %add3A_966 = vector.broadcast %add3A_965 : i32 to vector<16xi32>
      %add3A_967 = arith.addi %iota3A, %add3A_966 : vector<16xi32>
      %and3A_968 = arith.constant 15 : i32
      %and3A_969 = vector.broadcast %and3A_968 : i32 to vector<16xi32>
      %and3A_970 = arith.andi %add3A_967, %and3A_969 : vector<16xi32>
      %broadcast_in_dim3A_971 = vector.shape_cast %and3A_970 : vector<16xi32> to vector<16x1xi32>
      %gather3A_972 = vector.shape_cast %broadcast_in_dim3A_971 : vector<16x1xi32> to vector<16xi32>
      %gather3A_973 = tpu.dynamic_gather %min3A_964[%gather3A_972] in [0] : vector<16xf32>, vector<16xi32> -> vector<16xf32>
      %min3A_974 = arith.minimumf %min3A_964, %gather3A_973 : vector<16xf32>
      %add3A_975 = arith.constant 7 : i32
      %add3A_976 = arith.addi %select_n3A_620, %add3A_975 : i32
      %eq3A_977 = vector.broadcast %add3A_976 : i32 to vector<16xi32>
      %eq3A_978 = arith.cmpi eq, %iota3A, %eq3A_977 : vector<16xi32>
      %select_n3A_979 = arith.select %eq3A_978, %min3A_974, %select_n3A_934 : vector<16xi1>, vector<16xf32>
      %swap3A = arith.index_cast %mul3A_57 : i32 to index
      %swap3A_980 = tpu.vector_load %arg9[%swap3A] {strides = array<i32>} : memref<256xf32, #tpu.memory_space<vmem>>, vector<16xf32>,
      %swap3A_981 = vector.shape_cast %swap3A_980 : vector<16xf32> to vector<16xf32>
      %swap3A_982 = vector.shape_cast %select_n3A_979 : vector<16xf32> to vector<16xf32>
      tpu.vector_store %arg9[%swap3A], %swap3A_982 {strides = array<i32>} : memref<256xf32, #tpu.memory_space<vmem>>, vector<16xf32>,
    }
    %scan3A_27 = arith.constant 32 : i32
    %mul3A_28 = arith.constant 256 : i32
    %mul3A_29 = arith.muli %arg1, %mul3A_28 : i32
    "tpu.region"() ({
      %run_scoped3A = tpu.sem_alloc : memref<!tpu.dma_semaphore, #tpu.memory_space<semaphore_mem>>
      %dma_start3A = tpu.memref_slice %arg4[%add3A_18, %mul3A_29] : memref<4x4096xf32, #tpu.memory_space<hbm>> -> memref<1x256xf32, #tpu.memory_space<hbm>>
      %dma_start3A_37 = tpu.memref_squeeze %dma_start3A : memref<1x256xf32, #tpu.memory_space<hbm>> -> memref<256xf32, #tpu.memory_space<hbm>>
      %dma_start3A_38 = tpu.memref_slice %arg4[%add3A_18, %mul3A_29] : memref<4x4096xf32, #tpu.memory_space<hbm>> -> memref<1x256xf32, #tpu.memory_space<hbm>>
      %dma_start3A_39 = tpu.memref_squeeze %dma_start3A_38 : memref<1x256xf32, #tpu.memory_space<hbm>> -> memref<256xf32, #tpu.memory_space<hbm>>
      tpu.enqueue_dma source(%arg9 : memref<256xf32, #tpu.memory_space<vmem>>) target(%dma_start3A_39 : memref<256xf32, #tpu.memory_space<hbm>>) target_semaphore(%run_scoped3A : memref<!tpu.dma_semaphore, #tpu.memory_space<semaphore_mem>>)
      %dma_wait3A = tpu.memref_slice %arg4[%add3A_18, %mul3A_29] : memref<4x4096xf32, #tpu.memory_space<hbm>> -> memref<1x256xf32, #tpu.memory_space<hbm>>
      %dma_wait3A_40 = tpu.memref_squeeze %dma_wait3A : memref<1x256xf32, #tpu.memory_space<hbm>> -> memref<256xf32, #tpu.memory_space<hbm>>
      %dma_wait3A_41 = tpu.memref_slice %arg4[%add3A_18, %mul3A_29] : memref<4x4096xf32, #tpu.memory_space<hbm>> -> memref<1x256xf32, #tpu.memory_space<hbm>>
      %dma_wait3A_42 = tpu.memref_squeeze %dma_wait3A_41 : memref<1x256xf32, #tpu.memory_space<hbm>> -> memref<256xf32, #tpu.memory_space<hbm>>
      tpu.wait_dma2 semaphore(%run_scoped3A : memref<!tpu.dma_semaphore, #tpu.memory_space<semaphore_mem>>) src(%arg9 : memref<256xf32, #tpu.memory_space<vmem>>) dst(%dma_wait3A_42 : memref<256xf32, #tpu.memory_space<hbm>>)
      tpu.yield
    }) : () -> ()
    "tpu.region"() ({
      %run_scoped3A = tpu.sem_alloc : memref<!tpu.dma_semaphore, #tpu.memory_space<semaphore_mem>>
      %dma_start3A = arith.constant 0 : i32
      %dma_start3A_37 = tpu.memref_slice %arg12[%arg1, %dma_start3A] : memref<16x1280xf32, #tpu.memory_space<vmem_shared>> -> memref<1x1280xf32, #tpu.memory_space<vmem_shared>>
      %dma_start3A_38 = tpu.memref_squeeze %dma_start3A_37 : memref<1x1280xf32, #tpu.memory_space<vmem_shared>> -> memref<1280xf32, #tpu.memory_space<vmem_shared>>
      %dma_start3A_39 = arith.constant 0 : i32
      %dma_start3A_40 = tpu.memref_slice %arg12[%arg1, %dma_start3A_39] : memref<16x1280xf32, #tpu.memory_space<vmem_shared>> -> memref<1x1280xf32, #tpu.memory_space<vmem_shared>>
      %dma_start3A_41 = tpu.memref_squeeze %dma_start3A_40 : memref<1x1280xf32, #tpu.memory_space<vmem_shared>> -> memref<1280xf32, #tpu.memory_space<vmem_shared>>
      tpu.enqueue_dma source(%arg8 : memref<1280xf32, #tpu.memory_space<vmem>>) target(%dma_start3A_41 : memref<1280xf32, #tpu.memory_space<vmem_shared>>) target_semaphore(%run_scoped3A : memref<!tpu.dma_semaphore, #tpu.memory_space<semaphore_mem>>)
      %dma_wait3A = arith.constant 0 : i32
      %dma_wait3A_42 = tpu.memref_slice %arg12[%arg1, %dma_wait3A] : memref<16x1280xf32, #tpu.memory_space<vmem_shared>> -> memref<1x1280xf32, #tpu.memory_space<vmem_shared>>
      %dma_wait3A_43 = tpu.memref_squeeze %dma_wait3A_42 : memref<1x1280xf32, #tpu.memory_space<vmem_shared>> -> memref<1280xf32, #tpu.memory_space<vmem_shared>>
      %dma_wait3A_44 = arith.constant 0 : i32
      %dma_wait3A_45 = tpu.memref_slice %arg12[%arg1, %dma_wait3A_44] : memref<16x1280xf32, #tpu.memory_space<vmem_shared>> -> memref<1x1280xf32, #tpu.memory_space<vmem_shared>>
      %dma_wait3A_46 = tpu.memref_squeeze %dma_wait3A_45 : memref<1x1280xf32, #tpu.memory_space<vmem_shared>> -> memref<1280xf32, #tpu.memory_space<vmem_shared>>
      tpu.wait_dma2 semaphore(%run_scoped3A : memref<!tpu.dma_semaphore, #tpu.memory_space<semaphore_mem>>) src(%arg8 : memref<1280xf32, #tpu.memory_space<vmem>>) dst(%dma_wait3A_46 : memref<1280xf32, #tpu.memory_space<vmem_shared>>)
      tpu.yield
    }) : () -> ()
    %barrier3A_30 = arith.constant 0 : index
    tpu.barrier barrier_id(%barrier3A_30)
    %lt3A_31 = arith.constant 10 : i32
    %lt3A_32 = arith.cmpi slt, %arg1, %lt3A_31 : i32
    %convert_element_type3A_33 = arith.extui %lt3A_32 : i1 to i32
    %cond3A_34 = arith.constant 0 : i32
    %cond3A_35 = arith.cmpi ne, %convert_element_type3A_33, %cond3A_34 : i32
    scf.if %cond3A_35 {
      %mul3A_37 = arith.constant 128 : i32
      %mul3A_38 = arith.muli %arg1, %mul3A_37 : i32
      "tpu.region"() ({
        %run_scoped3A = tpu.sem_alloc : memref<!tpu.dma_semaphore, #tpu.memory_space<semaphore_mem>>
        %dma_start3A = arith.constant 0 : i32
        %dma_start3A_47 = tpu.memref_slice %arg12[%dma_start3A, %mul3A_38] : memref<16x1280xf32, #tpu.memory_space<vmem_shared>> -> memref<16x128xf32, #tpu.memory_space<vmem_shared>>
        %dma_start3A_48 = arith.constant 0 : i32
        %dma_start3A_49 = tpu.memref_slice %arg12[%dma_start3A_48, %mul3A_38] : memref<16x1280xf32, #tpu.memory_space<vmem_shared>> -> memref<16x128xf32, #tpu.memory_space<vmem_shared>>
        tpu.enqueue_dma source(%dma_start3A_49 : memref<16x128xf32, #tpu.memory_space<vmem_shared>>) target(%arg10 : memref<16x128xf32, #tpu.memory_space<vmem>>) target_semaphore(%run_scoped3A : memref<!tpu.dma_semaphore, #tpu.memory_space<semaphore_mem>>)
        %dma_wait3A = arith.constant 0 : i32
        %dma_wait3A_50 = tpu.memref_slice %arg12[%dma_wait3A, %mul3A_38] : memref<16x1280xf32, #tpu.memory_space<vmem_shared>> -> memref<16x128xf32, #tpu.memory_space<vmem_shared>>
        %dma_wait3A_51 = arith.constant 0 : i32
        %dma_wait3A_52 = tpu.memref_slice %arg12[%dma_wait3A_51, %mul3A_38] : memref<16x1280xf32, #tpu.memory_space<vmem_shared>> -> memref<16x128xf32, #tpu.memory_space<vmem_shared>>
        tpu.wait_dma2 semaphore(%run_scoped3A : memref<!tpu.dma_semaphore, #tpu.memory_space<semaphore_mem>>) src(%dma_wait3A_52 : memref<16x128xf32, #tpu.memory_space<vmem_shared>>) dst(%arg10 : memref<16x128xf32, #tpu.memory_space<vmem>>)
        tpu.yield
      }) : () -> ()
      %scan3A_39 = arith.constant 0 : i32
      %scan3A_40 = arith.constant 0 : i32
      %scan3A_41 = arith.constant 8 : i32
      %scan3A_42 = arith.addi %scan3A_40, %scan3A_41 : i32
      %scan3A_43 = arith.constant 1 : i32
      scf.for %scan3A_47 = %scan3A_40 to %scan3A_42 step %scan3A_43  : i32 {
        %mul3A_48 = arith.constant 16 : i32
        %mul3A_49 = arith.muli %scan3A_47, %mul3A_48 : i32
        %get3A = arith.constant 0 : i32
        %get3A_50 = arith.index_cast %get3A : i32 to index
        %get3A_51 = arith.index_cast %mul3A_49 : i32 to index
        %get3A_52 = tpu.vector_load %arg10[%get3A_50, %get3A_51] {strides = array<i32>} : memref<16x128xf32, #tpu.memory_space<vmem>>, vector<1x16xf32>,
        %get3A_53 = vector.shape_cast %get3A_52 : vector<1x16xf32> to vector<16xf32>
        %mul3A_54 = arith.constant 16 : i32
        %mul3A_55 = arith.muli %scan3A_47, %mul3A_54 : i32
        %get3A_56 = arith.constant 1 : i32
        %get3A_57 = arith.index_cast %get3A_56 : i32 to index
        %get3A_58 = arith.index_cast %mul3A_55 : i32 to index
        %get3A_59 = tpu.vector_load %arg10[%get3A_57, %get3A_58] {strides = array<i32>} : memref<16x128xf32, #tpu.memory_space<vmem>>, vector<1x16xf32>,
        %get3A_60 = vector.shape_cast %get3A_59 : vector<1x16xf32> to vector<16xf32>
        %min3A = arith.minimumf %get3A_53, %get3A_60 : vector<16xf32>
        %mul3A_61 = arith.constant 16 : i32
        %mul3A_62 = arith.muli %scan3A_47, %mul3A_61 : i32
        %get3A_63 = arith.constant 2 : i32
        %get3A_64 = arith.index_cast %get3A_63 : i32 to index
        %get3A_65 = arith.index_cast %mul3A_62 : i32 to index
        %get3A_66 = tpu.vector_load %arg10[%get3A_64, %get3A_65] {strides = array<i32>} : memref<16x128xf32, #tpu.memory_space<vmem>>, vector<1x16xf32>,
        %get3A_67 = vector.shape_cast %get3A_66 : vector<1x16xf32> to vector<16xf32>
        %min3A_68 = arith.minimumf %min3A, %get3A_67 : vector<16xf32>
        %mul3A_69 = arith.constant 16 : i32
        %mul3A_70 = arith.muli %scan3A_47, %mul3A_69 : i32
        %get3A_71 = arith.constant 3 : i32
        %get3A_72 = arith.index_cast %get3A_71 : i32 to index
        %get3A_73 = arith.index_cast %mul3A_70 : i32 to index
        %get3A_74 = tpu.vector_load %arg10[%get3A_72, %get3A_73] {strides = array<i32>} : memref<16x128xf32, #tpu.memory_space<vmem>>, vector<1x16xf32>,
        %get3A_75 = vector.shape_cast %get3A_74 : vector<1x16xf32> to vector<16xf32>
        %min3A_76 = arith.minimumf %min3A_68, %get3A_75 : vector<16xf32>
        %mul3A_77 = arith.constant 16 : i32
        %mul3A_78 = arith.muli %scan3A_47, %mul3A_77 : i32
        %get3A_79 = arith.constant 4 : i32
        %get3A_80 = arith.index_cast %get3A_79 : i32 to index
        %get3A_81 = arith.index_cast %mul3A_78 : i32 to index
        %get3A_82 = tpu.vector_load %arg10[%get3A_80, %get3A_81] {strides = array<i32>} : memref<16x128xf32, #tpu.memory_space<vmem>>, vector<1x16xf32>,
        %get3A_83 = vector.shape_cast %get3A_82 : vector<1x16xf32> to vector<16xf32>
        %min3A_84 = arith.minimumf %min3A_76, %get3A_83 : vector<16xf32>
        %mul3A_85 = arith.constant 16 : i32
        %mul3A_86 = arith.muli %scan3A_47, %mul3A_85 : i32
        %get3A_87 = arith.constant 5 : i32
        %get3A_88 = arith.index_cast %get3A_87 : i32 to index
        %get3A_89 = arith.index_cast %mul3A_86 : i32 to index
        %get3A_90 = tpu.vector_load %arg10[%get3A_88, %get3A_89] {strides = array<i32>} : memref<16x128xf32, #tpu.memory_space<vmem>>, vector<1x16xf32>,
        %get3A_91 = vector.shape_cast %get3A_90 : vector<1x16xf32> to vector<16xf32>
        %min3A_92 = arith.minimumf %min3A_84, %get3A_91 : vector<16xf32>
        %mul3A_93 = arith.constant 16 : i32
        %mul3A_94 = arith.muli %scan3A_47, %mul3A_93 : i32
        %get3A_95 = arith.constant 6 : i32
        %get3A_96 = arith.index_cast %get3A_95 : i32 to index
        %get3A_97 = arith.index_cast %mul3A_94 : i32 to index
        %get3A_98 = tpu.vector_load %arg10[%get3A_96, %get3A_97] {strides = array<i32>} : memref<16x128xf32, #tpu.memory_space<vmem>>, vector<1x16xf32>,
        %get3A_99 = vector.shape_cast %get3A_98 : vector<1x16xf32> to vector<16xf32>
        %min3A_100 = arith.minimumf %min3A_92, %get3A_99 : vector<16xf32>
        %mul3A_101 = arith.constant 16 : i32
        %mul3A_102 = arith.muli %scan3A_47, %mul3A_101 : i32
        %get3A_103 = arith.constant 7 : i32
        %get3A_104 = arith.index_cast %get3A_103 : i32 to index
        %get3A_105 = arith.index_cast %mul3A_102 : i32 to index
        %get3A_106 = tpu.vector_load %arg10[%get3A_104, %get3A_105] {strides = array<i32>} : memref<16x128xf32, #tpu.memory_space<vmem>>, vector<1x16xf32>,
        %get3A_107 = vector.shape_cast %get3A_106 : vector<1x16xf32> to vector<16xf32>
        %min3A_108 = arith.minimumf %min3A_100, %get3A_107 : vector<16xf32>
        %mul3A_109 = arith.constant 16 : i32
        %mul3A_110 = arith.muli %scan3A_47, %mul3A_109 : i32
        %get3A_111 = arith.constant 8 : i32
        %get3A_112 = arith.index_cast %get3A_111 : i32 to index
        %get3A_113 = arith.index_cast %mul3A_110 : i32 to index
        %get3A_114 = tpu.vector_load %arg10[%get3A_112, %get3A_113] {strides = array<i32>} : memref<16x128xf32, #tpu.memory_space<vmem>>, vector<1x16xf32>,
        %get3A_115 = vector.shape_cast %get3A_114 : vector<1x16xf32> to vector<16xf32>
        %min3A_116 = arith.minimumf %min3A_108, %get3A_115 : vector<16xf32>
        %mul3A_117 = arith.constant 16 : i32
        %mul3A_118 = arith.muli %scan3A_47, %mul3A_117 : i32
        %get3A_119 = arith.constant 9 : i32
        %get3A_120 = arith.index_cast %get3A_119 : i32 to index
        %get3A_121 = arith.index_cast %mul3A_118 : i32 to index
        %get3A_122 = tpu.vector_load %arg10[%get3A_120, %get3A_121] {strides = array<i32>} : memref<16x128xf32, #tpu.memory_space<vmem>>, vector<1x16xf32>,
        %get3A_123 = vector.shape_cast %get3A_122 : vector<1x16xf32> to vector<16xf32>
        %min3A_124 = arith.minimumf %min3A_116, %get3A_123 : vector<16xf32>
        %mul3A_125 = arith.constant 16 : i32
        %mul3A_126 = arith.muli %scan3A_47, %mul3A_125 : i32
        %get3A_127 = arith.constant 10 : i32
        %get3A_128 = arith.index_cast %get3A_127 : i32 to index
        %get3A_129 = arith.index_cast %mul3A_126 : i32 to index
        %get3A_130 = tpu.vector_load %arg10[%get3A_128, %get3A_129] {strides = array<i32>} : memref<16x128xf32, #tpu.memory_space<vmem>>, vector<1x16xf32>,
        %get3A_131 = vector.shape_cast %get3A_130 : vector<1x16xf32> to vector<16xf32>
        %min3A_132 = arith.minimumf %min3A_124, %get3A_131 : vector<16xf32>
        %mul3A_133 = arith.constant 16 : i32
        %mul3A_134 = arith.muli %scan3A_47, %mul3A_133 : i32
        %get3A_135 = arith.constant 11 : i32
        %get3A_136 = arith.index_cast %get3A_135 : i32 to index
        %get3A_137 = arith.index_cast %mul3A_134 : i32 to index
        %get3A_138 = tpu.vector_load %arg10[%get3A_136, %get3A_137] {strides = array<i32>} : memref<16x128xf32, #tpu.memory_space<vmem>>, vector<1x16xf32>,
        %get3A_139 = vector.shape_cast %get3A_138 : vector<1x16xf32> to vector<16xf32>
        %min3A_140 = arith.minimumf %min3A_132, %get3A_139 : vector<16xf32>
        %mul3A_141 = arith.constant 16 : i32
        %mul3A_142 = arith.muli %scan3A_47, %mul3A_141 : i32
        %get3A_143 = arith.constant 12 : i32
        %get3A_144 = arith.index_cast %get3A_143 : i32 to index
        %get3A_145 = arith.index_cast %mul3A_142 : i32 to index
        %get3A_146 = tpu.vector_load %arg10[%get3A_144, %get3A_145] {strides = array<i32>} : memref<16x128xf32, #tpu.memory_space<vmem>>, vector<1x16xf32>,
        %get3A_147 = vector.shape_cast %get3A_146 : vector<1x16xf32> to vector<16xf32>
        %min3A_148 = arith.minimumf %min3A_140, %get3A_147 : vector<16xf32>
        %mul3A_149 = arith.constant 16 : i32
        %mul3A_150 = arith.muli %scan3A_47, %mul3A_149 : i32
        %get3A_151 = arith.constant 13 : i32
        %get3A_152 = arith.index_cast %get3A_151 : i32 to index
        %get3A_153 = arith.index_cast %mul3A_150 : i32 to index
        %get3A_154 = tpu.vector_load %arg10[%get3A_152, %get3A_153] {strides = array<i32>} : memref<16x128xf32, #tpu.memory_space<vmem>>, vector<1x16xf32>,
        %get3A_155 = vector.shape_cast %get3A_154 : vector<1x16xf32> to vector<16xf32>
        %min3A_156 = arith.minimumf %min3A_148, %get3A_155 : vector<16xf32>
        %mul3A_157 = arith.constant 16 : i32
        %mul3A_158 = arith.muli %scan3A_47, %mul3A_157 : i32
        %get3A_159 = arith.constant 14 : i32
        %get3A_160 = arith.index_cast %get3A_159 : i32 to index
        %get3A_161 = arith.index_cast %mul3A_158 : i32 to index
        %get3A_162 = tpu.vector_load %arg10[%get3A_160, %get3A_161] {strides = array<i32>} : memref<16x128xf32, #tpu.memory_space<vmem>>, vector<1x16xf32>,
        %get3A_163 = vector.shape_cast %get3A_162 : vector<1x16xf32> to vector<16xf32>
        %min3A_164 = arith.minimumf %min3A_156, %get3A_163 : vector<16xf32>
        %mul3A_165 = arith.constant 16 : i32
        %mul3A_166 = arith.muli %scan3A_47, %mul3A_165 : i32
        %get3A_167 = arith.constant 15 : i32
        %get3A_168 = arith.index_cast %get3A_167 : i32 to index
        %get3A_169 = arith.index_cast %mul3A_166 : i32 to index
        %get3A_170 = tpu.vector_load %arg10[%get3A_168, %get3A_169] {strides = array<i32>} : memref<16x128xf32, #tpu.memory_space<vmem>>, vector<1x16xf32>,
        %get3A_171 = vector.shape_cast %get3A_170 : vector<1x16xf32> to vector<16xf32>
        %min3A_172 = arith.minimumf %min3A_164, %get3A_171 : vector<16xf32>
        %mul3A_173 = arith.constant 16 : i32
        %mul3A_174 = arith.muli %scan3A_47, %mul3A_173 : i32
        %swap3A = arith.index_cast %mul3A_174 : i32 to index
        %swap3A_175 = tpu.vector_load %arg11[%swap3A] {strides = array<i32>} : memref<128xf32, #tpu.memory_space<vmem>>, vector<16xf32>,
        %swap3A_176 = vector.shape_cast %swap3A_175 : vector<16xf32> to vector<16xf32>
        %swap3A_177 = vector.shape_cast %min3A_172 : vector<16xf32> to vector<16xf32>
        tpu.vector_store %arg11[%swap3A], %swap3A_177 {strides = array<i32>} : memref<128xf32, #tpu.memory_space<vmem>>, vector<16xf32>,
      }
      %scan3A_44 = arith.constant 8 : i32
      %mul3A_45 = arith.constant 128 : i32
      %mul3A_46 = arith.muli %arg1, %mul3A_45 : i32
      "tpu.region"() ({
        %run_scoped3A = tpu.sem_alloc : memref<!tpu.dma_semaphore, #tpu.memory_space<semaphore_mem>>
        %dma_start3A = tpu.memref_slice %arg5[%add3A_18, %mul3A_46] : memref<4x1280xf32, #tpu.memory_space<hbm>> -> memref<1x128xf32, #tpu.memory_space<hbm>>
        %dma_start3A_47 = tpu.memref_squeeze %dma_start3A : memref<1x128xf32, #tpu.memory_space<hbm>> -> memref<128xf32, #tpu.memory_space<hbm>>
        %dma_start3A_48 = tpu.memref_slice %arg5[%add3A_18, %mul3A_46] : memref<4x1280xf32, #tpu.memory_space<hbm>> -> memref<1x128xf32, #tpu.memory_space<hbm>>
        %dma_start3A_49 = tpu.memref_squeeze %dma_start3A_48 : memref<1x128xf32, #tpu.memory_space<hbm>> -> memref<128xf32, #tpu.memory_space<hbm>>
        tpu.enqueue_dma source(%arg11 : memref<128xf32, #tpu.memory_space<vmem>>) target(%dma_start3A_49 : memref<128xf32, #tpu.memory_space<hbm>>) target_semaphore(%run_scoped3A : memref<!tpu.dma_semaphore, #tpu.memory_space<semaphore_mem>>)
        %dma_wait3A = tpu.memref_slice %arg5[%add3A_18, %mul3A_46] : memref<4x1280xf32, #tpu.memory_space<hbm>> -> memref<1x128xf32, #tpu.memory_space<hbm>>
        %dma_wait3A_50 = tpu.memref_squeeze %dma_wait3A : memref<1x128xf32, #tpu.memory_space<hbm>> -> memref<128xf32, #tpu.memory_space<hbm>>
        %dma_wait3A_51 = tpu.memref_slice %arg5[%add3A_18, %mul3A_46] : memref<4x1280xf32, #tpu.memory_space<hbm>> -> memref<1x128xf32, #tpu.memory_space<hbm>>
        %dma_wait3A_52 = tpu.memref_squeeze %dma_wait3A_51 : memref<1x128xf32, #tpu.memory_space<hbm>> -> memref<128xf32, #tpu.memory_space<hbm>>
        tpu.wait_dma2 semaphore(%run_scoped3A : memref<!tpu.dma_semaphore, #tpu.memory_space<semaphore_mem>>) src(%arg11 : memref<128xf32, #tpu.memory_space<vmem>>) dst(%dma_wait3A_52 : memref<128xf32, #tpu.memory_space<hbm>>)
        tpu.yield
      }) : () -> ()
    } else {
    }
    %barrier3A_36 = arith.constant 0 : index
    tpu.barrier barrier_id(%barrier3A_36)
    return
  }
}

module attributes {stable_mosaic.version = 14 : i64} {
  func.func @_nnd_tc_body(%arg0: i32, %arg1: i32, %arg2: memref<1x128x3xf32, #tpu.memory_space<vmem>>, %arg3: memref<1x3x2816xf32, #tpu.memory_space<vmem>>, %arg4: memref<1x1x4096xf32, #tpu.memory_space<vmem>>, %arg5: memref<1x1x2816xf32, #tpu.memory_space<vmem>>) attributes {dimension_semantics = [#tpu.dimension_semantics<arbitrary>, #tpu.dimension_semantics<arbitrary>], iteration_bounds = array<i64: 4, 32>, scalar_prefetch = 0 : i64, scratch_operands = 0 : i64, tpu.core_type = #tpu.core_type<tc>, window_params = [{transform_indices = @transform_0, window_bounds = array<i64: 1, 128, 3>}, {transform_indices = @transform_1, window_bounds = array<i64: 1, 3, 2816>}, {transform_indices = @transform_2, window_bounds = array<i64: 1, 1, 4096>}, {transform_indices = @transform_3, window_bounds = array<i64: 1, 1, 2816>}]} {
    %get3A = arith.constant 0 : index
    %get3A_0 = arith.constant 0 : index
    %get3A_1 = arith.constant 0 : index
    %get3A_2 = vector.load %arg2[%get3A, %get3A_0, %get3A_1] : memref<1x128x3xf32, #tpu.memory_space<vmem>>, vector<1x128x3xf32>
    %get3A_3 = vector.shape_cast %get3A_2 : vector<1x128x3xf32> to vector<128x3xf32>
    %get3A_4 = arith.constant 0 : index
    %get3A_5 = arith.constant 0 : index
    %get3A_6 = arith.constant 0 : index
    %get3A_7 = vector.load %arg3[%get3A_4, %get3A_5, %get3A_6] : memref<1x3x2816xf32, #tpu.memory_space<vmem>>, vector<1x3x2816xf32>
    %get3A_8 = vector.shape_cast %get3A_7 : vector<1x3x2816xf32> to vector<3x2816xf32>
    %slice3A = vector.extract_strided_slice %get3A_3 {offsets = [0, 0], sizes = [128, 1], strides = [1, 1]} : vector<128x3xf32> to vector<128x1xf32>
    %slice3A_9 = vector.extract_strided_slice %get3A_3 {offsets = [0, 1], sizes = [128, 1], strides = [1, 1]} : vector<128x3xf32> to vector<128x1xf32>
    %slice3A_10 = vector.extract_strided_slice %get3A_3 {offsets = [0, 2], sizes = [128, 1], strides = [1, 1]} : vector<128x3xf32> to vector<128x1xf32>
    %slice3A_11 = vector.extract_strided_slice %get3A_8 {offsets = [0, 0], sizes = [3, 256], strides = [1, 1]} : vector<3x2816xf32> to vector<3x256xf32>
    %slice3A_12 = vector.extract_strided_slice %slice3A_11 {offsets = [0, 0], sizes = [1, 256], strides = [1, 1]} : vector<3x256xf32> to vector<1x256xf32>
    %sub3A = vector.broadcast %slice3A : vector<128x1xf32> to vector<128x256xf32>
    %sub3A_13 = vector.broadcast %slice3A_12 : vector<1x256xf32> to vector<128x256xf32>
    %sub3A_14 = arith.subf %sub3A, %sub3A_13 : vector<128x256xf32>
    %mul3A = arith.mulf %sub3A_14, %sub3A_14 : vector<128x256xf32>
    %slice3A_15 = vector.extract_strided_slice %slice3A_11 {offsets = [1, 0], sizes = [1, 256], strides = [1, 1]} : vector<3x256xf32> to vector<1x256xf32>
    %sub3A_16 = vector.broadcast %slice3A_9 : vector<128x1xf32> to vector<128x256xf32>
    %sub3A_17 = vector.broadcast %slice3A_15 : vector<1x256xf32> to vector<128x256xf32>
    %sub3A_18 = arith.subf %sub3A_16, %sub3A_17 : vector<128x256xf32>
    %mul3A_19 = arith.mulf %sub3A_18, %sub3A_18 : vector<128x256xf32>
    %add3A = arith.addf %mul3A, %mul3A_19 : vector<128x256xf32>
    %slice3A_20 = vector.extract_strided_slice %slice3A_11 {offsets = [2, 0], sizes = [1, 256], strides = [1, 1]} : vector<3x256xf32> to vector<1x256xf32>
    %sub3A_21 = vector.broadcast %slice3A_10 : vector<128x1xf32> to vector<128x256xf32>
    %sub3A_22 = vector.broadcast %slice3A_20 : vector<1x256xf32> to vector<128x256xf32>
    %sub3A_23 = arith.subf %sub3A_21, %sub3A_22 : vector<128x256xf32>
    %mul3A_24 = arith.mulf %sub3A_23, %sub3A_23 : vector<128x256xf32>
    %add3A_25 = arith.addf %add3A, %mul3A_24 : vector<128x256xf32>
    %reduce_min3A = arith.constant dense<0x7F800000> : vector<128xf32>
    %reduce_min3A_26 = vector.multi_reduction <minimumf>, %add3A_25, %reduce_min3A [1] : vector<128x256xf32> to vector<128xf32>
    %reduce_min3A_27 = arith.constant dense<0x7F800000> : vector<256xf32>
    %reduce_min3A_28 = vector.multi_reduction <minimumf>, %add3A_25, %reduce_min3A_27 [0] : vector<128x256xf32> to vector<256xf32>
    %eq3A = arith.constant 0 : i32
    %eq3A_29 = arith.cmpi eq, %arg1, %eq3A : i32
    %broadcast_in_dim3A = arith.constant 0x7F800000 : f32
    %broadcast_in_dim3A_30 = vector.broadcast %broadcast_in_dim3A : f32 to vector<256xf32>
    %get3A_31 = arith.constant 0 : index
    %get3A_32 = arith.constant 0 : index
    %get3A_33 = arith.constant 0 : index
    %get3A_34 = vector.load %arg5[%get3A_31, %get3A_32, %get3A_33] : memref<1x1x2816xf32, #tpu.memory_space<vmem>>, vector<1x1x256xf32>
    %get3A_35 = vector.shape_cast %get3A_34 : vector<1x1x256xf32> to vector<256xf32>
    %select_n3A = arith.select %eq3A_29, %broadcast_in_dim3A_30, %get3A_35 : vector<256xf32>
    %min3A = arith.minimumf %select_n3A, %reduce_min3A_28 : vector<256xf32>
    %swap3A = arith.constant 0 : index
    %swap3A_36 = arith.constant 0 : index
    %swap3A_37 = arith.constant 0 : index
    %swap3A_38 = vector.load %arg5[%swap3A, %swap3A_36, %swap3A_37] : memref<1x1x2816xf32, #tpu.memory_space<vmem>>, vector<1x1x256xf32>
    %swap3A_39 = vector.shape_cast %swap3A_38 : vector<1x1x256xf32> to vector<256xf32>
    %swap3A_40 = vector.shape_cast %min3A : vector<256xf32> to vector<1x1x256xf32>
    tpu.vector_store %arg5[%swap3A, %swap3A_36, %swap3A_37], %swap3A_40 {strides = array<i32>} : memref<1x1x2816xf32, #tpu.memory_space<vmem>>, vector<1x1x256xf32>,
    %slice3A_41 = vector.extract_strided_slice %get3A_8 {offsets = [0, 256], sizes = [3, 256], strides = [1, 1]} : vector<3x2816xf32> to vector<3x256xf32>
    %slice3A_42 = vector.extract_strided_slice %slice3A_41 {offsets = [0, 0], sizes = [1, 256], strides = [1, 1]} : vector<3x256xf32> to vector<1x256xf32>
    %sub3A_43 = vector.broadcast %slice3A : vector<128x1xf32> to vector<128x256xf32>
    %sub3A_44 = vector.broadcast %slice3A_42 : vector<1x256xf32> to vector<128x256xf32>
    %sub3A_45 = arith.subf %sub3A_43, %sub3A_44 : vector<128x256xf32>
    %mul3A_46 = arith.mulf %sub3A_45, %sub3A_45 : vector<128x256xf32>
    %slice3A_47 = vector.extract_strided_slice %slice3A_41 {offsets = [1, 0], sizes = [1, 256], strides = [1, 1]} : vector<3x256xf32> to vector<1x256xf32>
    %sub3A_48 = vector.broadcast %slice3A_9 : vector<128x1xf32> to vector<128x256xf32>
    %sub3A_49 = vector.broadcast %slice3A_47 : vector<1x256xf32> to vector<128x256xf32>
    %sub3A_50 = arith.subf %sub3A_48, %sub3A_49 : vector<128x256xf32>
    %mul3A_51 = arith.mulf %sub3A_50, %sub3A_50 : vector<128x256xf32>
    %add3A_52 = arith.addf %mul3A_46, %mul3A_51 : vector<128x256xf32>
    %slice3A_53 = vector.extract_strided_slice %slice3A_41 {offsets = [2, 0], sizes = [1, 256], strides = [1, 1]} : vector<3x256xf32> to vector<1x256xf32>
    %sub3A_54 = vector.broadcast %slice3A_10 : vector<128x1xf32> to vector<128x256xf32>
    %sub3A_55 = vector.broadcast %slice3A_53 : vector<1x256xf32> to vector<128x256xf32>
    %sub3A_56 = arith.subf %sub3A_54, %sub3A_55 : vector<128x256xf32>
    %mul3A_57 = arith.mulf %sub3A_56, %sub3A_56 : vector<128x256xf32>
    %add3A_58 = arith.addf %add3A_52, %mul3A_57 : vector<128x256xf32>
    %reduce_min3A_59 = arith.constant dense<0x7F800000> : vector<128xf32>
    %reduce_min3A_60 = vector.multi_reduction <minimumf>, %add3A_58, %reduce_min3A_59 [1] : vector<128x256xf32> to vector<128xf32>
    %min3A_61 = arith.minimumf %reduce_min3A_26, %reduce_min3A_60 : vector<128xf32>
    %reduce_min3A_62 = arith.constant dense<0x7F800000> : vector<256xf32>
    %reduce_min3A_63 = vector.multi_reduction <minimumf>, %add3A_58, %reduce_min3A_62 [0] : vector<128x256xf32> to vector<256xf32>
    %eq3A_64 = arith.constant 0 : i32
    %eq3A_65 = arith.cmpi eq, %arg1, %eq3A_64 : i32
    %broadcast_in_dim3A_66 = arith.constant 0x7F800000 : f32
    %broadcast_in_dim3A_67 = vector.broadcast %broadcast_in_dim3A_66 : f32 to vector<256xf32>
    %get3A_68 = arith.constant 0 : index
    %get3A_69 = arith.constant 0 : index
    %get3A_70 = arith.constant 256 : index
    %get3A_71 = vector.load %arg5[%get3A_68, %get3A_69, %get3A_70] : memref<1x1x2816xf32, #tpu.memory_space<vmem>>, vector<1x1x256xf32>
    %get3A_72 = vector.shape_cast %get3A_71 : vector<1x1x256xf32> to vector<256xf32>
    %select_n3A_73 = arith.select %eq3A_65, %broadcast_in_dim3A_67, %get3A_72 : vector<256xf32>
    %min3A_74 = arith.minimumf %select_n3A_73, %reduce_min3A_63 : vector<256xf32>
    %swap3A_75 = arith.constant 0 : index
    %swap3A_76 = arith.constant 0 : index
    %swap3A_77 = arith.constant 256 : index
    %swap3A_78 = vector.load %arg5[%swap3A_75, %swap3A_76, %swap3A_77] : memref<1x1x2816xf32, #tpu.memory_space<vmem>>, vector<1x1x256xf32>
    %swap3A_79 = vector.shape_cast %swap3A_78 : vector<1x1x256xf32> to vector<256xf32>
    %swap3A_80 = vector.shape_cast %min3A_74 : vector<256xf32> to vector<1x1x256xf32>
    tpu.vector_store %arg5[%swap3A_75, %swap3A_76, %swap3A_77], %swap3A_80 {strides = array<i32>} : memref<1x1x2816xf32, #tpu.memory_space<vmem>>, vector<1x1x256xf32>,
    %slice3A_81 = vector.extract_strided_slice %get3A_8 {offsets = [0, 512], sizes = [3, 256], strides = [1, 1]} : vector<3x2816xf32> to vector<3x256xf32>
    %slice3A_82 = vector.extract_strided_slice %slice3A_81 {offsets = [0, 0], sizes = [1, 256], strides = [1, 1]} : vector<3x256xf32> to vector<1x256xf32>
    %sub3A_83 = vector.broadcast %slice3A : vector<128x1xf32> to vector<128x256xf32>
    %sub3A_84 = vector.broadcast %slice3A_82 : vector<1x256xf32> to vector<128x256xf32>
    %sub3A_85 = arith.subf %sub3A_83, %sub3A_84 : vector<128x256xf32>
    %mul3A_86 = arith.mulf %sub3A_85, %sub3A_85 : vector<128x256xf32>
    %slice3A_87 = vector.extract_strided_slice %slice3A_81 {offsets = [1, 0], sizes = [1, 256], strides = [1, 1]} : vector<3x256xf32> to vector<1x256xf32>
    %sub3A_88 = vector.broadcast %slice3A_9 : vector<128x1xf32> to vector<128x256xf32>
    %sub3A_89 = vector.broadcast %slice3A_87 : vector<1x256xf32> to vector<128x256xf32>
    %sub3A_90 = arith.subf %sub3A_88, %sub3A_89 : vector<128x256xf32>
    %mul3A_91 = arith.mulf %sub3A_90, %sub3A_90 : vector<128x256xf32>
    %add3A_92 = arith.addf %mul3A_86, %mul3A_91 : vector<128x256xf32>
    %slice3A_93 = vector.extract_strided_slice %slice3A_81 {offsets = [2, 0], sizes = [1, 256], strides = [1, 1]} : vector<3x256xf32> to vector<1x256xf32>
    %sub3A_94 = vector.broadcast %slice3A_10 : vector<128x1xf32> to vector<128x256xf32>
    %sub3A_95 = vector.broadcast %slice3A_93 : vector<1x256xf32> to vector<128x256xf32>
    %sub3A_96 = arith.subf %sub3A_94, %sub3A_95 : vector<128x256xf32>
    %mul3A_97 = arith.mulf %sub3A_96, %sub3A_96 : vector<128x256xf32>
    %add3A_98 = arith.addf %add3A_92, %mul3A_97 : vector<128x256xf32>
    %reduce_min3A_99 = arith.constant dense<0x7F800000> : vector<128xf32>
    %reduce_min3A_100 = vector.multi_reduction <minimumf>, %add3A_98, %reduce_min3A_99 [1] : vector<128x256xf32> to vector<128xf32>
    %min3A_101 = arith.minimumf %min3A_61, %reduce_min3A_100 : vector<128xf32>
    %reduce_min3A_102 = arith.constant dense<0x7F800000> : vector<256xf32>
    %reduce_min3A_103 = vector.multi_reduction <minimumf>, %add3A_98, %reduce_min3A_102 [0] : vector<128x256xf32> to vector<256xf32>
    %eq3A_104 = arith.constant 0 : i32
    %eq3A_105 = arith.cmpi eq, %arg1, %eq3A_104 : i32
    %broadcast_in_dim3A_106 = arith.constant 0x7F800000 : f32
    %broadcast_in_dim3A_107 = vector.broadcast %broadcast_in_dim3A_106 : f32 to vector<256xf32>
    %get3A_108 = arith.constant 0 : index
    %get3A_109 = arith.constant 0 : index
    %get3A_110 = arith.constant 512 : index
    %get3A_111 = vector.load %arg5[%get3A_108, %get3A_109, %get3A_110] : memref<1x1x2816xf32, #tpu.memory_space<vmem>>, vector<1x1x256xf32>
    %get3A_112 = vector.shape_cast %get3A_111 : vector<1x1x256xf32> to vector<256xf32>
    %select_n3A_113 = arith.select %eq3A_105, %broadcast_in_dim3A_107, %get3A_112 : vector<256xf32>
    %min3A_114 = arith.minimumf %select_n3A_113, %reduce_min3A_103 : vector<256xf32>
    %swap3A_115 = arith.constant 0 : index
    %swap3A_116 = arith.constant 0 : index
    %swap3A_117 = arith.constant 512 : index
    %swap3A_118 = vector.load %arg5[%swap3A_115, %swap3A_116, %swap3A_117] : memref<1x1x2816xf32, #tpu.memory_space<vmem>>, vector<1x1x256xf32>
    %swap3A_119 = vector.shape_cast %swap3A_118 : vector<1x1x256xf32> to vector<256xf32>
    %swap3A_120 = vector.shape_cast %min3A_114 : vector<256xf32> to vector<1x1x256xf32>
    tpu.vector_store %arg5[%swap3A_115, %swap3A_116, %swap3A_117], %swap3A_120 {strides = array<i32>} : memref<1x1x2816xf32, #tpu.memory_space<vmem>>, vector<1x1x256xf32>,
    %slice3A_121 = vector.extract_strided_slice %get3A_8 {offsets = [0, 768], sizes = [3, 256], strides = [1, 1]} : vector<3x2816xf32> to vector<3x256xf32>
    %slice3A_122 = vector.extract_strided_slice %slice3A_121 {offsets = [0, 0], sizes = [1, 256], strides = [1, 1]} : vector<3x256xf32> to vector<1x256xf32>
    %sub3A_123 = vector.broadcast %slice3A : vector<128x1xf32> to vector<128x256xf32>
    %sub3A_124 = vector.broadcast %slice3A_122 : vector<1x256xf32> to vector<128x256xf32>
    %sub3A_125 = arith.subf %sub3A_123, %sub3A_124 : vector<128x256xf32>
    %mul3A_126 = arith.mulf %sub3A_125, %sub3A_125 : vector<128x256xf32>
    %slice3A_127 = vector.extract_strided_slice %slice3A_121 {offsets = [1, 0], sizes = [1, 256], strides = [1, 1]} : vector<3x256xf32> to vector<1x256xf32>
    %sub3A_128 = vector.broadcast %slice3A_9 : vector<128x1xf32> to vector<128x256xf32>
    %sub3A_129 = vector.broadcast %slice3A_127 : vector<1x256xf32> to vector<128x256xf32>
    %sub3A_130 = arith.subf %sub3A_128, %sub3A_129 : vector<128x256xf32>
    %mul3A_131 = arith.mulf %sub3A_130, %sub3A_130 : vector<128x256xf32>
    %add3A_132 = arith.addf %mul3A_126, %mul3A_131 : vector<128x256xf32>
    %slice3A_133 = vector.extract_strided_slice %slice3A_121 {offsets = [2, 0], sizes = [1, 256], strides = [1, 1]} : vector<3x256xf32> to vector<1x256xf32>
    %sub3A_134 = vector.broadcast %slice3A_10 : vector<128x1xf32> to vector<128x256xf32>
    %sub3A_135 = vector.broadcast %slice3A_133 : vector<1x256xf32> to vector<128x256xf32>
    %sub3A_136 = arith.subf %sub3A_134, %sub3A_135 : vector<128x256xf32>
    %mul3A_137 = arith.mulf %sub3A_136, %sub3A_136 : vector<128x256xf32>
    %add3A_138 = arith.addf %add3A_132, %mul3A_137 : vector<128x256xf32>
    %reduce_min3A_139 = arith.constant dense<0x7F800000> : vector<128xf32>
    %reduce_min3A_140 = vector.multi_reduction <minimumf>, %add3A_138, %reduce_min3A_139 [1] : vector<128x256xf32> to vector<128xf32>
    %min3A_141 = arith.minimumf %min3A_101, %reduce_min3A_140 : vector<128xf32>
    %reduce_min3A_142 = arith.constant dense<0x7F800000> : vector<256xf32>
    %reduce_min3A_143 = vector.multi_reduction <minimumf>, %add3A_138, %reduce_min3A_142 [0] : vector<128x256xf32> to vector<256xf32>
    %eq3A_144 = arith.constant 0 : i32
    %eq3A_145 = arith.cmpi eq, %arg1, %eq3A_144 : i32
    %broadcast_in_dim3A_146 = arith.constant 0x7F800000 : f32
    %broadcast_in_dim3A_147 = vector.broadcast %broadcast_in_dim3A_146 : f32 to vector<256xf32>
    %get3A_148 = arith.constant 0 : index
    %get3A_149 = arith.constant 0 : index
    %get3A_150 = arith.constant 768 : index
    %get3A_151 = vector.load %arg5[%get3A_148, %get3A_149, %get3A_150] : memref<1x1x2816xf32, #tpu.memory_space<vmem>>, vector<1x1x256xf32>
    %get3A_152 = vector.shape_cast %get3A_151 : vector<1x1x256xf32> to vector<256xf32>
    %select_n3A_153 = arith.select %eq3A_145, %broadcast_in_dim3A_147, %get3A_152 : vector<256xf32>
    %min3A_154 = arith.minimumf %select_n3A_153, %reduce_min3A_143 : vector<256xf32>
    %swap3A_155 = arith.constant 0 : index
    %swap3A_156 = arith.constant 0 : index
    %swap3A_157 = arith.constant 768 : index
    %swap3A_158 = vector.load %arg5[%swap3A_155, %swap3A_156, %swap3A_157] : memref<1x1x2816xf32, #tpu.memory_space<vmem>>, vector<1x1x256xf32>
    %swap3A_159 = vector.shape_cast %swap3A_158 : vector<1x1x256xf32> to vector<256xf32>
    %swap3A_160 = vector.shape_cast %min3A_154 : vector<256xf32> to vector<1x1x256xf32>
    tpu.vector_store %arg5[%swap3A_155, %swap3A_156, %swap3A_157], %swap3A_160 {strides = array<i32>} : memref<1x1x2816xf32, #tpu.memory_space<vmem>>, vector<1x1x256xf32>,
    %slice3A_161 = vector.extract_strided_slice %get3A_8 {offsets = [0, 1024], sizes = [3, 256], strides = [1, 1]} : vector<3x2816xf32> to vector<3x256xf32>
    %slice3A_162 = vector.extract_strided_slice %slice3A_161 {offsets = [0, 0], sizes = [1, 256], strides = [1, 1]} : vector<3x256xf32> to vector<1x256xf32>
    %sub3A_163 = vector.broadcast %slice3A : vector<128x1xf32> to vector<128x256xf32>
    %sub3A_164 = vector.broadcast %slice3A_162 : vector<1x256xf32> to vector<128x256xf32>
    %sub3A_165 = arith.subf %sub3A_163, %sub3A_164 : vector<128x256xf32>
    %mul3A_166 = arith.mulf %sub3A_165, %sub3A_165 : vector<128x256xf32>
    %slice3A_167 = vector.extract_strided_slice %slice3A_161 {offsets = [1, 0], sizes = [1, 256], strides = [1, 1]} : vector<3x256xf32> to vector<1x256xf32>
    %sub3A_168 = vector.broadcast %slice3A_9 : vector<128x1xf32> to vector<128x256xf32>
    %sub3A_169 = vector.broadcast %slice3A_167 : vector<1x256xf32> to vector<128x256xf32>
    %sub3A_170 = arith.subf %sub3A_168, %sub3A_169 : vector<128x256xf32>
    %mul3A_171 = arith.mulf %sub3A_170, %sub3A_170 : vector<128x256xf32>
    %add3A_172 = arith.addf %mul3A_166, %mul3A_171 : vector<128x256xf32>
    %slice3A_173 = vector.extract_strided_slice %slice3A_161 {offsets = [2, 0], sizes = [1, 256], strides = [1, 1]} : vector<3x256xf32> to vector<1x256xf32>
    %sub3A_174 = vector.broadcast %slice3A_10 : vector<128x1xf32> to vector<128x256xf32>
    %sub3A_175 = vector.broadcast %slice3A_173 : vector<1x256xf32> to vector<128x256xf32>
    %sub3A_176 = arith.subf %sub3A_174, %sub3A_175 : vector<128x256xf32>
    %mul3A_177 = arith.mulf %sub3A_176, %sub3A_176 : vector<128x256xf32>
    %add3A_178 = arith.addf %add3A_172, %mul3A_177 : vector<128x256xf32>
    %reduce_min3A_179 = arith.constant dense<0x7F800000> : vector<128xf32>
    %reduce_min3A_180 = vector.multi_reduction <minimumf>, %add3A_178, %reduce_min3A_179 [1] : vector<128x256xf32> to vector<128xf32>
    %min3A_181 = arith.minimumf %min3A_141, %reduce_min3A_180 : vector<128xf32>
    %reduce_min3A_182 = arith.constant dense<0x7F800000> : vector<256xf32>
    %reduce_min3A_183 = vector.multi_reduction <minimumf>, %add3A_178, %reduce_min3A_182 [0] : vector<128x256xf32> to vector<256xf32>
    %eq3A_184 = arith.constant 0 : i32
    %eq3A_185 = arith.cmpi eq, %arg1, %eq3A_184 : i32
    %broadcast_in_dim3A_186 = arith.constant 0x7F800000 : f32
    %broadcast_in_dim3A_187 = vector.broadcast %broadcast_in_dim3A_186 : f32 to vector<256xf32>
    %get3A_188 = arith.constant 0 : index
    %get3A_189 = arith.constant 0 : index
    %get3A_190 = arith.constant 1024 : index
    %get3A_191 = vector.load %arg5[%get3A_188, %get3A_189, %get3A_190] : memref<1x1x2816xf32, #tpu.memory_space<vmem>>, vector<1x1x256xf32>
    %get3A_192 = vector.shape_cast %get3A_191 : vector<1x1x256xf32> to vector<256xf32>
    %select_n3A_193 = arith.select %eq3A_185, %broadcast_in_dim3A_187, %get3A_192 : vector<256xf32>
    %min3A_194 = arith.minimumf %select_n3A_193, %reduce_min3A_183 : vector<256xf32>
    %swap3A_195 = arith.constant 0 : index
    %swap3A_196 = arith.constant 0 : index
    %swap3A_197 = arith.constant 1024 : index
    %swap3A_198 = vector.load %arg5[%swap3A_195, %swap3A_196, %swap3A_197] : memref<1x1x2816xf32, #tpu.memory_space<vmem>>, vector<1x1x256xf32>
    %swap3A_199 = vector.shape_cast %swap3A_198 : vector<1x1x256xf32> to vector<256xf32>
    %swap3A_200 = vector.shape_cast %min3A_194 : vector<256xf32> to vector<1x1x256xf32>
    tpu.vector_store %arg5[%swap3A_195, %swap3A_196, %swap3A_197], %swap3A_200 {strides = array<i32>} : memref<1x1x2816xf32, #tpu.memory_space<vmem>>, vector<1x1x256xf32>,
    %slice3A_201 = vector.extract_strided_slice %get3A_8 {offsets = [0, 1280], sizes = [3, 256], strides = [1, 1]} : vector<3x2816xf32> to vector<3x256xf32>
    %slice3A_202 = vector.extract_strided_slice %slice3A_201 {offsets = [0, 0], sizes = [1, 256], strides = [1, 1]} : vector<3x256xf32> to vector<1x256xf32>
    %sub3A_203 = vector.broadcast %slice3A : vector<128x1xf32> to vector<128x256xf32>
    %sub3A_204 = vector.broadcast %slice3A_202 : vector<1x256xf32> to vector<128x256xf32>
    %sub3A_205 = arith.subf %sub3A_203, %sub3A_204 : vector<128x256xf32>
    %mul3A_206 = arith.mulf %sub3A_205, %sub3A_205 : vector<128x256xf32>
    %slice3A_207 = vector.extract_strided_slice %slice3A_201 {offsets = [1, 0], sizes = [1, 256], strides = [1, 1]} : vector<3x256xf32> to vector<1x256xf32>
    %sub3A_208 = vector.broadcast %slice3A_9 : vector<128x1xf32> to vector<128x256xf32>
    %sub3A_209 = vector.broadcast %slice3A_207 : vector<1x256xf32> to vector<128x256xf32>
    %sub3A_210 = arith.subf %sub3A_208, %sub3A_209 : vector<128x256xf32>
    %mul3A_211 = arith.mulf %sub3A_210, %sub3A_210 : vector<128x256xf32>
    %add3A_212 = arith.addf %mul3A_206, %mul3A_211 : vector<128x256xf32>
    %slice3A_213 = vector.extract_strided_slice %slice3A_201 {offsets = [2, 0], sizes = [1, 256], strides = [1, 1]} : vector<3x256xf32> to vector<1x256xf32>
    %sub3A_214 = vector.broadcast %slice3A_10 : vector<128x1xf32> to vector<128x256xf32>
    %sub3A_215 = vector.broadcast %slice3A_213 : vector<1x256xf32> to vector<128x256xf32>
    %sub3A_216 = arith.subf %sub3A_214, %sub3A_215 : vector<128x256xf32>
    %mul3A_217 = arith.mulf %sub3A_216, %sub3A_216 : vector<128x256xf32>
    %add3A_218 = arith.addf %add3A_212, %mul3A_217 : vector<128x256xf32>
    %reduce_min3A_219 = arith.constant dense<0x7F800000> : vector<128xf32>
    %reduce_min3A_220 = vector.multi_reduction <minimumf>, %add3A_218, %reduce_min3A_219 [1] : vector<128x256xf32> to vector<128xf32>
    %min3A_221 = arith.minimumf %min3A_181, %reduce_min3A_220 : vector<128xf32>
    %reduce_min3A_222 = arith.constant dense<0x7F800000> : vector<256xf32>
    %reduce_min3A_223 = vector.multi_reduction <minimumf>, %add3A_218, %reduce_min3A_222 [0] : vector<128x256xf32> to vector<256xf32>
    %eq3A_224 = arith.constant 0 : i32
    %eq3A_225 = arith.cmpi eq, %arg1, %eq3A_224 : i32
    %broadcast_in_dim3A_226 = arith.constant 0x7F800000 : f32
    %broadcast_in_dim3A_227 = vector.broadcast %broadcast_in_dim3A_226 : f32 to vector<256xf32>
    %get3A_228 = arith.constant 0 : index
    %get3A_229 = arith.constant 0 : index
    %get3A_230 = arith.constant 1280 : index
    %get3A_231 = vector.load %arg5[%get3A_228, %get3A_229, %get3A_230] : memref<1x1x2816xf32, #tpu.memory_space<vmem>>, vector<1x1x256xf32>
    %get3A_232 = vector.shape_cast %get3A_231 : vector<1x1x256xf32> to vector<256xf32>
    %select_n3A_233 = arith.select %eq3A_225, %broadcast_in_dim3A_227, %get3A_232 : vector<256xf32>
    %min3A_234 = arith.minimumf %select_n3A_233, %reduce_min3A_223 : vector<256xf32>
    %swap3A_235 = arith.constant 0 : index
    %swap3A_236 = arith.constant 0 : index
    %swap3A_237 = arith.constant 1280 : index
    %swap3A_238 = vector.load %arg5[%swap3A_235, %swap3A_236, %swap3A_237] : memref<1x1x2816xf32, #tpu.memory_space<vmem>>, vector<1x1x256xf32>
    %swap3A_239 = vector.shape_cast %swap3A_238 : vector<1x1x256xf32> to vector<256xf32>
    %swap3A_240 = vector.shape_cast %min3A_234 : vector<256xf32> to vector<1x1x256xf32>
    tpu.vector_store %arg5[%swap3A_235, %swap3A_236, %swap3A_237], %swap3A_240 {strides = array<i32>} : memref<1x1x2816xf32, #tpu.memory_space<vmem>>, vector<1x1x256xf32>,
    %slice3A_241 = vector.extract_strided_slice %get3A_8 {offsets = [0, 1536], sizes = [3, 256], strides = [1, 1]} : vector<3x2816xf32> to vector<3x256xf32>
    %slice3A_242 = vector.extract_strided_slice %slice3A_241 {offsets = [0, 0], sizes = [1, 256], strides = [1, 1]} : vector<3x256xf32> to vector<1x256xf32>
    %sub3A_243 = vector.broadcast %slice3A : vector<128x1xf32> to vector<128x256xf32>
    %sub3A_244 = vector.broadcast %slice3A_242 : vector<1x256xf32> to vector<128x256xf32>
    %sub3A_245 = arith.subf %sub3A_243, %sub3A_244 : vector<128x256xf32>
    %mul3A_246 = arith.mulf %sub3A_245, %sub3A_245 : vector<128x256xf32>
    %slice3A_247 = vector.extract_strided_slice %slice3A_241 {offsets = [1, 0], sizes = [1, 256], strides = [1, 1]} : vector<3x256xf32> to vector<1x256xf32>
    %sub3A_248 = vector.broadcast %slice3A_9 : vector<128x1xf32> to vector<128x256xf32>
    %sub3A_249 = vector.broadcast %slice3A_247 : vector<1x256xf32> to vector<128x256xf32>
    %sub3A_250 = arith.subf %sub3A_248, %sub3A_249 : vector<128x256xf32>
    %mul3A_251 = arith.mulf %sub3A_250, %sub3A_250 : vector<128x256xf32>
    %add3A_252 = arith.addf %mul3A_246, %mul3A_251 : vector<128x256xf32>
    %slice3A_253 = vector.extract_strided_slice %slice3A_241 {offsets = [2, 0], sizes = [1, 256], strides = [1, 1]} : vector<3x256xf32> to vector<1x256xf32>
    %sub3A_254 = vector.broadcast %slice3A_10 : vector<128x1xf32> to vector<128x256xf32>
    %sub3A_255 = vector.broadcast %slice3A_253 : vector<1x256xf32> to vector<128x256xf32>
    %sub3A_256 = arith.subf %sub3A_254, %sub3A_255 : vector<128x256xf32>
    %mul3A_257 = arith.mulf %sub3A_256, %sub3A_256 : vector<128x256xf32>
    %add3A_258 = arith.addf %add3A_252, %mul3A_257 : vector<128x256xf32>
    %reduce_min3A_259 = arith.constant dense<0x7F800000> : vector<128xf32>
    %reduce_min3A_260 = vector.multi_reduction <minimumf>, %add3A_258, %reduce_min3A_259 [1] : vector<128x256xf32> to vector<128xf32>
    %min3A_261 = arith.minimumf %min3A_221, %reduce_min3A_260 : vector<128xf32>
    %reduce_min3A_262 = arith.constant dense<0x7F800000> : vector<256xf32>
    %reduce_min3A_263 = vector.multi_reduction <minimumf>, %add3A_258, %reduce_min3A_262 [0] : vector<128x256xf32> to vector<256xf32>
    %eq3A_264 = arith.constant 0 : i32
    %eq3A_265 = arith.cmpi eq, %arg1, %eq3A_264 : i32
    %broadcast_in_dim3A_266 = arith.constant 0x7F800000 : f32
    %broadcast_in_dim3A_267 = vector.broadcast %broadcast_in_dim3A_266 : f32 to vector<256xf32>
    %get3A_268 = arith.constant 0 : index
    %get3A_269 = arith.constant 0 : index
    %get3A_270 = arith.constant 1536 : index
    %get3A_271 = vector.load %arg5[%get3A_268, %get3A_269, %get3A_270] : memref<1x1x2816xf32, #tpu.memory_space<vmem>>, vector<1x1x256xf32>
    %get3A_272 = vector.shape_cast %get3A_271 : vector<1x1x256xf32> to vector<256xf32>
    %select_n3A_273 = arith.select %eq3A_265, %broadcast_in_dim3A_267, %get3A_272 : vector<256xf32>
    %min3A_274 = arith.minimumf %select_n3A_273, %reduce_min3A_263 : vector<256xf32>
    %swap3A_275 = arith.constant 0 : index
    %swap3A_276 = arith.constant 0 : index
    %swap3A_277 = arith.constant 1536 : index
    %swap3A_278 = vector.load %arg5[%swap3A_275, %swap3A_276, %swap3A_277] : memref<1x1x2816xf32, #tpu.memory_space<vmem>>, vector<1x1x256xf32>
    %swap3A_279 = vector.shape_cast %swap3A_278 : vector<1x1x256xf32> to vector<256xf32>
    %swap3A_280 = vector.shape_cast %min3A_274 : vector<256xf32> to vector<1x1x256xf32>
    tpu.vector_store %arg5[%swap3A_275, %swap3A_276, %swap3A_277], %swap3A_280 {strides = array<i32>} : memref<1x1x2816xf32, #tpu.memory_space<vmem>>, vector<1x1x256xf32>,
    %slice3A_281 = vector.extract_strided_slice %get3A_8 {offsets = [0, 1792], sizes = [3, 256], strides = [1, 1]} : vector<3x2816xf32> to vector<3x256xf32>
    %slice3A_282 = vector.extract_strided_slice %slice3A_281 {offsets = [0, 0], sizes = [1, 256], strides = [1, 1]} : vector<3x256xf32> to vector<1x256xf32>
    %sub3A_283 = vector.broadcast %slice3A : vector<128x1xf32> to vector<128x256xf32>
    %sub3A_284 = vector.broadcast %slice3A_282 : vector<1x256xf32> to vector<128x256xf32>
    %sub3A_285 = arith.subf %sub3A_283, %sub3A_284 : vector<128x256xf32>
    %mul3A_286 = arith.mulf %sub3A_285, %sub3A_285 : vector<128x256xf32>
    %slice3A_287 = vector.extract_strided_slice %slice3A_281 {offsets = [1, 0], sizes = [1, 256], strides = [1, 1]} : vector<3x256xf32> to vector<1x256xf32>
    %sub3A_288 = vector.broadcast %slice3A_9 : vector<128x1xf32> to vector<128x256xf32>
    %sub3A_289 = vector.broadcast %slice3A_287 : vector<1x256xf32> to vector<128x256xf32>
    %sub3A_290 = arith.subf %sub3A_288, %sub3A_289 : vector<128x256xf32>
    %mul3A_291 = arith.mulf %sub3A_290, %sub3A_290 : vector<128x256xf32>
    %add3A_292 = arith.addf %mul3A_286, %mul3A_291 : vector<128x256xf32>
    %slice3A_293 = vector.extract_strided_slice %slice3A_281 {offsets = [2, 0], sizes = [1, 256], strides = [1, 1]} : vector<3x256xf32> to vector<1x256xf32>
    %sub3A_294 = vector.broadcast %slice3A_10 : vector<128x1xf32> to vector<128x256xf32>
    %sub3A_295 = vector.broadcast %slice3A_293 : vector<1x256xf32> to vector<128x256xf32>
    %sub3A_296 = arith.subf %sub3A_294, %sub3A_295 : vector<128x256xf32>
    %mul3A_297 = arith.mulf %sub3A_296, %sub3A_296 : vector<128x256xf32>
    %add3A_298 = arith.addf %add3A_292, %mul3A_297 : vector<128x256xf32>
    %reduce_min3A_299 = arith.constant dense<0x7F800000> : vector<128xf32>
    %reduce_min3A_300 = vector.multi_reduction <minimumf>, %add3A_298, %reduce_min3A_299 [1] : vector<128x256xf32> to vector<128xf32>
    %min3A_301 = arith.minimumf %min3A_261, %reduce_min3A_300 : vector<128xf32>
    %reduce_min3A_302 = arith.constant dense<0x7F800000> : vector<256xf32>
    %reduce_min3A_303 = vector.multi_reduction <minimumf>, %add3A_298, %reduce_min3A_302 [0] : vector<128x256xf32> to vector<256xf32>
    %eq3A_304 = arith.constant 0 : i32
    %eq3A_305 = arith.cmpi eq, %arg1, %eq3A_304 : i32
    %broadcast_in_dim3A_306 = arith.constant 0x7F800000 : f32
    %broadcast_in_dim3A_307 = vector.broadcast %broadcast_in_dim3A_306 : f32 to vector<256xf32>
    %get3A_308 = arith.constant 0 : index
    %get3A_309 = arith.constant 0 : index
    %get3A_310 = arith.constant 1792 : index
    %get3A_311 = vector.load %arg5[%get3A_308, %get3A_309, %get3A_310] : memref<1x1x2816xf32, #tpu.memory_space<vmem>>, vector<1x1x256xf32>
    %get3A_312 = vector.shape_cast %get3A_311 : vector<1x1x256xf32> to vector<256xf32>
    %select_n3A_313 = arith.select %eq3A_305, %broadcast_in_dim3A_307, %get3A_312 : vector<256xf32>
    %min3A_314 = arith.minimumf %select_n3A_313, %reduce_min3A_303 : vector<256xf32>
    %swap3A_315 = arith.constant 0 : index
    %swap3A_316 = arith.constant 0 : index
    %swap3A_317 = arith.constant 1792 : index
    %swap3A_318 = vector.load %arg5[%swap3A_315, %swap3A_316, %swap3A_317] : memref<1x1x2816xf32, #tpu.memory_space<vmem>>, vector<1x1x256xf32>
    %swap3A_319 = vector.shape_cast %swap3A_318 : vector<1x1x256xf32> to vector<256xf32>
    %swap3A_320 = vector.shape_cast %min3A_314 : vector<256xf32> to vector<1x1x256xf32>
    tpu.vector_store %arg5[%swap3A_315, %swap3A_316, %swap3A_317], %swap3A_320 {strides = array<i32>} : memref<1x1x2816xf32, #tpu.memory_space<vmem>>, vector<1x1x256xf32>,
    %slice3A_321 = vector.extract_strided_slice %get3A_8 {offsets = [0, 2048], sizes = [3, 256], strides = [1, 1]} : vector<3x2816xf32> to vector<3x256xf32>
    %slice3A_322 = vector.extract_strided_slice %slice3A_321 {offsets = [0, 0], sizes = [1, 256], strides = [1, 1]} : vector<3x256xf32> to vector<1x256xf32>
    %sub3A_323 = vector.broadcast %slice3A : vector<128x1xf32> to vector<128x256xf32>
    %sub3A_324 = vector.broadcast %slice3A_322 : vector<1x256xf32> to vector<128x256xf32>
    %sub3A_325 = arith.subf %sub3A_323, %sub3A_324 : vector<128x256xf32>
    %mul3A_326 = arith.mulf %sub3A_325, %sub3A_325 : vector<128x256xf32>
    %slice3A_327 = vector.extract_strided_slice %slice3A_321 {offsets = [1, 0], sizes = [1, 256], strides = [1, 1]} : vector<3x256xf32> to vector<1x256xf32>
    %sub3A_328 = vector.broadcast %slice3A_9 : vector<128x1xf32> to vector<128x256xf32>
    %sub3A_329 = vector.broadcast %slice3A_327 : vector<1x256xf32> to vector<128x256xf32>
    %sub3A_330 = arith.subf %sub3A_328, %sub3A_329 : vector<128x256xf32>
    %mul3A_331 = arith.mulf %sub3A_330, %sub3A_330 : vector<128x256xf32>
    %add3A_332 = arith.addf %mul3A_326, %mul3A_331 : vector<128x256xf32>
    %slice3A_333 = vector.extract_strided_slice %slice3A_321 {offsets = [2, 0], sizes = [1, 256], strides = [1, 1]} : vector<3x256xf32> to vector<1x256xf32>
    %sub3A_334 = vector.broadcast %slice3A_10 : vector<128x1xf32> to vector<128x256xf32>
    %sub3A_335 = vector.broadcast %slice3A_333 : vector<1x256xf32> to vector<128x256xf32>
    %sub3A_336 = arith.subf %sub3A_334, %sub3A_335 : vector<128x256xf32>
    %mul3A_337 = arith.mulf %sub3A_336, %sub3A_336 : vector<128x256xf32>
    %add3A_338 = arith.addf %add3A_332, %mul3A_337 : vector<128x256xf32>
    %reduce_min3A_339 = arith.constant dense<0x7F800000> : vector<128xf32>
    %reduce_min3A_340 = vector.multi_reduction <minimumf>, %add3A_338, %reduce_min3A_339 [1] : vector<128x256xf32> to vector<128xf32>
    %min3A_341 = arith.minimumf %min3A_301, %reduce_min3A_340 : vector<128xf32>
    %reduce_min3A_342 = arith.constant dense<0x7F800000> : vector<256xf32>
    %reduce_min3A_343 = vector.multi_reduction <minimumf>, %add3A_338, %reduce_min3A_342 [0] : vector<128x256xf32> to vector<256xf32>
    %eq3A_344 = arith.constant 0 : i32
    %eq3A_345 = arith.cmpi eq, %arg1, %eq3A_344 : i32
    %broadcast_in_dim3A_346 = arith.constant 0x7F800000 : f32
    %broadcast_in_dim3A_347 = vector.broadcast %broadcast_in_dim3A_346 : f32 to vector<256xf32>
    %get3A_348 = arith.constant 0 : index
    %get3A_349 = arith.constant 0 : index
    %get3A_350 = arith.constant 2048 : index
    %get3A_351 = vector.load %arg5[%get3A_348, %get3A_349, %get3A_350] : memref<1x1x2816xf32, #tpu.memory_space<vmem>>, vector<1x1x256xf32>
    %get3A_352 = vector.shape_cast %get3A_351 : vector<1x1x256xf32> to vector<256xf32>
    %select_n3A_353 = arith.select %eq3A_345, %broadcast_in_dim3A_347, %get3A_352 : vector<256xf32>
    %min3A_354 = arith.minimumf %select_n3A_353, %reduce_min3A_343 : vector<256xf32>
    %swap3A_355 = arith.constant 0 : index
    %swap3A_356 = arith.constant 0 : index
    %swap3A_357 = arith.constant 2048 : index
    %swap3A_358 = vector.load %arg5[%swap3A_355, %swap3A_356, %swap3A_357] : memref<1x1x2816xf32, #tpu.memory_space<vmem>>, vector<1x1x256xf32>
    %swap3A_359 = vector.shape_cast %swap3A_358 : vector<1x1x256xf32> to vector<256xf32>
    %swap3A_360 = vector.shape_cast %min3A_354 : vector<256xf32> to vector<1x1x256xf32>
    tpu.vector_store %arg5[%swap3A_355, %swap3A_356, %swap3A_357], %swap3A_360 {strides = array<i32>} : memref<1x1x2816xf32, #tpu.memory_space<vmem>>, vector<1x1x256xf32>,
    %slice3A_361 = vector.extract_strided_slice %get3A_8 {offsets = [0, 2304], sizes = [3, 256], strides = [1, 1]} : vector<3x2816xf32> to vector<3x256xf32>
    %slice3A_362 = vector.extract_strided_slice %slice3A_361 {offsets = [0, 0], sizes = [1, 256], strides = [1, 1]} : vector<3x256xf32> to vector<1x256xf32>
    %sub3A_363 = vector.broadcast %slice3A : vector<128x1xf32> to vector<128x256xf32>
    %sub3A_364 = vector.broadcast %slice3A_362 : vector<1x256xf32> to vector<128x256xf32>
    %sub3A_365 = arith.subf %sub3A_363, %sub3A_364 : vector<128x256xf32>
    %mul3A_366 = arith.mulf %sub3A_365, %sub3A_365 : vector<128x256xf32>
    %slice3A_367 = vector.extract_strided_slice %slice3A_361 {offsets = [1, 0], sizes = [1, 256], strides = [1, 1]} : vector<3x256xf32> to vector<1x256xf32>
    %sub3A_368 = vector.broadcast %slice3A_9 : vector<128x1xf32> to vector<128x256xf32>
    %sub3A_369 = vector.broadcast %slice3A_367 : vector<1x256xf32> to vector<128x256xf32>
    %sub3A_370 = arith.subf %sub3A_368, %sub3A_369 : vector<128x256xf32>
    %mul3A_371 = arith.mulf %sub3A_370, %sub3A_370 : vector<128x256xf32>
    %add3A_372 = arith.addf %mul3A_366, %mul3A_371 : vector<128x256xf32>
    %slice3A_373 = vector.extract_strided_slice %slice3A_361 {offsets = [2, 0], sizes = [1, 256], strides = [1, 1]} : vector<3x256xf32> to vector<1x256xf32>
    %sub3A_374 = vector.broadcast %slice3A_10 : vector<128x1xf32> to vector<128x256xf32>
    %sub3A_375 = vector.broadcast %slice3A_373 : vector<1x256xf32> to vector<128x256xf32>
    %sub3A_376 = arith.subf %sub3A_374, %sub3A_375 : vector<128x256xf32>
    %mul3A_377 = arith.mulf %sub3A_376, %sub3A_376 : vector<128x256xf32>
    %add3A_378 = arith.addf %add3A_372, %mul3A_377 : vector<128x256xf32>
    %reduce_min3A_379 = arith.constant dense<0x7F800000> : vector<128xf32>
    %reduce_min3A_380 = vector.multi_reduction <minimumf>, %add3A_378, %reduce_min3A_379 [1] : vector<128x256xf32> to vector<128xf32>
    %min3A_381 = arith.minimumf %min3A_341, %reduce_min3A_380 : vector<128xf32>
    %reduce_min3A_382 = arith.constant dense<0x7F800000> : vector<256xf32>
    %reduce_min3A_383 = vector.multi_reduction <minimumf>, %add3A_378, %reduce_min3A_382 [0] : vector<128x256xf32> to vector<256xf32>
    %eq3A_384 = arith.constant 0 : i32
    %eq3A_385 = arith.cmpi eq, %arg1, %eq3A_384 : i32
    %broadcast_in_dim3A_386 = arith.constant 0x7F800000 : f32
    %broadcast_in_dim3A_387 = vector.broadcast %broadcast_in_dim3A_386 : f32 to vector<256xf32>
    %get3A_388 = arith.constant 0 : index
    %get3A_389 = arith.constant 0 : index
    %get3A_390 = arith.constant 2304 : index
    %get3A_391 = vector.load %arg5[%get3A_388, %get3A_389, %get3A_390] : memref<1x1x2816xf32, #tpu.memory_space<vmem>>, vector<1x1x256xf32>
    %get3A_392 = vector.shape_cast %get3A_391 : vector<1x1x256xf32> to vector<256xf32>
    %select_n3A_393 = arith.select %eq3A_385, %broadcast_in_dim3A_387, %get3A_392 : vector<256xf32>
    %min3A_394 = arith.minimumf %select_n3A_393, %reduce_min3A_383 : vector<256xf32>
    %swap3A_395 = arith.constant 0 : index
    %swap3A_396 = arith.constant 0 : index
    %swap3A_397 = arith.constant 2304 : index
    %swap3A_398 = vector.load %arg5[%swap3A_395, %swap3A_396, %swap3A_397] : memref<1x1x2816xf32, #tpu.memory_space<vmem>>, vector<1x1x256xf32>
    %swap3A_399 = vector.shape_cast %swap3A_398 : vector<1x1x256xf32> to vector<256xf32>
    %swap3A_400 = vector.shape_cast %min3A_394 : vector<256xf32> to vector<1x1x256xf32>
    tpu.vector_store %arg5[%swap3A_395, %swap3A_396, %swap3A_397], %swap3A_400 {strides = array<i32>} : memref<1x1x2816xf32, #tpu.memory_space<vmem>>, vector<1x1x256xf32>,
    %slice3A_401 = vector.extract_strided_slice %get3A_8 {offsets = [0, 2560], sizes = [3, 256], strides = [1, 1]} : vector<3x2816xf32> to vector<3x256xf32>
    %slice3A_402 = vector.extract_strided_slice %slice3A_401 {offsets = [0, 0], sizes = [1, 256], strides = [1, 1]} : vector<3x256xf32> to vector<1x256xf32>
    %sub3A_403 = vector.broadcast %slice3A : vector<128x1xf32> to vector<128x256xf32>
    %sub3A_404 = vector.broadcast %slice3A_402 : vector<1x256xf32> to vector<128x256xf32>
    %sub3A_405 = arith.subf %sub3A_403, %sub3A_404 : vector<128x256xf32>
    %mul3A_406 = arith.mulf %sub3A_405, %sub3A_405 : vector<128x256xf32>
    %slice3A_407 = vector.extract_strided_slice %slice3A_401 {offsets = [1, 0], sizes = [1, 256], strides = [1, 1]} : vector<3x256xf32> to vector<1x256xf32>
    %sub3A_408 = vector.broadcast %slice3A_9 : vector<128x1xf32> to vector<128x256xf32>
    %sub3A_409 = vector.broadcast %slice3A_407 : vector<1x256xf32> to vector<128x256xf32>
    %sub3A_410 = arith.subf %sub3A_408, %sub3A_409 : vector<128x256xf32>
    %mul3A_411 = arith.mulf %sub3A_410, %sub3A_410 : vector<128x256xf32>
    %add3A_412 = arith.addf %mul3A_406, %mul3A_411 : vector<128x256xf32>
    %slice3A_413 = vector.extract_strided_slice %slice3A_401 {offsets = [2, 0], sizes = [1, 256], strides = [1, 1]} : vector<3x256xf32> to vector<1x256xf32>
    %sub3A_414 = vector.broadcast %slice3A_10 : vector<128x1xf32> to vector<128x256xf32>
    %sub3A_415 = vector.broadcast %slice3A_413 : vector<1x256xf32> to vector<128x256xf32>
    %sub3A_416 = arith.subf %sub3A_414, %sub3A_415 : vector<128x256xf32>
    %mul3A_417 = arith.mulf %sub3A_416, %sub3A_416 : vector<128x256xf32>
    %add3A_418 = arith.addf %add3A_412, %mul3A_417 : vector<128x256xf32>
    %reduce_min3A_419 = arith.constant dense<0x7F800000> : vector<128xf32>
    %reduce_min3A_420 = vector.multi_reduction <minimumf>, %add3A_418, %reduce_min3A_419 [1] : vector<128x256xf32> to vector<128xf32>
    %min3A_421 = arith.minimumf %min3A_381, %reduce_min3A_420 : vector<128xf32>
    %reduce_min3A_422 = arith.constant dense<0x7F800000> : vector<256xf32>
    %reduce_min3A_423 = vector.multi_reduction <minimumf>, %add3A_418, %reduce_min3A_422 [0] : vector<128x256xf32> to vector<256xf32>
    %eq3A_424 = arith.constant 0 : i32
    %eq3A_425 = arith.cmpi eq, %arg1, %eq3A_424 : i32
    %broadcast_in_dim3A_426 = arith.constant 0x7F800000 : f32
    %broadcast_in_dim3A_427 = vector.broadcast %broadcast_in_dim3A_426 : f32 to vector<256xf32>
    %get3A_428 = arith.constant 0 : index
    %get3A_429 = arith.constant 0 : index
    %get3A_430 = arith.constant 2560 : index
    %get3A_431 = vector.load %arg5[%get3A_428, %get3A_429, %get3A_430] : memref<1x1x2816xf32, #tpu.memory_space<vmem>>, vector<1x1x256xf32>
    %get3A_432 = vector.shape_cast %get3A_431 : vector<1x1x256xf32> to vector<256xf32>
    %select_n3A_433 = arith.select %eq3A_425, %broadcast_in_dim3A_427, %get3A_432 : vector<256xf32>
    %min3A_434 = arith.minimumf %select_n3A_433, %reduce_min3A_423 : vector<256xf32>
    %swap3A_435 = arith.constant 0 : index
    %swap3A_436 = arith.constant 0 : index
    %swap3A_437 = arith.constant 2560 : index
    %swap3A_438 = vector.load %arg5[%swap3A_435, %swap3A_436, %swap3A_437] : memref<1x1x2816xf32, #tpu.memory_space<vmem>>, vector<1x1x256xf32>
    %swap3A_439 = vector.shape_cast %swap3A_438 : vector<1x1x256xf32> to vector<256xf32>
    %swap3A_440 = vector.shape_cast %min3A_434 : vector<256xf32> to vector<1x1x256xf32>
    tpu.vector_store %arg5[%swap3A_435, %swap3A_436, %swap3A_437], %swap3A_440 {strides = array<i32>} : memref<1x1x2816xf32, #tpu.memory_space<vmem>>, vector<1x1x256xf32>,
    %mul3A_441 = arith.constant 128 : i32
    %mul3A_442 = arith.muli %arg1, %mul3A_441 : i32
    %swap3A_443 = arith.constant 0 : index
    %swap3A_444 = arith.constant 0 : index
    %swap3A_445 = arith.index_cast %mul3A_442 : i32 to index
    %swap3A_446 = vector.load %arg4[%swap3A_443, %swap3A_444, %swap3A_445] : memref<1x1x4096xf32, #tpu.memory_space<vmem>>, vector<1x1x128xf32>
    %swap3A_447 = vector.shape_cast %swap3A_446 : vector<1x1x128xf32> to vector<128xf32>
    %swap3A_448 = vector.shape_cast %min3A_421 : vector<128xf32> to vector<1x1x128xf32>
    tpu.vector_store %arg4[%swap3A_443, %swap3A_444, %swap3A_445], %swap3A_448 {strides = array<i32>} : memref<1x1x4096xf32, #tpu.memory_space<vmem>>, vector<1x1x128xf32>,
    return
  }
  func.func @transform_0(%arg0: i32, %arg1: i32) -> (i32, i32, i32) {
    %c0_i32 = arith.constant 0 : i32
    %c0_i32_0 = arith.constant 0 : i32
    return %arg0, %arg1, %c0_i32 : i32, i32, i32
  }
  func.func @transform_1(%arg0: i32, %arg1: i32) -> (i32, i32, i32) {
    %c0_i32 = arith.constant 0 : i32
    %c0_i32_0 = arith.constant 0 : i32
    %c0_i32_1 = arith.constant 0 : i32
    return %arg0, %c0_i32, %c0_i32_0 : i32, i32, i32
  }
  func.func @transform_2(%arg0: i32, %arg1: i32) -> (i32, i32, i32) {
    %c0_i32 = arith.constant 0 : i32
    %c0_i32_0 = arith.constant 0 : i32
    %c0_i32_1 = arith.constant 0 : i32
    return %arg0, %c0_i32, %c0_i32_0 : i32, i32, i32
  }
  func.func @transform_3(%arg0: i32, %arg1: i32) -> (i32, i32, i32) {
    %c0_i32 = arith.constant 0 : i32
    %c0_i32_0 = arith.constant 0 : i32
    %c0_i32_1 = arith.constant 0 : i32
    return %arg0, %c0_i32, %c0_i32_0 : i32, i32, i32
  }
}

</mosaic_0001>

<sc_bundles>
// kernel: kernel.4.cloned.1.call-start
scs
__scs_entry_jumppad:
0x0: {  	(pc) =	sbr.rel $0x88, $3  }
0x1: {  	(tag) =	ssettag $0x0;
	lr =	simm.s32 $0x1  }
0x2: {  	[smem:$0x3F9F] =	sst lr;
	_ =	strace $0xD0000000  }
0x3: {  	_ = 	snop  }
0x4: {  	_ = 	snop  }
0x5: {  	_ = 	snop  }
0x6: {  	_ = 	snop  }
0x7: {  	_ = 	snop  }
__scs_overlays_trampoline_lowered:
0x8: {  	[smem:$0x3FAE] =	sst s0  }
0x9: {  	[smem:$0x3FAF] =	sst s1  }
0xa: {  	[smem:$0x3FB0] =	sst s2  }
0xb: {  	[smem:$0x3FB1] =	sst s3  }
0xc: {  	[smem:$0x3FB2] =	sst s4  }
0xd: {  	[smem:$0x3FB3] =	sst s5  }
0xe: {  	[smem:$0x3FB4] =	sst s6  }
0xf: {  	[smem:$0x3FB5] =	sst s7  }
0x10: {  	[smem:$0x3FB6] =	sst s8  }
0x11: {  	[smem:$0x3FB7] =	sst s9;
	s0 =	simm.s32 @!p0 $0x0  }
0x12: {  	s1 =	sld [smem:$0x3F9D];
	s0 =	simm.s32 @p0 $0x1  }
0x13: {  	[smem:$0x3FB8] =	sst s0;
	s0 =	simm.s32 @!p1 $0x0  }
0x14: {  	s2 =	sld [smem:$0x3F9C];
	s0 =	simm.s32 @p1 $0x1  }
0x15: {  	[smem:$0x3FB9] =	sst s0;
	s0 =	simm.s32 @!p2 $0x0  }
0x16: {  	s3 =	sld [smem:$0x3FDB];
	s0 =	simm.s32 @p2 $0x1  }
0x17: {  	s4 =	simm.s32 $0x1BF5;
	[smem:$0x3FBB] =	sst s0  }
0x18: {  	s0 =	sld [smem:$0x3F9E];
	_ =	swait.ge [sflag:s4], $0x0  }
0x19: {  	s7 =	sld [smem:$0x3F9F]  }
0x1a: {  	s8 =	sadd.s32 $0xFFFFE003, lr  }
0x1b: {  	s9 =	sadd.s32 $0xFFFFFEF7, lr;
	s5 =	simm.s32 $0xFFFFFFFF;
	p2 =	slt.u32 s8, $0xFFFFF086  }
0x1c: {  	p1 =	slt.u32 s9, $0xF7A;
	s5 =	simm.s32 @!p2 $0x0  }
0x1d: {  	s5 =	simm.s32 @p1 $0x1;
	p0 =	seq.s32 s7, s2  }
0x1e: {  	s7 =	smul.u32 @!p0 $0xF7A, s2;
	p2 =	seq.s32 @!p0 s5, $0x0  }
0x1f: {  	s9 =	smul.u32 $0xF7A, s1;
	s8 =	simm.s32 @!p0 $0x1BF5;
	p2 =	por !p2, p0  }
0x20: {  	[sflag:s8] =	ssyncset.s32 @!p0 $0xFFFFF086;
	s6 =	sadd.s32 @!p0 s3, s7;
	s7 =	simm.s32 @!p0 $0x108  }
0x21: {  	s3 =	sadd.s32 s3, s9;
	s6 =	sadd.s32 @!p0 $0x88, s6;
	s7 =	simm.s32 @p2 $0x1082  }
0x22: {  	[simem:s7], [sflag:s8] =	dma.local @!p0 [hbm:s6], $0xF7A  }
0x23: {  	s9 =	sor.u32 $0xD0000000, s2;
	s6 =	simm.s32 $0x108;
	_ =	swait.ge @!p0 [sflag:s8], $0x0  }
0x24: {  	s3 =	sadd.s32 $0x88, s3;
	s6 =	simm.s32 @!p1 $0x1082;
	[sflag:s4] =	ssyncset.s32 $0xFFFFF086  }
0x25: {  	[simem:s6], [sflag:s4] =	dma.local [hbm:s3], $0xF7A  }
0x26: {  	[smem:$0x3F9F] =	sst s1;
	(tag) =	ssettag s2;
	_ =	strace s9  }
0x27: {  	s1 =	sld [smem:$0x3FAF]  }
0x28: {  	s2 =	sld [smem:$0x3FB0]  }
0x29: {  	s4 =	sld [smem:$0x3FB2]  }
0x2a: {  	p0 =	seq.s32 s5, $0x0;
	s5 =	sld [smem:$0x3FB3]  }
0x2b: {  	s6 =	sld [smem:$0x3FB4]  }
0x2c: {  	s7 =	sld [smem:$0x3FB5]  }
0x2d: {  	s3 =	simm.s32 $0x108;
	s8 =	sld [smem:$0x3FB6]  }
0x2e: {  	s3 =	simm.s32 @!p0 $0x1082;
	s9 =	sld [smem:$0x3FB7]  }
0x2f: {  	lr =	sadd.s32 s0, s3;
	s0 =	sld [smem:$0x3FAE]  }
0x30: {  	s3 =	sld [smem:$0x3FB1]  }
0x31: {  	[smem:$0x3FBA] =	sst s10  }
0x32: {  	s10 =	sld [smem:$0x3FB8];
	_ =	sdelay $0x3  }
0x33: {  	p0 =	seq.s32 s10, $0x1;
	s10 =	sld [smem:$0x3FBA];
	_ =	sdelay $0x3  }
0x34: {  	[smem:$0x3FBA] =	sst s10  }
0x35: {  	s10 =	sld [smem:$0x3FB9];
	_ =	sdelay $0x3  }
0x36: {  	p1 =	seq.s32 s10, $0x1;
	s10 =	sld [smem:$0x3FBA];
	_ =	sdelay $0x3  }
0x37: {  	[smem:$0x3FBA] =	sst s10  }
0x38: {  	s10 =	sld [smem:$0x3FBB]  }
0x39: {  	_ = 	snop;
	(pc) =	sbr.ind lr, $3  }
0x3a: {  	_ = 	snop  }
0x3b: {  	_ = 	snop  }
0x3c: {  	p2 =	seq.s32 s10, $0x1;
	s10 =	sld [smem:$0x3FBA]  }
0x3d: {  	_ =	shalt  }
0x3e: {  	_ =	shalt  }
0x3f: {  	_ =	shalt  }
0x40: {  	_ =	shalt  }
0x41: {  	_ =	shalt  }
0x42: {  	_ =	shalt  }
0x43: {  	_ =	shalt  }
0x44: {  	_ =	shalt  }
0x45: {  	_ =	shalt  }
0x46: {  	_ =	shalt  }
0x47: {  	_ =	shalt  }
0x48: {  	_ =	shalt  }
0x49: {  	_ =	shalt  }
0x4a: {  	_ =	shalt  }
0x4b: {  	_ =	shalt  }
0x4c: {  	_ =	shalt  }
0x4d: {  	_ =	shalt  }
0x4e: {  	_ =	shalt  }
0x4f: {  	_ =	shalt  }
0x50: {  	_ =	shalt  }
0x51: {  	_ =	shalt  }
0x52: {  	_ =	shalt  }
0x53: {  	_ =	shalt  }
0x54: {  	_ =	shalt  }
0x55: {  	_ =	shalt  }
0x56: {  	_ =	shalt  }
0x57: {  	_ =	shalt  }
0x58: {  	_ =	shalt  }
0x59: {  	_ =	shalt  }
0x5a: {  	_ =	shalt  }
0x5b: {  	_ =	shalt  }
0x5c: {  	_ =	shalt  }
0x5d: {  	_ =	shalt  }
0x5e: {  	_ =	shalt  }
0x5f: {  	_ =	shalt  }
0x60: {  	_ =	shalt  }
0x61: {  	_ =	shalt  }
0x62: {  	_ =	shalt  }
0x63: {  	_ =	shalt  }
0x64: {  	_ =	shalt  }
0x65: {  	_ =	shalt  }
0x66: {  	_ =	shalt  }
0x67: {  	_ =	shalt  }
0x68: {  	_ =	shalt  }
0x69: {  	_ =	shalt  }
0x6a: {  	_ =	shalt  }
0x6b: {  	_ =	shalt  }
0x6c: {  	_ =	shalt  }
0x6d: {  	_ =	shalt  }
0x6e: {  	_ =	shalt  }
0x6f: {  	_ =	shalt  }
0x70: {  	_ =	shalt  }
0x71: {  	_ =	shalt  }
0x72: {  	_ =	shalt  }
0x73: {  	_ =	shalt  }
0x74: {  	_ =	shalt  }
0x75: {  	_ =	shalt  }
0x76: {  	_ =	shalt  }
0x77: {  	_ =	shalt  }
0x78: {  	_ =	shalt  }
0x79: {  	_ =	shalt  }
0x7a: {  	_ =	shalt  }
0x7b: {  	_ =	shalt  }
0x7c: {  	_ =	shalt  }
0x7d: {  	_ =	shalt  }
0x7e: {  	_ =	shalt  }
0x7f: {  	_ =	shalt  }
0x80: {  	_ =	shalt  }
0x81: {  	_ =	shalt  }
0x82: {  	_ =	shalt  }
0x83: {  	_ =	shalt  }
0x84: {  	_ =	shalt  }
0x85: {  	_ =	shalt  }
0x86: {  	_ =	shalt  }
0x87: {  	_ =	shalt  }
.Lfunc_end0:
.L_simem_size_0:
called_computation_lowered:
.L_overlay_start_0:
0x88: {  	s2 =	sld [smem:$0x3FD9]  }
0x89: {  	s3 =	sld [smem:$0x3FFE];
	_ =	sdelay $0x1  }
0x8a: {  	s1 =	srdreg.scid  }
0x8b: {  	s0 =	sand.u32 $0x1, s1  }
0x8c: {  	s14 =	sshll.u32 s0, $0xA;
	s2 =	sadd.s32 s3, s2  }
0x8d: {  	s2 =	sadd.s32 s2, s14  }
0x8e: {  	[smem:$0x3FC6] =	sst s2  }
0x8f: {  	_ = 	snop  }
0x90: {  	s2 =	sld [smem:$0x3FD0];
	_ =	sdelay $0x2  }
0x91: {  	s15 =	simm.s32 $0xA;
	s4 =	simm.s32 $0x10  }
0x92: {  	[smem:s4], [sflag:s15] =	dma.local [hbm:s2], $0x1  }
0x93: {  	_ =	swait.eq [sflag:s15], $0x1  }
0x94: {  	[sflag:s15] =	ssyncset.done $0x0  }
0x95: {  	[sflag:s15] =	ssyncadd.s32 $0xFFFFFFFF  }
0x96: {  	s16 =	sld [smem:$0x10];
	(tm) =	ssettm $0x1  }
0x97: {  	s17 =	sld [smem:$0x3FFB];
	_ =	sdelay $0x3  }
0x98: {  	_ =	strace s17  }
0x99: {  	s3 =	sld [smem:$0x3FFC];
	_ =	sdelay $0x3  }
0x9a: {  	_ =	strace s3  }
0x9b: {  	s3 =	sld [smem:$0x3FFD];
	_ =	sdelay $0x3  }
0x9c: {  	_ =	strace s3  }
0x9d: {  	_ =	strace $0x8FFFFFFF  }
0x9e: {  	s18 =	sld [smem:$0x3FDB];
	_ =	sdelay $0x1  }
0x9f: {  	s19 =	simm.s32 $_scs_section_size  }
0xa0: {  	s5 =	simm.s32 $_size__tile_overlayer_lowered;
	s6 =	simm.s32 $_tile_overlayer_lowered  }
0xa1: {  	s22 =	simm.s32 $0x1BFF;
	s21 =	sshll.u32 s6, $0x1;
	s3 =	sadd.s32 s19, s18  }
0xa2: {  	s7 =	simm.s32 $0x0;
	s20 =	sshll.u32 s5, $0x1;
	s5 =	sadd.s32 s21, s3  }
0xa3: {  	[timem:s7], [sflag:s22] =	dma.local [hbm:s5], s20  }
0xa4: {  	_ =	swait.ge [sflag:s22], s20  }
0xa5: {  	s4 =	ssub.s32 $0x0, s20;
	[sflag:s22] =	ssyncset.done $0x0  }
0xa6: {  	[sflag:s22] =	ssyncadd.s32 s4;
	_ =	sdelay $0x1  }
0xa7: {  	s23 =	simm.s32 $0x1B8B  }
0xa8: {  	_ =	swait.ge [sflag:s23], $0x1  }
0xa9: {  	[sflag:s23] =	ssyncset.done $0x0  }
0xaa: {  	s25 =	simm.s32 $0x1B8E;
	s24 =	sld [smem:$0x3FFE];
	[sflag:s23] =	ssyncadd.s32 $0xFFFFFFFF  }
0xab: {  	s26 =	simm.s32 $execute0_lowered;
	[smem:$0x3FD2] =	sst s25  }
0xac: {  	s5 =	sshll.u32 s26, $0x1;
	_ =	strace $0x80000046;
	[dreg:$0x1] =	wrdreg $0xFFFFFFFF  }
0xad: {  	s28 =	simm.s32 $_size_execute0_lowered;
	s3 =	sadd.s32 s3, s5;
	[dreg:$0x0] =	wrdreg $0x0  }
0xae: {  	s5 =	sshll.u32 s28, $0x1;
	[dreg:$0x2] =	wrdreg s3  }
0xaf: {  	[dreg:$0x3] =	wrdreg s5  }
0xb0: {  	[dreg:$0x4] =	wrdreg $0xC0  }
0xb1: {  	_ =	task [dreg:s7], $0x5FFFF  }
0xb2: {  	[dreg:$0x1] =	wrdreg $0xFFFFFFFF  }
0xb3: {  	[dreg:$0x0] =	wrdreg $0x60  }
0xb4: {  	[dreg:$0x2] =	wrdreg s24  }
0xb5: {  	[dreg:$0x3] =	wrdreg s16  }
0xb6: {  	[dreg:$0x4] =	wrdreg $0x25800  }
0xb7: {  	[dreg:$0x5] =	wrdreg $0x9  }
0xb8: {  	_ =	task.clear_ibuf [dreg:s7], $0x6FFFF;
	_ =	strace $0x90000046  }
0xb9: {  	s29 =	simm.s32 $0x9;
	_ =	strace $0x80000048  }
0xba: {  	_ =	swait.ge [sflag:s29], $0x1  }
0xbb: {  	[sflag:s29] =	ssyncadd.s32 $0xFFFFFFFF  }
0xbc: {  	_ =	strace $0x90000048  }
0xbd: {  	_ =	sfence  }
0xbe: {  	s30 =	sld [smem:$0x0];
	_ =	sdelay $0x2  }
0xbf: {  	s31 =	sshll.u32 s1, $0xD;
	s1 =	sshrl.u32 s1, $0x2  }
0xc0: {  	s3 =	sand.u32 $0x4000, s31;
	s1 =	sadd.s32 s1, s30  }
0xc1: {  	s0 =	sor.u32 s3, s0;
	s1 =	sshll.u32 s1, $0x11  }
0xc2: {  	s0 =	sor.u32 s1, s0  }
0xc3: {  	s0 =	sadd.s32 $0x8F2B, s0  }
0xc4: {  	[sflag:s0] =	ssyncadd.remote.s32 $0x1  }
0xc5: {  	_ =	sfence.sel $0xFFFF  }
0xc6: {  	[dreg:$0x0] =	wrdreg $0xFFFFFFFF;
	(pc) =	sbr.abs _section_cstart, $3  }
0xc7: {  	[dreg:$0x1] =	wrdreg $0xFFFFFFFF  }
0xc8: {  	_ =	task.clear_ibuf [dreg:s7], $0x2FFFF;
	_ =	strace $0x9FFFFFFF  }
0xc9: {  	(tm) =	ssettm $0x7FFFFFFF  }
tec
execute0_lowered:
.L_overlay_start_1:
0x0: {  	(tag) =	ssettag $0x1  }
0x1: {  	s3 =	rddreg [dreg:$0x0]  }
0x2: {  	s11 =	rddreg [dreg:$0x1]  }
0x3: {  	s7 =	rddreg [dreg:$0x2]  }
0x4: {  	s2 =	simm.s32 $0x0;
	s4 =	srdreg.scid;
	s0 =	stileid.u32  }
0x5: {  	[smem:$0x7FF] =	sst s2;
	s10 =	sadd.s32 $0x2E00, s3;
	s6 =	sand.u32 $0x1, s4  }
0x6: {  	s29 =	sshrl.u32 s0, $0x3;
	s12 =	sadd.s32 $0x4600, s3;
	s13 =	sshll.u32 s0, $0x7  }
0x7: {  	s1 =	sshll.u32 s0, $0xA;
	s17 =	sadd.s32 $0x1380, s3;
	s23 =	sshll.u32 s0, $0x9  }
0x8: {  	p0 =	sgt.u32 s0, $0x9;
	_ =	strace $0x80000047;
	s9 =	smul.u32 $0x1800, s29  }
0x9: {  	s5 =	ssub.s32 $0x2, s6;
	s14 =	smul.u32 $0x6000, s6;
	s30 =	sshll.u32 s6, $0xC  }
0xa: {  	s13 =	sand.u32 $0x380, s13;
	s16 =	sshll.u32 s6, $0x8;
	s19 =	smul.u32 $0xA000, s29  }
0xb: {  	v0 =	vimm.s32 $0xFEDCBA98;
	s24 =	sshllo.u32 s6, $0x1;
	s8 =	sshrl.u32 s5, $0x1;
	s21 =	sor.u32 s16, s1  }
0xc: {  	v1 =	vimm.s32 $0x76543210;
	v2 =	vimm.s32 $0x3210FEDC;
	s3 =	sadd.s32 s30, s17;
	s26 =	sor.u32 s16, s23;
	s28 =	smul.u32 $0x3000, s24  }
0xd: {  	v3 =	vimm.s32 $0xBA987654;
	v4 =	vimm.s32 $0x10FEDCBA;
	v5 =	vimm.s32 $0x98765432;
	s29 =	sshll.u32 s24, $0x7;
	s15 =	ssub.s32 s5, s8;
	s31 =	sor.u32 s14, s9  }
0xe: {  	v6 =	vimm.s32 $0xFEDCBA9;
	v7 =	vimm.s32 $0x87654321;
	v0 =	vunpack.c.l.s4.s8 v0;
	s8 =	sshrl.u32 s21, $0x3;
	s22 =	sshrl.u32 s19, $0x2;
	s14 =	sor.u32 s1, s29  }
0xf: {  	v1 =	vunpack.c.l.s4.s8 v1;
	v2 =	vunpack.c.l.s4.s8 v2;
	v3 =	vunpack.c.l.s4.s8 v3;
	s19 =	simm.s32 $0x1C00;
	s21 =	simm.s32 $0x2800;
	s20 =	sor.u32 s13, s31  }
0x10: {  	v4 =	vunpack.c.l.s4.s8 v4;
	v5 =	vunpack.c.l.s4.s8 v5;
	v6 =	vunpack.c.l.s4.s8 v6;
	s5 =	sadd.s32 s11, s8;
	s25 =	sadd.s32 s22, s7;
	s7 =	sadd.s32 s1, s7  }
0x11: {  	v7 =	vunpack.c.l.s4.s8 v7;
	v0 =	vunpack.c.0.s8.s32 v0;
	v2 =	vunpack.c.0.s8.s32 v2;
	s8 =	sshrl.u32 s26, $0x3;
	s16 =	sadd.s32 s9, s28;
	s30 =	sshrl.u32 s14, $0x3  }
0x12: {  	v3 =	vunpack.c.0.s8.s32 v3;
	v4 =	vunpack.c.0.s8.s32 v4;
	v1 =	vunpack.c.0.s8.s32 v1;
	s14 =	simm.s32 $0x300;
	s22 =	simm.s32 $0x1D00;
	s18 =	sshrl.u32 s20, $0x3  }
0x13: {  	v5 =	vunpack.c.0.s8.s32 v5;
	v6 =	vunpack.c.0.s8.s32 v6;
	v62 =	vand.u32 $0xF, v0;
	s6 =	sadd.s32 s13, s25;
	s8 =	sadd.s32 s12, s8;
	s20 =	sshll.u32 s24, $0xB  }
0x14: {  	v7 =	vunpack.c.0.s8.s32 v7;
	v2 =	vcombine.low v3, v2;
	s13 =	sor.u32 s13, s16;
	s16 =	sor.u32 s23, s29;
	s11 =	sadd.s32 s11, s30;
	v1 =	vcombine.low v62, v1  }
.Ltmp0:
0x15: {  	v3 =	vcombine.low v5, v4;
	s23 =	simm.s32 $0x2500;
	s24 =	simm.s32 $0x0;
	(pc) =	sbr.rel .LBB2_1-.Ltmp0, $4  }
0x16: {  	v63 =	vcombine.low v7, v6;
	s4 =	sadd.s32 s10, s18;
	s9 =	sadd.s32 s20, s17;
	s13 =	sshrl.u32 s13, $0x3;
	[tilespmem:$0x1FFC0] =	vst v1;
	v1 =	vand.u32 $0xF, v2  }
0x17: {  	s31 =	sshrl.u32 s16, $0x3;
	s16 =	simm.s32 $0x80;
	s17 =	simm.s32 $0x400;
	[tilespmem:$0x1FFD0] =	vst v1;
	v1 =	vand.u32 $0xF, v3  }
0x18: {  	s18 =	simm.s32 $0x200;
	s20 =	simm.s32 $0x1700;
	s10 =	sadd.s32 s10, s13;
	[tilespmem:$0x1FFE0] =	vst v1;
	v1 =	vand.u32 $0xF, v63  }
0x19: {  	v0 =	vimm.f32 $+Inf;
	s12 =	sadd.s32 s12, s31;
	s13 =	smax.u32 s15, $0x1;
	s15 =	simm.s32 $0x1;
	[tilespmem:$0x1FFF0] =	vst v1  }
.LBB2_21:
0x1a: {  	s24 =	sadd.s32 $0x1, s24  }
0x1b: {  	p1 =	sne.s32 s24, s13  }
.Ltmp1:
0x1c: {  	_ = 	snop;
	(pc) =	sbr.rel @!p1 .LBB2_22-.Ltmp1, $2  }
0x1d: {  	_ =	sdelay $0x1  }
0x1e: {  	[bflag:$0x0] =	sbarrier.arrive $0xFFFF;
	_ =	sdelay $0x1  }
.LBB2_1:
0x1f: {  	[tilespmem:s14], [sflag:$0x1] =	stream.linear.gather [hbm4b:s3+s2], $0x1400, $0x38;
	[tilespmem:$0x2A80] =	vst v63  }
0x20: {  	_ =	swait.ge [sflag:s15], $0x1400  }
0x21: {  	[sflag:s15] =	ssyncset.done $0x0  }
0x22: {  	[sflag:s15] =	ssyncadd.s32 $0xFFFFEC00  }
0x23: {  	[tilespmem:s2], [sflag:$0x1] =	stream.strided.gather [hbm4b:s4+s16], $0x300, s17, s16, $0x38;
	[tilespmem:$0x2A80] =	vst v63  }
0x24: {  	_ =	swait.ge [sflag:s15], $0x300  }
0x25: {  	[sflag:s15] =	ssyncset.done $0x0  }
0x26: {  	s25 =	simm.s32 $0x40;
	s26 =	simm.s32 $0x0;
	[sflag:s15] =	ssyncadd.s32 $0xFFFFFD00  }
.LBB2_2:
0x27: {  	p1 =	sne.s32 s25, $0x13C0;
	[tilespmem:s26+$0x1700] =	vst v0;
	s26 =	smov.u32 s25;
	s25 =	sadd.s32 $0x40, s25  }
.Ltmp2:
0x28: {  	(pc) =	sbr.rel @p1 .LBB2_2-.Ltmp2, $2  }
0x29: {  	_ =	sdelay $0x2  }
0x2a: {  	s26 =	sshra.s32 s26, $0x2  }
0x2b: {  	[tilespmem:s26+$0x1700] =	vst v0;
	s25 =	simm.s32 $0x0;
	s26 =	simm.s32 $0x0  }
.LBB2_4:
0x2c: {  	s29 =	sshll.u32 s26, $0x3  }
0x2d: {  	s28 =	sand.u32 $0xF0, s29  }
0x2e: {  	v14 =	vld [tilespmem:s28+$0x0]  }
0x2f: {  	v15 =	vld [tilespmem:s28+$0x100]  }
0x30: {  	v21 =	vld [tilespmem:s28+$0x200];
	_ =	sdelay $0x1  }
0x31: {  	s29 =	sand.u32 $0x8, s29  }
0x32: {  	v13 =	vmov s29;
	s30 =	sor.u32 $0x1, s29  }
0x33: {  	v12 =	vmov s30;
	v16 =	vperm.xlane v14, v13;
	v17 =	vperm.xlane v15, v13  }
0x34: {  	s30 =	sor.u32 $0x2, s29;
	v18 =	vperm.xlane v21, v13;
	v19 =	vperm.xlane v14, v12  }
0x35: {  	v11 =	vmov s30;
	s30 =	sor.u32 $0x3, s29;
	v20 =	vperm.xlane v15, v12;
	v23 =	vperm.xlane v21, v12  }
0x36: {  	s31 =	sand.u32 $0x1E00, s25;
	v10 =	vmov s30;
	s30 =	sand.u32 $0x70, s25;
	v25 =	vperm.xlane v14, v11;
	v24 =	vperm.xlane v15, v11  }
0x37: {  	s1 =	sor.u32 $0x4, s29;
	s30 =	sor.u32 s30, s31;
	v29 =	vperm.xlane v21, v11;
	v30 =	vperm.xlane v14, v10  }
0x38: {  	s0 =	sor.u32 $0x5, s29;
	v8 =	vmov s1;
	v27 =	vperm.xlane v15, v10;
	v33 =	vperm.xlane v21, v10;
	v22 =	vld [tilespmem:s30+$0x400]  }
0x39: {  	v1 =	vmov s0;
	v36 =	vperm.xlane v14, v8;
	v32 =	vperm.xlane v15, v8  }
0x3a: {  	s1 =	sor.u32 $0x6, s29;
	v38 =	vperm.xlane v21, v8;
	v39 =	vperm.xlane v14, v1  }
0x3b: {  	v7 =	vmov s1;
	s29 =	sor.u32 $0x7, s29;
	v34 =	vperm.xlane v15, v1;
	v41 =	vperm.xlane v21, v1  }
0x3c: {  	v9 =	vmov s29;
	v42 =	vperm.xlane v14, v7;
	v35 =	vperm.xlane v15, v7;
	v26 =	vld [tilespmem:s30+$0x300]  }
0x3d: {  	v43 =	vperm.xlane v21, v7;
	v44 =	vperm.xlane v14, v9;
	v14 =	vsub.f32 v22, v18  }
0x3e: {  	v37 =	vperm.xlane v15, v9;
	v54 =	vld [tilespmem:s30+$0x380];
	v15 =	vsub.f32 v22, v23;
	v31 =	vsub.f32 v22, v29  }
0x3f: {  	v45 =	vperm.xlane v21, v9;
	v21 =	vsub.f32 v22, v33;
	v50 =	vsub.f32 v22, v38  }
0x40: {  	v48 =	vsub.f32 v22, v41;
	v47 =	vsub.f32 v22, v43  }
0x41: {  	v46 =	vsub.f32 v22, v45;
	v22 =	vsub.f32 v26, v19  }
0x42: {  	v40 =	vsub.f32 v26, v39;
	v61 =	vsub.f32 v26, v42  }
0x43: {  	v28 =	vimm.f32 $+Inf;
	v63 =	vsub.f32 v26, v44;
	v62 =	vsub.f32 v54, v17  }
0x44: {  	v49 =	vmul.f32 v14, v14;
	v14 =	vsub.f32 v26, v16;
	v51 =	vmul.f32 v15, v15  }
0x45: {  	v15 =	vsub.f32 v26, v25;
	v52 =	vmul.f32 v31, v31;
	v31 =	vsub.f32 v26, v30  }
0x46: {  	v53 =	vmul.f32 v21, v21;
	v21 =	vsub.f32 v26, v36;
	v56 =	vmul.f32 v22, v22  }
0x47: {  	v59 =	vmul.f32 v40, v40;
	v40 =	vimm.f32 $+Inf;
	v26 =	vimm.f32 $+Inf  }
0x48: {  	v22 =	vimm.f32 $+Inf;
	v55 =	vmul.f32 v14, v14;
	v57 =	vmul.f32 v15, v15  }
0x49: {  	v58 =	vmul.f32 v31, v31;
	v60 =	vmul.f32 v21, v21;
	v31 =	vimm.f32 $+Inf  }
0x4a: {  	[tilespmem:$0x1FFB0] =	vst v1;
	s29 =	simm.s32 $0x0;
	s30 =	simm.s32 $0x10;
	v21 =	vimm.f32 $+Inf;
	v15 =	vimm.f32 $+Inf;
	v14 =	vimm.f32 $+Inf  }
.LBB2_5:
0x4b: {  	p1 =	sne.s32 s30, $0x4F0;
	v5 =	vsub.f32 v54, v20;
	v1 =	vsub.f32 v54, v24;
	v61 =	vmul.f32 v61, v61  }
0x4c: {  	v2 =	vsub.f32 v54, v27;
	v3 =	vsub.f32 v54, v32;
	v63 =	vmul.f32 v63, v63  }
0x4d: {  	v4 =	vsub.f32 v54, v34;
	v62 =	vmul.f32 v62, v62;
	v5 =	vmul.f32 v5, v5  }
0x4e: {  	v6 =	vsub.f32 v54, v35;
	v1 =	vmul.f32 v1, v1;
	v2 =	vmul.f32 v2, v2  }
0x4f: {  	v54 =	vsub.f32 v54, v37;
	v3 =	vmul.f32 v3, v3;
	v4 =	vmul.f32 v4, v4  }
0x50: {  	v6 =	vmul.f32 v6, v6;
	v55 =	vadd.f32 v62, v55;
	v5 =	vadd.f32 v5, v56  }
0x51: {  	v54 =	vmul.f32 v54, v54;
	v1 =	vadd.f32 v1, v57;
	v2 =	vadd.f32 v2, v58  }
0x52: {  	v50 =	vmul.f32 v50, v50;
	v3 =	vadd.f32 v3, v60;
	v4 =	vadd.f32 v4, v59  }
0x53: {  	v48 =	vmul.f32 v48, v48;
	v6 =	vadd.f32 v6, v61;
	v54 =	vadd.f32 v54, v63  }
0x54: {  	v47 =	vmul.f32 v47, v47;
	v49 =	vadd.f32 v49, v55;
	v5 =	vadd.f32 v51, v5  }
0x55: {  	v46 =	vmul.f32 v46, v46;
	v1 =	vadd.f32 v52, v1;
	v2 =	vadd.f32 v53, v2  }
0x56: {  	s31 =	sshra.s32 s29, $0x2;
	v3 =	vadd.f32 v50, v3;
	v4 =	vadd.f32 v48, v4;
	v28 =	vmin.f32 v28, v49  }
0x57: {  	v6 =	vadd.f32 v47, v6;
	v46 =	vadd.f32 v46, v54;
	v40 =	vmin.f32 v40, v5;
	v47 =	vld [tilespmem:s31+$0x1700]  }
0x58: {  	v31 =	vmin.f32 v31, v1;
	v26 =	vmin.f32 v26, v2;
	v5 =	vmin.f32 v49, v5  }
0x59: {  	v1 =	vmin.f32 v1, v2;
	v2 =	vmin.f32 v3, v4;
	v48 =	vmin.f32 v6, v46  }
0x5a: {  	v21 =	vmin.f32 v21, v3;
	v1 =	vmin.f32 v5, v1;
	v2 =	vmin.f32 v2, v48  }
0x5b: {  	s29 =	sadd.s32 $0x40, s29;
	v22 =	vmin.f32 v22, v4;
	v15 =	vmin.f32 v15, v6;
	v1 =	vmin.f32 v1, v2  }
0x5c: {  	s0 =	sand.u32 $0x70, s30;
	s1 =	sand.u32 $0x1E00, s29;
	v14 =	vmin.f32 v14, v46;
	v1 =	vmin.f32 v47, v1  }
0x5d: {  	s0 =	sor.u32 s0, s1;
	[tilespmem:s31+$0x1700] =	vst v1  }
0x5e: {  	v1 =	vld [tilespmem:s0+$0x400];
	_ =	sdelay $0x3  }
0x5f: {  	v2 =	vld [tilespmem:s0+$0x300]  }
0x60: {  	v3 =	vsub.f32 v1, v18;
	v4 =	vsub.f32 v1, v23  }
0x61: {  	v5 =	vsub.f32 v1, v29;
	v6 =	vsub.f32 v1, v33  }
0x62: {  	v50 =	vsub.f32 v1, v38;
	v48 =	vsub.f32 v1, v41  }
0x63: {  	v47 =	vsub.f32 v1, v43;
	v46 =	vsub.f32 v1, v45;
	v49 =	vmul.f32 v3, v3  }
0x64: {  	v51 =	vmul.f32 v4, v4;
	v54 =	vld [tilespmem:s0+$0x380];
	v1 =	vsub.f32 v2, v16;
	v3 =	vsub.f32 v2, v19  }
.Ltmp3:
0x65: {  	v52 =	vmul.f32 v5, v5;
	v4 =	vsub.f32 v2, v25;
	v5 =	vsub.f32 v2, v30;
	(pc) =	sbr.rel @p1 .LBB2_5-.Ltmp3, $4  }
0x66: {  	v53 =	vmul.f32 v6, v6;
	v6 =	vsub.f32 v2, v36;
	v59 =	vsub.f32 v2, v39  }
0x67: {  	v61 =	vsub.f32 v2, v42;
	v55 =	vmul.f32 v1, v1;
	v56 =	vmul.f32 v3, v3  }
0x68: {  	v63 =	vsub.f32 v2, v44;
	v57 =	vmul.f32 v4, v4;
	v58 =	vmul.f32 v5, v5  }
0x69: {  	s30 =	sadd.s32 $0x10, s30;
	v60 =	vmul.f32 v6, v6;
	v59 =	vmul.f32 v59, v59;
	v62 =	vsub.f32 v54, v17  }
0x6a: {  	v1 =	vsub.f32 v54, v20  }
0x6b: {  	v2 =	vsub.f32 v54, v24;
	v3 =	vmul.f32 v61, v61;
	v4 =	vsub.f32 v54, v27  }
0x6c: {  	v5 =	vmul.f32 v63, v63;
	v6 =	vsub.f32 v54, v32;
	v17 =	vsub.f32 v54, v34  }
0x6d: {  	v18 =	vsub.f32 v54, v35;
	v45 =	vmul.f32 v50, v50;
	v50 =	vmul.f32 v48, v48  }
0x6e: {  	v19 =	vsub.f32 v54, v37;
	v16 =	vmul.f32 v62, v62;
	v1 =	vmul.f32 v1, v1  }
0x6f: {  	v38 =	vlaneseq.u32;
	v2 =	vmul.f32 v2, v2;
	v4 =	vmul.f32 v4, v4  }
0x70: {  	vm0 =	veq.s32 v13, v38;
	v6 =	vmul.f32 v6, v6;
	v17 =	vmul.f32 v17, v17  }
0x71: {  	v18 =	vmul.f32 v18, v18;
	v16 =	vadd.f32 v16, v55;
	v1 =	vadd.f32 v1, v56  }
0x72: {  	v19 =	vmul.f32 v19, v19;
	v2 =	vadd.f32 v2, v57;
	v4 =	vadd.f32 v4, v58  }
0x73: {  	vm9 =	veq.s32 v12, v38;
	v6 =	vadd.f32 v6, v60;
	v17 =	vadd.f32 v17, v59  }
0x74: {  	vm10 =	veq.s32 v11, v38;
	v3 =	vadd.f32 v18, v3;
	v5 =	vadd.f32 v19, v5  }
0x75: {  	vm11 =	veq.s32 v10, v38;
	v16 =	vadd.f32 v49, v16;
	v1 =	vadd.f32 v51, v1  }
0x76: {  	v51 =	vmul.f32 v47, v47;
	v2 =	vadd.f32 v52, v2;
	v4 =	vadd.f32 v53, v4  }
0x77: {  	v52 =	vmul.f32 v46, v46;
	v53 =	vld [tilespmem:$0x1FFC0];
	v6 =	vadd.f32 v45, v6;
	v17 =	vadd.f32 v50, v17  }
0x78: {  	v23 =	vmin.f32 v28, v16;
	v54 =	vmin.f32 v40, v1;
	v3 =	vadd.f32 v51, v3  }
0x79: {  	v5 =	vadd.f32 v52, v5;
	v1 =	vmin.f32 v16, v1;
	v57 =	vmin.f32 v2, v4  }
0x7a: {  	s0 =	sshra.s32 s29, $0x2;
	v59 =	vmin.f32 v6, v17;
	v2 =	vmin.f32 v31, v2;
	v4 =	vmin.f32 v26, v4  }
0x7b: {  	v55 =	vld [tilespmem:s0+$0x1700];
	v6 =	vmin.f32 v21, v6;
	v17 =	vmin.f32 v22, v17;
	v1 =	vmin.f32 v1, v57  }
0x7c: {  	v60 =	vmin.f32 v3, v5;
	v3 =	vmin.f32 v15, v3;
	v25 =	vperm.xlane v23, v53  }
0x7d: {  	v58 =	vld [tilespmem:$0x1FFD0];
	v5 =	vmin.f32 v14, v5;
	v62 =	vperm.xlane v54, v53;
	v30 =	vperm.xlane v2, v53  }
0x7e: {  	v61 =	vmin.f32 v59, v60;
	v33 =	vperm.xlane v4, v53;
	v43 =	vperm.xlane v6, v53  }
0x7f: {  	v46 =	vperm.xlane v17, v53;
	v47 =	vperm.xlane v3, v53;
	v1 =	vmin.f32 v1, v61  }
0x80: {  	v63 =	vld [tilespmem:$0x1FFE0];
	v49 =	vperm.xlane v5, v53;
	v56 =	vmin.f32 v23, v25;
	v1 =	vmin.f32 v55, v1  }
0x81: {  	v18 =	vmin.f32 v54, v62;
	v2 =	vmin.f32 v2, v30;
	v4 =	vmin.f32 v4, v33  }
0x82: {  	v6 =	vmin.f32 v6, v43;
	v48 =	vmin.f32 v17, v46;
	v23 =	vperm.xlane v56, v58  }
0x83: {  	v31 =	vld [tilespmem:$0x1FFF0];
	v3 =	vmin.f32 v3, v47;
	v5 =	vmin.f32 v5, v49;
	v29 =	vperm.xlane v18, v58  }
0x84: {  	v35 =	vperm.xlane v2, v58;
	v37 =	vperm.xlane v4, v58;
	v20 =	vmin.f32 v56, v23  }
0x85: {  	[tilespmem:s0+$0x1700] =	vst v1;
	v45 =	vperm.xlane v6, v58;
	v18 =	vmin.f32 v18, v29;
	v25 =	vperm.xlane v20, v63  }
0x86: {  	v51 =	vperm.xlane v48, v58;
	v32 =	vld [tilespmem:s28+$0x1C00];
	v2 =	vmin.f32 v2, v35;
	v34 =	vperm.xlane v18, v63  }
0x87: {  	v4 =	vmin.f32 v4, v37;
	v40 =	vperm.xlane v2, v63;
	v16 =	vmin.f32 v20, v25  }
0x88: {  	v41 =	vperm.xlane v4, v63;
	v36 =	vmin.f32 v18, v34;
	v1 =	vperm.xlane v16, v31  }
0x89: {  	v53 =	vperm.xlane v5, v58;
	v2 =	vmin.f32 v2, v40;
	v39 =	vperm.xlane v36, v31  }
0x8a: {  	v4 =	vmin.f32 v4, v41;
	v42 =	vperm.xlane v2, v31;
	v1 =	vmin.f32 v16, v1  }
0x8b: {  	v44 =	vperm.xlane v4, v31;
	v13 =	vmin.f32 v36, v39;
	v1 =	vsel vm0, v1, v32  }
0x8c: {  	v6 =	vmin.f32 v6, v45;
	v2 =	vmin.f32 v2, v42;
	v1 =	vsel vm9, v13, v1  }
0x8d: {  	v62 =	vld [tilespmem:$0x1FFB0];
	v1 =	vsel vm10, v2, v1;
	v2 =	vmin.f32 v4, v44;
	v4 =	vperm.xlane v3, v58  }
0x8e: {  	vm12 =	veq.s32 v8, v38;
	v52 =	vmin.f32 v48, v51;
	v50 =	vperm.xlane v6, v63  }
0x8f: {  	v56 =	vmin.f32 v5, v53;
	v55 =	vperm.xlane v52, v63;
	v3 =	vmin.f32 v3, v4  }
0x90: {  	v6 =	vmin.f32 v6, v50;
	v1 =	vsel vm11, v2, v1;
	v2 =	vperm.xlane v3, v63  }
0x91: {  	v59 =	vperm.xlane v56, v63;
	v54 =	vperm.xlane v6, v31;
	v58 =	vmin.f32 v52, v55  }
0x92: {  	s26 =	sadd.s32 $0x1, s26;
	vm13 =	veq.s32 v62, v38;
	v60 =	vperm.xlane v58, v31;
	v2 =	vmin.f32 v3, v2  }
0x93: {  	p1 =	sne.s32 s26, $0x20;
	v57 =	vmin.f32 v6, v54;
	v4 =	vmin.f32 v56, v59;
	v3 =	vperm.xlane v2, v31  }
.Ltmp4:
0x94: {  	v1 =	vsel vm12, v57, v1;
	v61 =	vmin.f32 v58, v60;
	v63 =	vperm.xlane v4, v31;
	(pc) =	sbr.rel @p1 .LBB2_4-.Ltmp4, $4  }
0x95: {  	vm14 =	veq.s32 v7, v38;
	v1 =	vsel vm13, v61, v1;
	v2 =	vmin.f32 v2, v3  }
0x96: {  	vm15 =	veq.s32 v9, v38;
	v1 =	vsel vm14, v2, v1;
	v2 =	vmin.f32 v4, v63  }
0x97: {  	v1 =	vsel vm15, v2, v1  }
0x98: {  	[tilespmem:s28+$0x1C00] =	vst v1  }
0x99: {  	[hbm4b:s5+s16] =	stream.strided.scatter [tilespmem:s19], [sflag:$0x1], $0x100, s18, s16, $0x38;
	[tilespmem:$0x2A80] =	vst v63  }
0x9a: {  	_ =	swait.ge [sflag:s15], $0x100  }
0x9b: {  	[sflag:s15] =	ssyncset.done $0x0  }
0x9c: {  	[sflag:s15] =	ssyncadd.s32 $0xFFFFFF00  }
0x9d: {  	[spmem:s6] =	stream.strided.scatter [tilespmem:s20], [sflag:$0x1], $0x500, s17, s16, $0x38;
	[tilespmem:$0x2A80] =	vst v63  }
.Ltmp5:
0x9e: {  	_ =	swait.ge [sflag:s15], $0x500;
	(pc) =	sbr.rel @p0 .LBB2_11-.Ltmp5, $3  }
0x9f: {  	[sflag:s15] =	ssyncset.done $0x0  }
0xa0: {  	[sflag:s15] =	ssyncadd.s32 $0xFFFFFB00  }
0xa1: {  	[bflag:$0x0] =	sbarrier.arrive $0xFFFF;
	_ =	sdelay $0x1  }
0xa2: {  	[tilespmem:s22], [sflag:$0x1] =	stream.strided.gather [spmem:s7], $0x800, s21, s17, $0x38;
	[tilespmem:$0x2A80] =	vst v63  }
0xa3: {  	_ =	swait.ge [sflag:s15], $0x800  }
0xa4: {  	[sflag:s15] =	ssyncset.done $0x0  }
0xa5: {  	s25 =	simm.s32 $0x0;
	[sflag:s15] =	ssyncadd.s32 $0xFFFFF800  }
0xa6: {  	v1 =	vld [tilespmem:s25+$0x1D00]  }
0xa7: {  	v2 =	vld [tilespmem:s25+$0x1D80]  }
0xa8: {  	v3 =	vld [tilespmem:s25+$0x1E00]  }
0xa9: {  	v4 =	vld [tilespmem:s25+$0x1E80]  }
0xaa: {  	v5 =	vld [tilespmem:s25+$0x1F00]  }
0xab: {  	v6 =	vld [tilespmem:s25+$0x1F80]  }
0xac: {  	v1 =	vmin.f32 v1, v2;
	v2 =	vld [tilespmem:s25+$0x2000]  }
0xad: {  	v1 =	vmin.f32 v1, v3;
	v3 =	vld [tilespmem:s25+$0x2080]  }
0xae: {  	v1 =	vmin.f32 v1, v4;
	v4 =	vld [tilespmem:s25+$0x2100]  }
0xaf: {  	v1 =	vmin.f32 v1, v5;
	v5 =	vld [tilespmem:s25+$0x2180]  }
0xb0: {  	v1 =	vmin.f32 v1, v6;
	v6 =	vld [tilespmem:s25+$0x2200]  }
0xb1: {  	v1 =	vmin.f32 v1, v2;
	v2 =	vld [tilespmem:s25+$0x2280]  }
0xb2: {  	v7 =	vld [tilespmem:s25+$0x2300];
	v1 =	vmin.f32 v1, v3  }
0xb3: {  	v8 =	vld [tilespmem:s25+$0x2380];
	v1 =	vmin.f32 v1, v4  }
0xb4: {  	v9 =	vld [tilespmem:s25+$0x2400];
	v1 =	vmin.f32 v1, v5  }
0xb5: {  	s26 =	simm.s32 $0x10;
	v10 =	vld [tilespmem:s25+$0x2480];
	v1 =	vmin.f32 v1, v6  }
0xb6: {  	s28 =	simm.s32 $0x80;
	v6 =	vld [tilespmem:s26+$0x1D00];
	v11 =	vmin.f32 v1, v2  }
.LBB2_9:
0xb7: {  	p1 =	sne.s32 s28, $0x1C0;
	v1 =	vld [tilespmem:s26+$0x1D80];
	v2 =	vmin.f32 v11, v7  }
0xb8: {  	v3 =	vld [tilespmem:s26+$0x1E00];
	v2 =	vmin.f32 v2, v8  }
0xb9: {  	v4 =	vld [tilespmem:s26+$0x1E80];
	v2 =	vmin.f32 v2, v9  }
0xba: {  	v5 =	vld [tilespmem:s26+$0x1F00];
	v2 =	vmin.f32 v2, v10  }
0xbb: {  	v7 =	vld [tilespmem:s26+$0x1F80];
	[tilespmem:s25+$0x2500] =	vst v2;
	s25 =	smov.u32 s26  }
0xbc: {  	v1 =	vmin.f32 v6, v1;
	v2 =	vld [tilespmem:s25+$0x2000]  }
0xbd: {  	v1 =	vmin.f32 v1, v3;
	v3 =	vld [tilespmem:s25+$0x2080]  }
0xbe: {  	v1 =	vmin.f32 v1, v4;
	v4 =	vld [tilespmem:s25+$0x2100]  }
0xbf: {  	v1 =	vmin.f32 v1, v5;
	v5 =	vld [tilespmem:s25+$0x2180]  }
0xc0: {  	v1 =	vmin.f32 v1, v7;
	v6 =	vld [tilespmem:s25+$0x2200]  }
0xc1: {  	v1 =	vmin.f32 v1, v2;
	v2 =	vld [tilespmem:s25+$0x2280]  }
.Ltmp6:
0xc2: {  	v1 =	vmin.f32 v1, v3;
	v7 =	vld [tilespmem:s25+$0x2300];
	(pc) =	sbr.rel @p1 .LBB2_9-.Ltmp6, $4  }
0xc3: {  	v1 =	vmin.f32 v1, v4;
	v8 =	vld [tilespmem:s25+$0x2380]  }
0xc4: {  	v1 =	vmin.f32 v1, v5;
	v9 =	vld [tilespmem:s25+$0x2400]  }
0xc5: {  	s26 =	sshra.s32 s28, $0x2;
	v1 =	vmin.f32 v1, v6;
	v10 =	vld [tilespmem:s25+$0x2480]  }
0xc6: {  	s28 =	sadd.s32 $0x40, s28;
	v6 =	vld [tilespmem:s26+$0x1D00];
	v11 =	vmin.f32 v1, v2  }
0xc7: {  	v1 =	vld [tilespmem:s26+$0x1D80];
	v2 =	vmin.f32 v11, v7  }
0xc8: {  	v3 =	vld [tilespmem:s26+$0x1E00];
	v2 =	vmin.f32 v2, v8  }
0xc9: {  	v4 =	vld [tilespmem:s26+$0x1E80];
	v2 =	vmin.f32 v2, v9  }
0xca: {  	v5 =	vld [tilespmem:s26+$0x1F00];
	v2 =	vmin.f32 v2, v10  }
0xcb: {  	v57 =	vld [tilespmem:s26+$0x1F80];
	[tilespmem:s25+$0x2500] =	vst v2  }
0xcc: {  	v1 =	vmin.f32 v6, v1;
	v2 =	vld [tilespmem:s26+$0x2000]  }
0xcd: {  	v1 =	vmin.f32 v1, v3;
	v3 =	vld [tilespmem:s26+$0x2080]  }
0xce: {  	v58 =	vld [tilespmem:s26+$0x2100];
	v1 =	vmin.f32 v1, v4  }
0xcf: {  	v59 =	vld [tilespmem:s26+$0x2180];
	v1 =	vmin.f32 v1, v5  }
0xd0: {  	v60 =	vld [tilespmem:s26+$0x2200];
	v1 =	vmin.f32 v1, v57  }
0xd1: {  	v1 =	vmin.f32 v1, v2;
	v2 =	vld [tilespmem:s26+$0x2280]  }
0xd2: {  	v1 =	vmin.f32 v1, v3;
	v3 =	vld [tilespmem:s26+$0x2300]  }
0xd3: {  	v61 =	vld [tilespmem:s26+$0x2380];
	v1 =	vmin.f32 v1, v58  }
0xd4: {  	v62 =	vld [tilespmem:s26+$0x2400];
	v1 =	vmin.f32 v1, v59  }
0xd5: {  	v63 =	vld [tilespmem:s26+$0x2480];
	v1 =	vmin.f32 v1, v60  }
0xd6: {  	v1 =	vmin.f32 v1, v2  }
0xd7: {  	v1 =	vmin.f32 v1, v3  }
0xd8: {  	v1 =	vmin.f32 v1, v61  }
0xd9: {  	v1 =	vmin.f32 v1, v62  }
0xda: {  	v1 =	vmin.f32 v1, v63  }
0xdb: {  	[tilespmem:s26+$0x2500] =	vst v1  }
0xdc: {  	[hbm4b:s8+s2] =	stream.linear.scatter [tilespmem:s23], [sflag:$0x1], $0x80, $0x38;
	[tilespmem:$0x2A80] =	vst v63  }
0xdd: {  	_ =	swait.ge [sflag:s15], $0x80  }
0xde: {  	[sflag:s15] =	ssyncset.done $0x0  }
0xdf: {  	[sflag:s15] =	ssyncadd.s32 $0xFFFFFF80  }
.LBB2_11:
0xe0: {  	[bflag:$0x0] =	sbarrier.arrive $0xFFFF;
	s25 =	simm.s32 $0x0  }
0xe1: {  	[tilespmem:s14], [sflag:$0x1] =	stream.linear.gather [hbm4b:s9+s25], $0x1400, $0x38;
	[tilespmem:$0x2A80] =	vst v63  }
0xe2: {  	_ =	swait.ge [sflag:s15], $0x1400  }
0xe3: {  	[sflag:s15] =	ssyncset.done $0x0  }
0xe4: {  	[sflag:s15] =	ssyncadd.s32 $0xFFFFEC00  }
0xe5: {  	[tilespmem:s25], [sflag:$0x1] =	stream.strided.gather [hbm4b:s10+s16], $0x300, s17, s16, $0x38;
	[tilespmem:$0x2A80] =	vst v63  }
0xe6: {  	_ =	swait.ge [sflag:s15], $0x300  }
0xe7: {  	[sflag:s15] =	ssyncset.done $0x0  }
0xe8: {  	s26 =	simm.s32 $0x40;
	s28 =	simm.s32 $0x0;
	[sflag:s15] =	ssyncadd.s32 $0xFFFFFD00  }
.LBB2_12:
0xe9: {  	p1 =	sne.s32 s26, $0x13C0;
	[tilespmem:s28+$0x1700] =	vst v0;
	s0 =	smov.u32 s26;
	s26 =	sadd.s32 $0x40, s26  }
.Ltmp7:
0xea: {  	(pc) =	sbr.rel @p1 .LBB2_12-.Ltmp7, $2  }
0xeb: {  	_ =	sdelay $0x2  }
0xec: {  	s28 =	sshra.s32 s0, $0x2  }
0xed: {  	[tilespmem:s28+$0x1700] =	vst v0  }
.LBB2_14:
0xee: {  	s0 =	sshll.u32 s25, $0x3  }
0xef: {  	s26 =	sand.u32 $0xF0, s0  }
0xf0: {  	v1 =	vld [tilespmem:s26+$0x0]  }
0xf1: {  	v2 =	vld [tilespmem:s26+$0x100]  }
0xf2: {  	v3 =	vld [tilespmem:s26+$0x200];
	_ =	sdelay $0x1  }
0xf3: {  	s0 =	sand.u32 $0x8, s0  }
0xf4: {  	v13 =	vmov s0;
	s1 =	sor.u32 $0x1, s0  }
0xf5: {  	v12 =	vmov s1;
	v16 =	vperm.xlane v1, v13;
	v17 =	vperm.xlane v2, v13  }
0xf6: {  	v28 =	vimm.f32 $+Inf;
	s31 =	sor.u32 $0x2, s0;
	v18 =	vperm.xlane v3, v13;
	v19 =	vperm.xlane v1, v12  }
0xf7: {  	s28 =	simm.s32 $0x0;
	s30 =	sor.u32 $0x3, s0;
	v11 =	vmov s31;
	v20 =	vperm.xlane v2, v12;
	v23 =	vperm.xlane v3, v12  }
0xf8: {  	s29 =	sand.u32 $0x1E00, s28;
	v10 =	vmov s30;
	s31 =	sand.u32 $0x70, s28;
	v25 =	vperm.xlane v1, v11;
	v24 =	vperm.xlane v2, v11  }
0xf9: {  	v40 =	vimm.f32 $+Inf;
	s1 =	sor.u32 s31, s29;
	s29 =	sor.u32 $0x4, s0;
	v29 =	vperm.xlane v3, v11;
	v30 =	vperm.xlane v1, v10  }
0xfa: {  	v8 =	vmov s29;
	s29 =	sor.u32 $0x5, s0;
	v27 =	vperm.xlane v2, v10;
	v33 =	vperm.xlane v3, v10  }
0xfb: {  	v4 =	vld [tilespmem:s1+$0x400];
	v5 =	vmov s29;
	v36 =	vperm.xlane v1, v8;
	v32 =	vperm.xlane v2, v8  }
0xfc: {  	v31 =	vimm.f32 $+Inf;
	s29 =	sor.u32 $0x6, s0;
	v38 =	vperm.xlane v3, v8;
	v39 =	vperm.xlane v1, v5  }
0xfd: {  	s0 =	sor.u32 $0x7, s0;
	v7 =	vmov s29;
	v34 =	vperm.xlane v2, v5;
	v41 =	vperm.xlane v3, v5  }
0xfe: {  	v54 =	vld [tilespmem:s1+$0x380];
	v9 =	vmov s0;
	v42 =	vperm.xlane v1, v7;
	v35 =	vperm.xlane v2, v7  }
0xff: {  	v26 =	vimm.f32 $+Inf;
	[tilespmem:$0x1FFA0] =	vst v5;
	v5 =	vld [tilespmem:s1+$0x300];
	v43 =	vperm.xlane v3, v7;
	v44 =	vperm.xlane v1, v9  }
0x100: {  	v37 =	vperm.xlane v2, v9;
	v1 =	vsub.f32 v4, v18;
	v2 =	vsub.f32 v4, v23  }
0x101: {  	v45 =	vperm.xlane v3, v9;
	v14 =	vsub.f32 v4, v29;
	v3 =	vsub.f32 v4, v33  }
0x102: {  	v22 =	vimm.f32 $+Inf;
	v50 =	vsub.f32 v4, v38;
	v48 =	vsub.f32 v4, v41  }
0x103: {  	v21 =	vimm.f32 $+Inf;
	v47 =	vsub.f32 v4, v43;
	v46 =	vsub.f32 v4, v45  }
0x104: {  	v62 =	vsub.f32 v54, v17;
	v49 =	vmul.f32 v1, v1;
	v1 =	vsub.f32 v5, v16  }
0x105: {  	v4 =	vsub.f32 v5, v19;
	v51 =	vmul.f32 v2, v2;
	v2 =	vsub.f32 v5, v25  }
0x106: {  	v52 =	vmul.f32 v14, v14;
	v14 =	vsub.f32 v5, v30;
	v53 =	vmul.f32 v3, v3  }
0x107: {  	v3 =	vsub.f32 v5, v36;
	v15 =	vsub.f32 v5, v39;
	v55 =	vmul.f32 v1, v1  }
0x108: {  	v61 =	vsub.f32 v5, v42;
	v56 =	vmul.f32 v4, v4;
	v57 =	vmul.f32 v2, v2  }
0x109: {  	v63 =	vsub.f32 v5, v44;
	v58 =	vmul.f32 v14, v14;
	v60 =	vmul.f32 v3, v3  }
0x10a: {  	s29 =	simm.s32 $0x10;
	v59 =	vmul.f32 v15, v15;
	v15 =	vimm.f32 $+Inf;
	v14 =	vimm.f32 $+Inf  }
.LBB2_15:
0x10b: {  	p1 =	sne.s32 s29, $0x4F0;
	v1 =	vsub.f32 v54, v20;
	v2 =	vsub.f32 v54, v24;
	v3 =	vmul.f32 v61, v61  }
0x10c: {  	v4 =	vsub.f32 v54, v27;
	v5 =	vsub.f32 v54, v32;
	v61 =	vmul.f32 v63, v63  }
0x10d: {  	v63 =	vsub.f32 v54, v34;
	v62 =	vmul.f32 v62, v62;
	v1 =	vmul.f32 v1, v1  }
0x10e: {  	v6 =	vsub.f32 v54, v35;
	v2 =	vmul.f32 v2, v2;
	v4 =	vmul.f32 v4, v4  }
0x10f: {  	v54 =	vsub.f32 v54, v37;
	v5 =	vmul.f32 v5, v5;
	v63 =	vmul.f32 v63, v63  }
0x110: {  	v6 =	vmul.f32 v6, v6;
	v55 =	vadd.f32 v62, v55;
	v1 =	vadd.f32 v1, v56  }
0x111: {  	v54 =	vmul.f32 v54, v54;
	v2 =	vadd.f32 v2, v57;
	v4 =	vadd.f32 v4, v58  }
0x112: {  	v50 =	vmul.f32 v50, v50;
	v5 =	vadd.f32 v5, v60;
	v56 =	vadd.f32 v63, v59  }
0x113: {  	v48 =	vmul.f32 v48, v48;
	v3 =	vadd.f32 v6, v3;
	v6 =	vadd.f32 v54, v61  }
0x114: {  	v47 =	vmul.f32 v47, v47;
	v49 =	vadd.f32 v49, v55;
	v1 =	vadd.f32 v51, v1  }
0x115: {  	v46 =	vmul.f32 v46, v46;
	v2 =	vadd.f32 v52, v2;
	v4 =	vadd.f32 v53, v4  }
0x116: {  	s0 =	sshra.s32 s28, $0x2;
	v5 =	vadd.f32 v50, v5;
	v48 =	vadd.f32 v48, v56;
	v28 =	vmin.f32 v28, v49  }
0x117: {  	v3 =	vadd.f32 v47, v3;
	v6 =	vadd.f32 v46, v6;
	v40 =	vmin.f32 v40, v1;
	v46 =	vld [tilespmem:s0+$0x1700]  }
0x118: {  	v31 =	vmin.f32 v31, v2;
	v26 =	vmin.f32 v26, v4;
	v1 =	vmin.f32 v49, v1  }
0x119: {  	v2 =	vmin.f32 v2, v4;
	v4 =	vmin.f32 v5, v48;
	v47 =	vmin.f32 v3, v6  }
0x11a: {  	v22 =	vmin.f32 v22, v5;
	v1 =	vmin.f32 v1, v2;
	v2 =	vmin.f32 v4, v47  }
0x11b: {  	s28 =	sadd.s32 $0x40, s28;
	v21 =	vmin.f32 v21, v48;
	v15 =	vmin.f32 v15, v3;
	v1 =	vmin.f32 v1, v2  }
0x11c: {  	s1 =	sand.u32 $0x70, s29;
	s30 =	sand.u32 $0x1E00, s28;
	v14 =	vmin.f32 v14, v6;
	v1 =	vmin.f32 v46, v1  }
0x11d: {  	s1 =	sor.u32 s1, s30;
	[tilespmem:s0+$0x1700] =	vst v1  }
0x11e: {  	v1 =	vld [tilespmem:s1+$0x400];
	_ =	sdelay $0x3  }
0x11f: {  	v2 =	vld [tilespmem:s1+$0x300]  }
0x120: {  	v3 =	vsub.f32 v1, v18;
	v4 =	vsub.f32 v1, v23  }
0x121: {  	v5 =	vsub.f32 v1, v29;
	v6 =	vsub.f32 v1, v33  }
0x122: {  	v50 =	vsub.f32 v1, v38;
	v48 =	vsub.f32 v1, v41  }
0x123: {  	v47 =	vsub.f32 v1, v43;
	v46 =	vsub.f32 v1, v45;
	v49 =	vmul.f32 v3, v3  }
0x124: {  	v51 =	vmul.f32 v4, v4;
	v54 =	vld [tilespmem:s1+$0x380];
	v1 =	vsub.f32 v2, v16;
	v3 =	vsub.f32 v2, v19  }
.Ltmp8:
0x125: {  	v52 =	vmul.f32 v5, v5;
	v4 =	vsub.f32 v2, v25;
	v5 =	vsub.f32 v2, v30;
	(pc) =	sbr.rel @p1 .LBB2_15-.Ltmp8, $4  }
0x126: {  	v53 =	vmul.f32 v6, v6;
	v6 =	vsub.f32 v2, v36;
	v59 =	vsub.f32 v2, v39  }
0x127: {  	v61 =	vsub.f32 v2, v42;
	v55 =	vmul.f32 v1, v1;
	v56 =	vmul.f32 v3, v3  }
0x128: {  	v63 =	vsub.f32 v2, v44;
	v57 =	vmul.f32 v4, v4;
	v58 =	vmul.f32 v5, v5  }
0x129: {  	s29 =	sadd.s32 $0x10, s29;
	v60 =	vmul.f32 v6, v6;
	v59 =	vmul.f32 v59, v59;
	v62 =	vsub.f32 v54, v17  }
0x12a: {  	v1 =	vsub.f32 v54, v20  }
0x12b: {  	v2 =	vsub.f32 v54, v24;
	v3 =	vmul.f32 v61, v61;
	v4 =	vsub.f32 v54, v27  }
0x12c: {  	v5 =	vmul.f32 v63, v63;
	v6 =	vsub.f32 v54, v32;
	v17 =	vsub.f32 v54, v34  }
0x12d: {  	v18 =	vsub.f32 v54, v35;
	v45 =	vmul.f32 v50, v50;
	v50 =	vmul.f32 v48, v48  }
0x12e: {  	v19 =	vsub.f32 v54, v37;
	v16 =	vmul.f32 v62, v62;
	v1 =	vmul.f32 v1, v1  }
0x12f: {  	v38 =	vlaneseq.u32;
	v2 =	vmul.f32 v2, v2;
	v4 =	vmul.f32 v4, v4  }
0x130: {  	vm0 =	veq.s32 v13, v38;
	v6 =	vmul.f32 v6, v6;
	v17 =	vmul.f32 v17, v17  }
0x131: {  	v18 =	vmul.f32 v18, v18;
	v16 =	vadd.f32 v16, v55;
	v1 =	vadd.f32 v1, v56  }
0x132: {  	v19 =	vmul.f32 v19, v19;
	v2 =	vadd.f32 v2, v57;
	v4 =	vadd.f32 v4, v58  }
0x133: {  	vm9 =	veq.s32 v12, v38;
	v6 =	vadd.f32 v6, v60;
	v17 =	vadd.f32 v17, v59  }
0x134: {  	vm10 =	veq.s32 v11, v38;
	v3 =	vadd.f32 v18, v3;
	v5 =	vadd.f32 v19, v5  }
0x135: {  	vm11 =	veq.s32 v10, v38;
	v16 =	vadd.f32 v49, v16;
	v1 =	vadd.f32 v51, v1  }
0x136: {  	v51 =	vmul.f32 v47, v47;
	v2 =	vadd.f32 v52, v2;
	v4 =	vadd.f32 v53, v4  }
0x137: {  	v52 =	vmul.f32 v46, v46;
	v53 =	vld [tilespmem:$0x1FFC0];
	v6 =	vadd.f32 v45, v6;
	v17 =	vadd.f32 v50, v17  }
0x138: {  	v23 =	vmin.f32 v28, v16;
	v54 =	vmin.f32 v40, v1;
	v3 =	vadd.f32 v51, v3  }
0x139: {  	v5 =	vadd.f32 v52, v5;
	v1 =	vmin.f32 v16, v1;
	v57 =	vmin.f32 v2, v4  }
0x13a: {  	s0 =	sshra.s32 s28, $0x2;
	v59 =	vmin.f32 v6, v17;
	v2 =	vmin.f32 v31, v2;
	v4 =	vmin.f32 v26, v4  }
0x13b: {  	v55 =	vld [tilespmem:s0+$0x1700];
	v6 =	vmin.f32 v22, v6;
	v17 =	vmin.f32 v21, v17;
	v1 =	vmin.f32 v1, v57  }
0x13c: {  	v60 =	vmin.f32 v3, v5;
	v3 =	vmin.f32 v15, v3;
	v25 =	vperm.xlane v23, v53  }
0x13d: {  	v58 =	vld [tilespmem:$0x1FFD0];
	v5 =	vmin.f32 v14, v5;
	v62 =	vperm.xlane v54, v53;
	v30 =	vperm.xlane v2, v53  }
0x13e: {  	v61 =	vmin.f32 v59, v60;
	v33 =	vperm.xlane v4, v53;
	v43 =	vperm.xlane v6, v53  }
0x13f: {  	v46 =	vperm.xlane v17, v53;
	v47 =	vperm.xlane v3, v53;
	v1 =	vmin.f32 v1, v61  }
0x140: {  	v63 =	vld [tilespmem:$0x1FFE0];
	v49 =	vperm.xlane v5, v53;
	v56 =	vmin.f32 v23, v25;
	v1 =	vmin.f32 v55, v1  }
0x141: {  	v18 =	vmin.f32 v54, v62;
	v2 =	vmin.f32 v2, v30;
	v4 =	vmin.f32 v4, v33  }
0x142: {  	v6 =	vmin.f32 v6, v43;
	v48 =	vmin.f32 v17, v46;
	v23 =	vperm.xlane v56, v58  }
0x143: {  	v31 =	vld [tilespmem:$0x1FFF0];
	v3 =	vmin.f32 v3, v47;
	v5 =	vmin.f32 v5, v49;
	v29 =	vperm.xlane v18, v58  }
0x144: {  	v35 =	vperm.xlane v2, v58;
	v37 =	vperm.xlane v4, v58;
	v20 =	vmin.f32 v56, v23  }
0x145: {  	[tilespmem:s0+$0x1700] =	vst v1;
	v45 =	vperm.xlane v6, v58;
	v18 =	vmin.f32 v18, v29;
	v25 =	vperm.xlane v20, v63  }
0x146: {  	v51 =	vperm.xlane v48, v58;
	v32 =	vld [tilespmem:s26+$0x1C00];
	v2 =	vmin.f32 v2, v35;
	v34 =	vperm.xlane v18, v63  }
0x147: {  	v4 =	vmin.f32 v4, v37;
	v40 =	vperm.xlane v2, v63;
	v16 =	vmin.f32 v20, v25  }
0x148: {  	v41 =	vperm.xlane v4, v63;
	v36 =	vmin.f32 v18, v34;
	v1 =	vperm.xlane v16, v31  }
0x149: {  	v53 =	vperm.xlane v5, v58;
	v2 =	vmin.f32 v2, v40;
	v39 =	vperm.xlane v36, v31  }
0x14a: {  	v4 =	vmin.f32 v4, v41;
	v42 =	vperm.xlane v2, v31;
	v1 =	vmin.f32 v16, v1  }
0x14b: {  	v44 =	vperm.xlane v4, v31;
	v13 =	vmin.f32 v36, v39;
	v1 =	vsel vm0, v1, v32  }
0x14c: {  	v6 =	vmin.f32 v6, v45;
	v2 =	vmin.f32 v2, v42;
	v1 =	vsel vm9, v13, v1  }
0x14d: {  	v62 =	vld [tilespmem:$0x1FFA0];
	v1 =	vsel vm10, v2, v1;
	v2 =	vmin.f32 v4, v44;
	v4 =	vperm.xlane v3, v58  }
0x14e: {  	vm12 =	veq.s32 v8, v38;
	v52 =	vmin.f32 v48, v51;
	v50 =	vperm.xlane v6, v63  }
0x14f: {  	v56 =	vmin.f32 v5, v53;
	v55 =	vperm.xlane v52, v63;
	v3 =	vmin.f32 v3, v4  }
0x150: {  	v6 =	vmin.f32 v6, v50;
	v1 =	vsel vm11, v2, v1;
	v2 =	vperm.xlane v3, v63  }
0x151: {  	v59 =	vperm.xlane v56, v63;
	v54 =	vperm.xlane v6, v31;
	v58 =	vmin.f32 v52, v55  }
0x152: {  	s25 =	sadd.s32 $0x1, s25;
	vm13 =	veq.s32 v62, v38;
	v60 =	vperm.xlane v58, v31;
	v2 =	vmin.f32 v3, v2  }
0x153: {  	p1 =	sne.s32 s25, $0x20;
	v57 =	vmin.f32 v6, v54;
	v4 =	vmin.f32 v56, v59;
	v3 =	vperm.xlane v2, v31  }
.Ltmp9:
0x154: {  	v1 =	vsel vm12, v57, v1;
	v61 =	vmin.f32 v58, v60;
	v63 =	vperm.xlane v4, v31;
	(pc) =	sbr.rel @p1 .LBB2_14-.Ltmp9, $4  }
0x155: {  	vm14 =	veq.s32 v7, v38;
	v1 =	vsel vm13, v61, v1;
	v2 =	vmin.f32 v2, v3  }
0x156: {  	vm15 =	veq.s32 v9, v38;
	v1 =	vsel vm14, v2, v1;
	v2 =	vmin.f32 v4, v63  }
0x157: {  	v1 =	vsel vm15, v2, v1  }
0x158: {  	[tilespmem:s26+$0x1C00] =	vst v1  }
0x159: {  	[hbm4b:s11+s16] =	stream.strided.scatter [tilespmem:s19], [sflag:$0x1], $0x100, s18, s16, $0x38;
	[tilespmem:$0x2A80] =	vst v63  }
0x15a: {  	_ =	swait.ge [sflag:s15], $0x100  }
0x15b: {  	[sflag:s15] =	ssyncset.done $0x0  }
0x15c: {  	[sflag:s15] =	ssyncadd.s32 $0xFFFFFF00  }
0x15d: {  	[spmem:s6] =	stream.strided.scatter [tilespmem:s20], [sflag:$0x1], $0x500, s17, s16, $0x38;
	[tilespmem:$0x2A80] =	vst v63  }
.Ltmp10:
0x15e: {  	_ =	swait.ge [sflag:s15], $0x500;
	(pc) =	sbr.rel @p0 .LBB2_21-.Ltmp10, $3  }
0x15f: {  	[sflag:s15] =	ssyncset.done $0x0  }
0x160: {  	[sflag:s15] =	ssyncadd.s32 $0xFFFFFB00  }
0x161: {  	[bflag:$0x0] =	sbarrier.arrive $0xFFFF;
	_ =	sdelay $0x1  }
0x162: {  	[tilespmem:s22], [sflag:$0x1] =	stream.strided.gather [spmem:s7], $0x800, s21, s17, $0x38;
	[tilespmem:$0x2A80] =	vst v63  }
0x163: {  	_ =	swait.ge [sflag:s15], $0x800  }
0x164: {  	[sflag:s15] =	ssyncset.done $0x0  }
0x165: {  	s25 =	simm.s32 $0x0;
	[sflag:s15] =	ssyncadd.s32 $0xFFFFF800  }
0x166: {  	v1 =	vld [tilespmem:s25+$0x1D00]  }
0x167: {  	v2 =	vld [tilespmem:s25+$0x1D80]  }
0x168: {  	v3 =	vld [tilespmem:s25+$0x1E00]  }
0x169: {  	v4 =	vld [tilespmem:s25+$0x1E80]  }
0x16a: {  	v5 =	vld [tilespmem:s25+$0x1F00]  }
0x16b: {  	v6 =	vld [tilespmem:s25+$0x1F80]  }
0x16c: {  	v1 =	vmin.f32 v1, v2;
	v2 =	vld [tilespmem:s25+$0x2000]  }
0x16d: {  	v1 =	vmin.f32 v1, v3;
	v3 =	vld [tilespmem:s25+$0x2080]  }
0x16e: {  	v1 =	vmin.f32 v1, v4;
	v4 =	vld [tilespmem:s25+$0x2100]  }
0x16f: {  	v1 =	vmin.f32 v1, v5;
	v5 =	vld [tilespmem:s25+$0x2180]  }
0x170: {  	v1 =	vmin.f32 v1, v6;
	v6 =	vld [tilespmem:s25+$0x2200]  }
0x171: {  	v1 =	vmin.f32 v1, v2;
	v2 =	vld [tilespmem:s25+$0x2280]  }
0x172: {  	v7 =	vld [tilespmem:s25+$0x2300];
	v1 =	vmin.f32 v1, v3  }
0x173: {  	v8 =	vld [tilespmem:s25+$0x2380];
	v1 =	vmin.f32 v1, v4  }
0x174: {  	v9 =	vld [tilespmem:s25+$0x2400];
	v1 =	vmin.f32 v1, v5  }
0x175: {  	s26 =	simm.s32 $0x10;
	v10 =	vld [tilespmem:s25+$0x2480];
	v1 =	vmin.f32 v1, v6  }
0x176: {  	s28 =	simm.s32 $0x80;
	v6 =	vld [tilespmem:s26+$0x1D00];
	v11 =	vmin.f32 v1, v2  }
.LBB2_19:
0x177: {  	p1 =	sne.s32 s28, $0x1C0;
	v1 =	vld [tilespmem:s26+$0x1D80];
	v2 =	vmin.f32 v11, v7  }
0x178: {  	v3 =	vld [tilespmem:s26+$0x1E00];
	v2 =	vmin.f32 v2, v8  }
0x179: {  	v4 =	vld [tilespmem:s26+$0x1E80];
	v2 =	vmin.f32 v2, v9  }
0x17a: {  	v5 =	vld [tilespmem:s26+$0x1F00];
	v2 =	vmin.f32 v2, v10  }
0x17b: {  	v7 =	vld [tilespmem:s26+$0x1F80];
	[tilespmem:s25+$0x2500] =	vst v2;
	s25 =	smov.u32 s26  }
0x17c: {  	v1 =	vmin.f32 v6, v1;
	v2 =	vld [tilespmem:s25+$0x2000]  }
0x17d: {  	v1 =	vmin.f32 v1, v3;
	v3 =	vld [tilespmem:s25+$0x2080]  }
0x17e: {  	v1 =	vmin.f32 v1, v4;
	v4 =	vld [tilespmem:s25+$0x2100]  }
0x17f: {  	v1 =	vmin.f32 v1, v5;
	v5 =	vld [tilespmem:s25+$0x2180]  }
0x180: {  	v1 =	vmin.f32 v1, v7;
	v6 =	vld [tilespmem:s25+$0x2200]  }
0x181: {  	v1 =	vmin.f32 v1, v2;
	v2 =	vld [tilespmem:s25+$0x2280]  }
.Ltmp11:
0x182: {  	v1 =	vmin.f32 v1, v3;
	v7 =	vld [tilespmem:s25+$0x2300];
	(pc) =	sbr.rel @p1 .LBB2_19-.Ltmp11, $4  }
0x183: {  	v1 =	vmin.f32 v1, v4;
	v8 =	vld [tilespmem:s25+$0x2380]  }
0x184: {  	v1 =	vmin.f32 v1, v5;
	v9 =	vld [tilespmem:s25+$0x2400]  }
0x185: {  	s26 =	sshra.s32 s28, $0x2;
	v1 =	vmin.f32 v1, v6;
	v10 =	vld [tilespmem:s25+$0x2480]  }
0x186: {  	s28 =	sadd.s32 $0x40, s28;
	v6 =	vld [tilespmem:s26+$0x1D00];
	v11 =	vmin.f32 v1, v2  }
0x187: {  	v1 =	vld [tilespmem:s26+$0x1D80];
	v2 =	vmin.f32 v11, v7  }
0x188: {  	v3 =	vld [tilespmem:s26+$0x1E00];
	v2 =	vmin.f32 v2, v8  }
0x189: {  	v4 =	vld [tilespmem:s26+$0x1E80];
	v2 =	vmin.f32 v2, v9  }
0x18a: {  	v5 =	vld [tilespmem:s26+$0x1F00];
	v2 =	vmin.f32 v2, v10  }
0x18b: {  	v57 =	vld [tilespmem:s26+$0x1F80];
	[tilespmem:s25+$0x2500] =	vst v2  }
0x18c: {  	v1 =	vmin.f32 v6, v1;
	v2 =	vld [tilespmem:s26+$0x2000]  }
0x18d: {  	v1 =	vmin.f32 v1, v3;
	v3 =	vld [tilespmem:s26+$0x2080]  }
0x18e: {  	v58 =	vld [tilespmem:s26+$0x2100];
	v1 =	vmin.f32 v1, v4  }
0x18f: {  	v59 =	vld [tilespmem:s26+$0x2180];
	v1 =	vmin.f32 v1, v5  }
0x190: {  	v60 =	vld [tilespmem:s26+$0x2200];
	v1 =	vmin.f32 v1, v57  }
0x191: {  	v1 =	vmin.f32 v1, v2;
	v2 =	vld [tilespmem:s26+$0x2280]  }
0x192: {  	v1 =	vmin.f32 v1, v3;
	v3 =	vld [tilespmem:s26+$0x2300]  }
0x193: {  	v61 =	vld [tilespmem:s26+$0x2380];
	v1 =	vmin.f32 v1, v58  }
0x194: {  	v62 =	vld [tilespmem:s26+$0x2400];
	v1 =	vmin.f32 v1, v59  }
0x195: {  	v63 =	vld [tilespmem:s26+$0x2480];
	v1 =	vmin.f32 v1, v60  }
0x196: {  	v1 =	vmin.f32 v1, v2  }
0x197: {  	v1 =	vmin.f32 v1, v3  }
0x198: {  	v1 =	vmin.f32 v1, v61  }
0x199: {  	v1 =	vmin.f32 v1, v62  }
0x19a: {  	v1 =	vmin.f32 v1, v63  }
.Ltmp12:
0x19b: {  	[tilespmem:s26+$0x2500] =	vst v1;
	(pc) =	sbr.rel .LBB2_21-.Ltmp12, $4  }
0x19c: {  	[hbm4b:s12+s2] =	stream.linear.scatter [tilespmem:s23], [sflag:$0x1], $0x80, $0x38;
	[tilespmem:$0x2A80] =	vst v63  }
0x19d: {  	_ =	swait.ge [sflag:s15], $0x80  }
0x19e: {  	[sflag:s15] =	ssyncset.done $0x0  }
0x19f: {  	[sflag:s15] =	ssyncadd.s32 $0xFFFFFF80  }
.LBB2_22:
0x1a0: {  	_ =	sfence.sel $0x180000  }
0x1a1: {  	[bflag:$0x0] =	sbarrier.arrive $0xFFFF  }
0x1a2: {  	_ =	strace $0x90000047  }
0x1a3: {  	s0 =	stileid.u32;
	[bflag:$0x2] =	sbarrier.arrive $0xFFFF  }
0x1a4: {  	p0 =	sne.s32 s0, $0x0;
	s0 =	rddreg [dreg:$0x3]  }
0x1a5: {  	s0 =	sadd.s32 @!p0 $0x100000, s0  }
0x1a6: {  	[sflag:s0] =	ssyncadd.tile.s32 @!p0 $0x1;
	_ =	shalt  }
.Lfunc_end2:
_tile_overlayer_lowered:
.L_overlay_start_2:
0x1a7: {  	(tag) =	ssettag $0x2  }
0x1a8: {  	s0 =	rddreg [dreg:$0x0];
	s2 =	stileid.u32  }
0x1a9: {  	s1 =	rddreg [dreg:$0x1];
	p0 =	sne.s32 s2, $0x0  }
0x1aa: {  	s3 =	rddreg [dreg:$0x2];
	[bflag:$0x3] =	sbarrier.arrive $0xFFFF;
	s2 =	simm.s32 @!p0 $0x1C01  }
0x1ab: {  	[timem:s3], [sflag:s2] =	dma.local @!p0 [hbm:s0], s1  }
0x1ac: {  	s0 =	simm.s32 @!p0 $0x1  }
0x1ad: {  	_ =	swait.ge @!p0 [sflag:s0], s1  }
0x1ae: {  	s1 =	ssub.s32 @!p0 $0x0, s1;
	[sflag:s0] =	ssyncset.done @!p0 $0x0  }
0x1af: {  	[sflag:s0] =	ssyncadd.s32 @!p0 s1  }
0x1b0: {  	[bflag:$0x3] =	sbarrier.arrive $0xFFFF  }
0x1b1: {  	_ =	shalt  }

</sc_bundles>
